<compile_context>
chip_gen: v7x
topology: tpu7x:2x2x1
jax: 0.10.2.dev20260603
libtpu: 0.0.44.dev20260713+nightly
codegen_flags: <defaults>
</compile_context>

<pallas_src>
import dataclasses
import functools
from math import gcd as _gcd

import jax
import jax.numpy as jnp
from jax import lax
from jax.experimental import pallas as pl
from jax.experimental.pallas import tpu as pltpu
from jax.experimental.pallas import tpu_sc as plsc

_CHUNK = 80
_NTILES = 32
_SUBCORES = 16
_LANES = 16


def _sc_edge_aggregate(table, src, dst, npad, n, with_deg, chunk, nbuf, nib):
    v, width = table.shape
    e = src.shape[0]
    ncr = -(-e // chunk)
    niter = -(-ncr // _NTILES)
    if ncr * chunk > e:
        pad = ncr * chunk - e
        src = jnp.concatenate([src, jnp.zeros((pad,), jnp.int32)])
        dst = jnp.concatenate([dst, jnp.full((pad,), n + 8, jnp.int32)])
    rows_per_tile = npad // _SUBCORES

    mesh = plsc.VectorSubcoreMesh(core_axis_name="c", subcore_axis_name="s")

    out_type = [jax.ShapeDtypeStruct((2 * npad, width), jnp.float32)]
    scratch = [pltpu.VMEM((chunk,), jnp.int32)] * (2 * nib)
    scratch += [pltpu.VMEM((chunk, width), jnp.float32)] * nbuf
    scratch += [
        pltpu.VMEM_SHARED((npad, width), jnp.float32),
    ]
    scratch += [pltpu.SemaphoreType.DMA] * (nbuf + nib + nbuf)
    if with_deg:
        out_type.append(jax.ShapeDtypeStruct((_NTILES, npad), jnp.float32))
        scratch.append(pltpu.VMEM((npad,), jnp.float32))

    cp = pltpu.CompilerParams()
    if "needs_layout_passes" in pltpu.CompilerParams.__dataclass_fields__:
        cp = dataclasses.replace(cp, needs_layout_passes=False)

    @functools.partial(pl.kernel, out_type=out_type, mesh=mesh,
                       scratch_types=scratch, compiler_params=cp)
    def agg_kernel(table_hbm, src_hbm, dst_hbm, *refs):
        if with_deg:
            out_hbm, deg_hbm = refs[0], refs[1]
            rest = refs[2:-1]
            ldeg = refs[-1]
        else:
            out_hbm = refs[0]
            rest = refs[1:]
        sidx = rest[0:nib]
        didx = rest[nib:2 * nib]
        rows = rest[2 * nib:2 * nib + nbuf]
        shared = rest[2 * nib + nbuf]
        sems = rest[2 * nib + nbuf + 1:]
        semg = sems[0:nbuf]
        semi = sems[nbuf:nbuf + nib]
        semsc = sems[nbuf + nib:]
        cid = lax.axis_index("c")
        sid = lax.axis_index("s")
        wid = sid * 2 + cid
        cbase = wid * niter * chunk

        def idx_copies(j, q):
            base = cbase + j * chunk
            return (pltpu.make_async_copy(src_hbm.at[pl.ds(base, chunk)],
                                          sidx[q], semi[q]),
                    pltpu.make_async_copy(dst_hbm.at[pl.ds(base, chunk)],
                                          didx[q], semi[q]))

        def gather(q, b):
            return pltpu.make_async_copy(table_hbm.at[sidx[q]],
                                         rows[b], semg[b])

        def scatter(q, b):
            return pltpu.make_async_copy(rows[b], shared.at[didx[q]],
                                         semsc[b])

        myreal = jnp.clip(ncr - wid * niter, 0, niter)

        for q in range(nib - 1):
            @pl.when(q < myreal)
            def _():
                for c in idx_copies(q, q):
                    c.start()

        zv = jnp.zeros((_LANES,), jnp.float32)

        @pl.loop(0, chunk)
        def _(i):
            for k in range(width // _LANES):
                rows[0][i, pl.ds(k * _LANES, _LANES)] = zv

        base_r = sid * rows_per_tile
        for f in range(rows_per_tile // chunk):
            pltpu.sync_copy(rows[0],
                            shared.at[pl.ds(base_r + f * chunk, chunk)])
        rem = rows_per_tile % chunk
        if rem:
            pltpu.sync_copy(
                rows[0].at[pl.ds(0, rem)],
                shared.at[pl.ds(base_r + rows_per_tile - rem, rem)])
        if with_deg:
            @pl.loop(0, npad // _LANES)
            def _(i):
                ldeg[pl.ds(i * _LANES, _LANES)] = zv

        plsc.subcore_barrier()

        for js in range(nbuf - 1):
            @pl.when(js < myreal)
            def _():
                for c in idx_copies(js, js):
                    c.wait()
                gather(js, js).start()

        ones = jnp.ones((_LANES,), jnp.float32)
        unroll = nib * nbuf // _gcd(nib, nbuf)

        @pl.loop(0, -(-niter // unroll))
        def _(jj):
            for u in range(unroll):
                j = jj * unroll + u
                q = u % nib
                r = u % nbuf

                @pl.when(j < myreal)
                def _():
                    gather(q, r).wait()
                    scatter(q, r).start(add=True)
                    if with_deg:
                        for k in range(chunk // _LANES):
                            idxv = didx[q][pl.ds(k * _LANES, _LANES)]
                            plsc.addupdate_scatter(ldeg, [idxv], ones)

                    @pl.when(j + nbuf - 1 < myreal)
                    def _():
                        for c in idx_copies(j + nbuf - 1,
                                            (q + nbuf - 1) % nib):
                            c.wait()

                        @pl.when(j >= 1)
                        def _():
                            scatter((q + nib - 1) % nib,
                                    (q + nbuf - 1) % nbuf).wait()

                        gather((q + nbuf - 1) % nib,
                               (q + nbuf - 1) % nbuf).start()

                        @pl.when(j + nib - 1 < myreal)
                        def _():
                            for c in idx_copies(j + nib - 1,
                                                (q + nib - 1) % nib):
                                c.start()

        for s in range(nbuf):
            @pl.when(myreal > s)
            def _():
                scatter(0, s).wait()

        plsc.subcore_barrier()
        pltpu.sync_copy(shared.at[pl.ds(base_r, rows_per_tile)],
                        out_hbm.at[pl.ds(cid * npad + base_r, rows_per_tile)])
        if with_deg:
            pltpu.sync_copy(ldeg, deg_hbm.at[wid])

    return agg_kernel(table, src, dst)


def _tc_split_body(ei_ref, src_ref, dst_ref):
    src_ref[...] = ei_ref[0, :]
    dst_ref[...] = ei_ref[1, :]


def _tc_layer1_body(pa_ref, dp_ref, w_ref, b_ref, h_ref, dinv_ref):
    npad = pa_ref.shape[0] // 2
    s = pa_ref[:npad, :] + pa_ref[npad:, :]
    ones = jnp.ones((_NTILES, 1), jnp.float32)
    deg = lax.dot_general(dp_ref[...], ones, (((0,), (0,)), ((), ())),
                          preferred_element_type=jnp.float32)
    dinv = 1.0 / jnp.maximum(deg, 1.0)
    dinv_ref[...] = dinv
    z = jnp.dot(s * dinv, w_ref[...], preferred_element_type=jnp.float32)
    h_ref[...] = jnp.maximum(z + b_ref[...], 0.0)


def _tc_layer2_body(pb_ref, dinv_ref, batch_ref, w_ref, b_ref, wo_ref, bo_ref,
                    out_ref, *, num_graphs):
    npad = pb_ref.shape[0] // 2
    s = pb_ref[:npad, :] + pb_ref[npad:, :]
    h = jnp.maximum(
        jnp.dot(s * dinv_ref[...], w_ref[...],
                preferred_element_type=jnp.float32) + b_ref[...], 0.0)
    npd = batch_ref.shape[0]
    b = batch_ref[...].reshape(1, npd)
    gids = lax.broadcasted_iota(jnp.int32, (num_graphs, 1), 0)
    pt = (b == gids).astype(jnp.float32)
    counts = jnp.maximum(jnp.sum(pt, axis=1, keepdims=True), 1.0)
    hg = jnp.dot(pt, h, preferred_element_type=jnp.float32) / counts
    out_ref[...] = jnp.dot(hg, wo_ref[...],
                           preferred_element_type=jnp.float32) + bo_ref[...]


def kernel(x, edge_index, batch, W1, b1, W2, b2, Wout, bout):
    n, d = x.shape
    num_graphs = 64
    npad = ((n + _NTILES * 8 - 1) // (_NTILES * 8)) * (_NTILES * 8)

    e = edge_index.shape[1]
    src, dst = pl.pallas_call(
        _tc_split_body,
        out_shape=[jax.ShapeDtypeStruct((e,), jnp.int32),
                   jax.ShapeDtypeStruct((e,), jnp.int32)],
    )(edge_index)

    pa, dp = _sc_edge_aggregate(x, src, dst, npad, n, with_deg=True,
                                chunk=80, nbuf=3, nib=6)
    h1, dinv = pl.pallas_call(
        _tc_layer1_body,
        out_shape=[jax.ShapeDtypeStruct((npad, 128), jnp.float32),
                   jax.ShapeDtypeStruct((npad, 1), jnp.float32)],
    )(pa, dp, W1, b1)

    (pb,) = _sc_edge_aggregate(h1, src, dst, npad, n, with_deg=False,
                               chunk=80, nbuf=3, nib=6)

    batch_p = jnp.concatenate(
        [batch, jnp.full((npad - n,), num_graphs, jnp.int32)])
    out = pl.pallas_call(
        functools.partial(_tc_layer2_body, num_graphs=num_graphs),
        out_shape=jax.ShapeDtypeStruct((num_graphs, 128), jnp.float32),
    )(pb, dinv, batch_p, W2, b2, Wout, bout)
    return out

# --- scband reference (transcript-rebuilt; emitter-appended) ---
"""Pipeline reference for scband-gnn-66924180406876 (READ-ONLY COPY).

The authoritative reference and input builder live on the scoring server;
editing this copy changes nothing except your own understanding.
"""

import jax, jax.numpy as jnp
import numpy as np

N = 10000
E = 320000
D = 128
H = 128
OUT = 128
G = 64


def setup_inputs(seed: int = 0) -> dict:
    key = jax.random.key(seed)
    ks = jax.random.split(key, 10)
    x = jax.random.normal(ks[0], (N, D), dtype=jnp.float32)
    edge_index = jax.random.randint(ks[1], (2, E), 0, N, dtype=jnp.int32)
    batch = jnp.sort(jax.random.randint(ks[2], (N,), 0, G, dtype=jnp.int32))
    # learned parameters: two message-passing layers (GNN_node) + graph_pred_linear
    W1 = jax.random.normal(ks[3], (D, H), dtype=jnp.float32) * 0.05
    b1 = jnp.zeros((H,), dtype=jnp.float32)
    W2 = jax.random.normal(ks[4], (H, H), dtype=jnp.float32) * 0.05
    b2 = jnp.zeros((H,), dtype=jnp.float32)
    Wout = jax.random.normal(ks[5], (H, OUT), dtype=jnp.float32) * 0.05
    bout = jnp.zeros((OUT,), dtype=jnp.float32)
    return {"x": x, "edge_index": edge_index, "batch": batch,
            "W1": W1, "b1": b1, "W2": W2, "b2": b2, "Wout": Wout, "bout": bout}


def reference(x, edge_index, batch, W1, b1, W2, b2, Wout, bout):
    src = edge_index[0]
    dst = edge_index[1]
    # in-degree normalization (mean aggregation)
    deg = jax.ops.segment_sum(jnp.ones((E,), dtype=jnp.float32), dst, num_segments=N)
    deg = jnp.maximum(deg, 1.0)

    # GNN_node layer 1: gather -> scatter-add -> mean-normalize -> linear -> relu
    msg = jnp.take(x, src, axis=0)
    agg = jax.ops.segment_sum(msg, dst, num_segments=N)
    agg = agg / deg[:, None]
    h = jax.nn.relu(agg @ W1 + b1)

    # GNN_node layer 2
    msg = jnp.take(h, src, axis=0)
    agg = jax.ops.segment_sum(msg, dst, num_segments=N)
    agg = agg / deg[:, None]
    h = jax.nn.relu(agg @ W2 + b2)

    # global_mean_pool over batch indicator
    counts = jax.ops.segment_sum(jnp.ones((N,), dtype=jnp.float32), batch, num_segments=G)
    counts = jnp.maximum(counts, 1.0)
    h_graph = jax.ops.segment_sum(h, batch, num_segments=G) / counts[:, None]

    # graph_pred_linear
    return h_graph @ Wout + bout

if __name__ == "__main__":
    import jax
    _d = setup_inputs()
    print(jax.jit(kernel)(*tuple(_d.values())))

</pallas_src>

<mosaic_0001>
#map = affine_map<(d0, d1) -> (0, 0)>
#map1 = affine_map<(d0, d1) -> (0)>
module attributes {stable_mosaic.version = 14 : i64} {
  func.func @agg_kernel(%arg0: i32, %arg1: i32, %arg2: memref<10000x128xf32, #tpu.memory_space<hbm>>, %arg3: memref<320000xi32, #tpu.memory_space<hbm>>, %arg4: memref<320000xi32, #tpu.memory_space<hbm>>, %arg5: memref<20480x128xf32, #tpu.memory_space<hbm>>, %arg6: memref<32x10240xf32, #tpu.memory_space<hbm>>, %arg7: memref<80xi32, #tpu.memory_space<vmem>>, %arg8: memref<80xi32, #tpu.memory_space<vmem>>, %arg9: memref<80xi32, #tpu.memory_space<vmem>>, %arg10: memref<80xi32, #tpu.memory_space<vmem>>, %arg11: memref<80xi32, #tpu.memory_space<vmem>>, %arg12: memref<80xi32, #tpu.memory_space<vmem>>, %arg13: memref<80xi32, #tpu.memory_space<vmem>>, %arg14: memref<80xi32, #tpu.memory_space<vmem>>, %arg15: memref<80xi32, #tpu.memory_space<vmem>>, %arg16: memref<80xi32, #tpu.memory_space<vmem>>, %arg17: memref<80xi32, #tpu.memory_space<vmem>>, %arg18: memref<80xi32, #tpu.memory_space<vmem>>, %arg19: memref<80x128xf32, #tpu.memory_space<vmem>>, %arg20: memref<80x128xf32, #tpu.memory_space<vmem>>, %arg21: memref<80x128xf32, #tpu.memory_space<vmem>>, %arg22: memref<10240x128xf32, #tpu.memory_space<vmem_shared>>, %arg23: memref<!tpu.dma_semaphore, #tpu.memory_space<semaphore_mem>>, %arg24: memref<!tpu.dma_semaphore, #tpu.memory_space<semaphore_mem>>, %arg25: memref<!tpu.dma_semaphore, #tpu.memory_space<semaphore_mem>>, %arg26: memref<!tpu.dma_semaphore, #tpu.memory_space<semaphore_mem>>, %arg27: memref<!tpu.dma_semaphore, #tpu.memory_space<semaphore_mem>>, %arg28: memref<!tpu.dma_semaphore, #tpu.memory_space<semaphore_mem>>, %arg29: memref<!tpu.dma_semaphore, #tpu.memory_space<semaphore_mem>>, %arg30: memref<!tpu.dma_semaphore, #tpu.memory_space<semaphore_mem>>, %arg31: memref<!tpu.dma_semaphore, #tpu.memory_space<semaphore_mem>>, %arg32: memref<!tpu.dma_semaphore, #tpu.memory_space<semaphore_mem>>, %arg33: memref<!tpu.dma_semaphore, #tpu.memory_space<semaphore_mem>>, %arg34: memref<!tpu.dma_semaphore, #tpu.memory_space<semaphore_mem>>, %arg35: memref<10240xf32, #tpu.memory_space<vmem>>) attributes {dimension_semantics = [#tpu.dimension_semantics<core_parallel>, #tpu.dimension_semantics<subcore_parallel>], iteration_bounds = array<i64: 2, 16>, scalar_prefetch = 0 : i64, scratch_operands = 29 : i64, tpu.core_type = #tpu.core_type<sc_vector_subcore>, window_params = [{transform_indices = #map}, {transform_indices = #map1}, {transform_indices = #map1}, {transform_indices = #map}, {transform_indices = #map}]} {
    %mul3A = arith.constant 2 : i32
    %mul3A_0 = arith.muli %arg1, %mul3A : i32
    %add3A = arith.addi %mul3A_0, %arg0 : i32
    %mul3A_1 = arith.constant 125 : i32
    %mul3A_2 = arith.muli %add3A, %mul3A_1 : i32
    %mul3A_3 = arith.constant 80 : i32
    %mul3A_4 = arith.muli %mul3A_2, %mul3A_3 : i32
    %mul3A_5 = arith.constant 125 : i32
    %mul3A_6 = arith.muli %add3A, %mul3A_5 : i32
    %sub3A = arith.constant 4000 : i32
    %sub3A_7 = arith.subi %sub3A, %mul3A_6 : i32
    %jit3A = arith.constant 0 : i32
    %jit3A_8 = arith.constant 125 : i32
    %max3A = arith.maxsi %jit3A, %sub3A_7 : i32
    %min3A = arith.minsi %jit3A_8, %max3A : i32
    %gt3A = arith.constant 0 : i32
    %gt3A_9 = arith.cmpi sgt, %min3A, %gt3A : i32
    %convert_element_type3A = arith.extui %gt3A_9 : i1 to i32
    %cond3A = arith.constant 0 : i32
    %cond3A_10 = arith.cmpi ne, %convert_element_type3A, %cond3A : i32
    scf.if %cond3A_10 {
      %add3A_95 = arith.constant 0 : i32
      %add3A_96 = arith.addi %mul3A_4, %add3A_95 : i32
      %dma_start3A = tpu.memref_slice %arg3[%add3A_96] : memref<320000xi32, #tpu.memory_space<hbm>> -> memref<80xi32, #tpu.memory_space<hbm>>
      %dma_start3A_97 = tpu.memref_slice %arg3[%add3A_96] : memref<320000xi32, #tpu.memory_space<hbm>> -> memref<80xi32, #tpu.memory_space<hbm>>
      tpu.enqueue_dma source(%dma_start3A_97 : memref<80xi32, #tpu.memory_space<hbm>>) target(%arg7 : memref<80xi32, #tpu.memory_space<vmem>>) target_semaphore(%arg26 : memref<!tpu.dma_semaphore, #tpu.memory_space<semaphore_mem>>)
      %dma_start3A_98 = tpu.memref_slice %arg4[%add3A_96] : memref<320000xi32, #tpu.memory_space<hbm>> -> memref<80xi32, #tpu.memory_space<hbm>>
      %dma_start3A_99 = tpu.memref_slice %arg4[%add3A_96] : memref<320000xi32, #tpu.memory_space<hbm>> -> memref<80xi32, #tpu.memory_space<hbm>>
      tpu.enqueue_dma source(%dma_start3A_99 : memref<80xi32, #tpu.memory_space<hbm>>) target(%arg13 : memref<80xi32, #tpu.memory_space<vmem>>) target_semaphore(%arg26 : memref<!tpu.dma_semaphore, #tpu.memory_space<semaphore_mem>>)
    } else {
    }
    %gt3A_11 = arith.constant 1 : i32
    %gt3A_12 = arith.cmpi sgt, %min3A, %gt3A_11 : i32
    %convert_element_type3A_13 = arith.extui %gt3A_12 : i1 to i32
    %cond3A_14 = arith.constant 0 : i32
    %cond3A_15 = arith.cmpi ne, %convert_element_type3A_13, %cond3A_14 : i32
    scf.if %cond3A_15 {
      %add3A_95 = arith.constant 80 : i32
      %add3A_96 = arith.addi %mul3A_4, %add3A_95 : i32
      %dma_start3A = tpu.memref_slice %arg3[%add3A_96] : memref<320000xi32, #tpu.memory_space<hbm>> -> memref<80xi32, #tpu.memory_space<hbm>>
      %dma_start3A_97 = tpu.memref_slice %arg3[%add3A_96] : memref<320000xi32, #tpu.memory_space<hbm>> -> memref<80xi32, #tpu.memory_space<hbm>>
      tpu.enqueue_dma source(%dma_start3A_97 : memref<80xi32, #tpu.memory_space<hbm>>) target(%arg8 : memref<80xi32, #tpu.memory_space<vmem>>) target_semaphore(%arg27 : memref<!tpu.dma_semaphore, #tpu.memory_space<semaphore_mem>>)
      %dma_start3A_98 = tpu.memref_slice %arg4[%add3A_96] : memref<320000xi32, #tpu.memory_space<hbm>> -> memref<80xi32, #tpu.memory_space<hbm>>
      %dma_start3A_99 = tpu.memref_slice %arg4[%add3A_96] : memref<320000xi32, #tpu.memory_space<hbm>> -> memref<80xi32, #tpu.memory_space<hbm>>
      tpu.enqueue_dma source(%dma_start3A_99 : memref<80xi32, #tpu.memory_space<hbm>>) target(%arg14 : memref<80xi32, #tpu.memory_space<vmem>>) target_semaphore(%arg27 : memref<!tpu.dma_semaphore, #tpu.memory_space<semaphore_mem>>)
    } else {
    }
    %gt3A_16 = arith.constant 2 : i32
    %gt3A_17 = arith.cmpi sgt, %min3A, %gt3A_16 : i32
    %convert_element_type3A_18 = arith.extui %gt3A_17 : i1 to i32
    %cond3A_19 = arith.constant 0 : i32
    %cond3A_20 = arith.cmpi ne, %convert_element_type3A_18, %cond3A_19 : i32
    scf.if %cond3A_20 {
      %add3A_95 = arith.constant 160 : i32
      %add3A_96 = arith.addi %mul3A_4, %add3A_95 : i32
      %dma_start3A = tpu.memref_slice %arg3[%add3A_96] : memref<320000xi32, #tpu.memory_space<hbm>> -> memref<80xi32, #tpu.memory_space<hbm>>
      %dma_start3A_97 = tpu.memref_slice %arg3[%add3A_96] : memref<320000xi32, #tpu.memory_space<hbm>> -> memref<80xi32, #tpu.memory_space<hbm>>
      tpu.enqueue_dma source(%dma_start3A_97 : memref<80xi32, #tpu.memory_space<hbm>>) target(%arg9 : memref<80xi32, #tpu.memory_space<vmem>>) target_semaphore(%arg28 : memref<!tpu.dma_semaphore, #tpu.memory_space<semaphore_mem>>)
      %dma_start3A_98 = tpu.memref_slice %arg4[%add3A_96] : memref<320000xi32, #tpu.memory_space<hbm>> -> memref<80xi32, #tpu.memory_space<hbm>>
      %dma_start3A_99 = tpu.memref_slice %arg4[%add3A_96] : memref<320000xi32, #tpu.memory_space<hbm>> -> memref<80xi32, #tpu.memory_space<hbm>>
      tpu.enqueue_dma source(%dma_start3A_99 : memref<80xi32, #tpu.memory_space<hbm>>) target(%arg15 : memref<80xi32, #tpu.memory_space<vmem>>) target_semaphore(%arg28 : memref<!tpu.dma_semaphore, #tpu.memory_space<semaphore_mem>>)
    } else {
    }
    %gt3A_21 = arith.constant 3 : i32
    %gt3A_22 = arith.cmpi sgt, %min3A, %gt3A_21 : i32
    %convert_element_type3A_23 = arith.extui %gt3A_22 : i1 to i32
    %cond3A_24 = arith.constant 0 : i32
    %cond3A_25 = arith.cmpi ne, %convert_element_type3A_23, %cond3A_24 : i32
    scf.if %cond3A_25 {
      %add3A_95 = arith.constant 240 : i32
      %add3A_96 = arith.addi %mul3A_4, %add3A_95 : i32
      %dma_start3A = tpu.memref_slice %arg3[%add3A_96] : memref<320000xi32, #tpu.memory_space<hbm>> -> memref<80xi32, #tpu.memory_space<hbm>>
      %dma_start3A_97 = tpu.memref_slice %arg3[%add3A_96] : memref<320000xi32, #tpu.memory_space<hbm>> -> memref<80xi32, #tpu.memory_space<hbm>>
      tpu.enqueue_dma source(%dma_start3A_97 : memref<80xi32, #tpu.memory_space<hbm>>) target(%arg10 : memref<80xi32, #tpu.memory_space<vmem>>) target_semaphore(%arg29 : memref<!tpu.dma_semaphore, #tpu.memory_space<semaphore_mem>>)
      %dma_start3A_98 = tpu.memref_slice %arg4[%add3A_96] : memref<320000xi32, #tpu.memory_space<hbm>> -> memref<80xi32, #tpu.memory_space<hbm>>
      %dma_start3A_99 = tpu.memref_slice %arg4[%add3A_96] : memref<320000xi32, #tpu.memory_space<hbm>> -> memref<80xi32, #tpu.memory_space<hbm>>
      tpu.enqueue_dma source(%dma_start3A_99 : memref<80xi32, #tpu.memory_space<hbm>>) target(%arg16 : memref<80xi32, #tpu.memory_space<vmem>>) target_semaphore(%arg29 : memref<!tpu.dma_semaphore, #tpu.memory_space<semaphore_mem>>)
    } else {
    }
    %gt3A_26 = arith.constant 4 : i32
    %gt3A_27 = arith.cmpi sgt, %min3A, %gt3A_26 : i32
    %convert_element_type3A_28 = arith.extui %gt3A_27 : i1 to i32
    %cond3A_29 = arith.constant 0 : i32
    %cond3A_30 = arith.cmpi ne, %convert_element_type3A_28, %cond3A_29 : i32
    scf.if %cond3A_30 {
      %add3A_95 = arith.constant 320 : i32
      %add3A_96 = arith.addi %mul3A_4, %add3A_95 : i32
      %dma_start3A = tpu.memref_slice %arg3[%add3A_96] : memref<320000xi32, #tpu.memory_space<hbm>> -> memref<80xi32, #tpu.memory_space<hbm>>
      %dma_start3A_97 = tpu.memref_slice %arg3[%add3A_96] : memref<320000xi32, #tpu.memory_space<hbm>> -> memref<80xi32, #tpu.memory_space<hbm>>
      tpu.enqueue_dma source(%dma_start3A_97 : memref<80xi32, #tpu.memory_space<hbm>>) target(%arg11 : memref<80xi32, #tpu.memory_space<vmem>>) target_semaphore(%arg30 : memref<!tpu.dma_semaphore, #tpu.memory_space<semaphore_mem>>)
      %dma_start3A_98 = tpu.memref_slice %arg4[%add3A_96] : memref<320000xi32, #tpu.memory_space<hbm>> -> memref<80xi32, #tpu.memory_space<hbm>>
      %dma_start3A_99 = tpu.memref_slice %arg4[%add3A_96] : memref<320000xi32, #tpu.memory_space<hbm>> -> memref<80xi32, #tpu.memory_space<hbm>>
      tpu.enqueue_dma source(%dma_start3A_99 : memref<80xi32, #tpu.memory_space<hbm>>) target(%arg17 : memref<80xi32, #tpu.memory_space<vmem>>) target_semaphore(%arg30 : memref<!tpu.dma_semaphore, #tpu.memory_space<semaphore_mem>>)
    } else {
    }
    %broadcast_in_dim3A = arith.constant 0.000000e+00 : f32
    %broadcast_in_dim3A_31 = vector.broadcast %broadcast_in_dim3A : f32 to vector<16xf32>
    %scan3A = arith.constant 0 : i32
    %scan3A_32 = arith.constant 80 : i32
    %scan3A_33 = arith.addi %scan3A, %scan3A_32 : i32
    %scan3A_34 = arith.constant 1 : i32
    scf.for %scan3A_95 = %scan3A to %scan3A_33 step %scan3A_34  : i32 {
      %mul3A_96 = arith.constant 1 : i32
      %mul3A_97 = arith.muli %scan3A_95, %mul3A_96 : i32
      %add3A_98 = arith.constant 0 : i32
      %add3A_99 = arith.addi %add3A_98, %mul3A_97 : i32
      %swap3A = arith.index_cast %add3A_99 : i32 to index
      %swap3A_100 = arith.constant 0 : index
      %swap3A_101 = tpu.vector_load %arg19[%swap3A, %swap3A_100] {strides = array<i32>} : memref<80x128xf32, #tpu.memory_space<vmem>>, vector<16xf32>,
      tpu.vector_store %arg19[%swap3A, %swap3A_100], %broadcast_in_dim3A_31 {strides = array<i32>} : memref<80x128xf32, #tpu.memory_space<vmem>>, vector<16xf32>,
      %swap3A_102 = arith.index_cast %add3A_99 : i32 to index
      %swap3A_103 = arith.constant 16 : index
      %swap3A_104 = tpu.vector_load %arg19[%swap3A_102, %swap3A_103] {strides = array<i32>} : memref<80x128xf32, #tpu.memory_space<vmem>>, vector<16xf32>,
      tpu.vector_store %arg19[%swap3A_102, %swap3A_103], %broadcast_in_dim3A_31 {strides = array<i32>} : memref<80x128xf32, #tpu.memory_space<vmem>>, vector<16xf32>,
      %swap3A_105 = arith.index_cast %add3A_99 : i32 to index
      %swap3A_106 = arith.constant 32 : index
      %swap3A_107 = tpu.vector_load %arg19[%swap3A_105, %swap3A_106] {strides = array<i32>} : memref<80x128xf32, #tpu.memory_space<vmem>>, vector<16xf32>,
      tpu.vector_store %arg19[%swap3A_105, %swap3A_106], %broadcast_in_dim3A_31 {strides = array<i32>} : memref<80x128xf32, #tpu.memory_space<vmem>>, vector<16xf32>,
      %swap3A_108 = arith.index_cast %add3A_99 : i32 to index
      %swap3A_109 = arith.constant 48 : index
      %swap3A_110 = tpu.vector_load %arg19[%swap3A_108, %swap3A_109] {strides = array<i32>} : memref<80x128xf32, #tpu.memory_space<vmem>>, vector<16xf32>,
      tpu.vector_store %arg19[%swap3A_108, %swap3A_109], %broadcast_in_dim3A_31 {strides = array<i32>} : memref<80x128xf32, #tpu.memory_space<vmem>>, vector<16xf32>,
      %swap3A_111 = arith.index_cast %add3A_99 : i32 to index
      %swap3A_112 = arith.constant 64 : index
      %swap3A_113 = tpu.vector_load %arg19[%swap3A_111, %swap3A_112] {strides = array<i32>} : memref<80x128xf32, #tpu.memory_space<vmem>>, vector<16xf32>,
      tpu.vector_store %arg19[%swap3A_111, %swap3A_112], %broadcast_in_dim3A_31 {strides = array<i32>} : memref<80x128xf32, #tpu.memory_space<vmem>>, vector<16xf32>,
      %swap3A_114 = arith.index_cast %add3A_99 : i32 to index
      %swap3A_115 = arith.constant 80 : index
      %swap3A_116 = tpu.vector_load %arg19[%swap3A_114, %swap3A_115] {strides = array<i32>} : memref<80x128xf32, #tpu.memory_space<vmem>>, vector<16xf32>,
      tpu.vector_store %arg19[%swap3A_114, %swap3A_115], %broadcast_in_dim3A_31 {strides = array<i32>} : memref<80x128xf32, #tpu.memory_space<vmem>>, vector<16xf32>,
      %swap3A_117 = arith.index_cast %add3A_99 : i32 to index
      %swap3A_118 = arith.constant 96 : index
      %swap3A_119 = tpu.vector_load %arg19[%swap3A_117, %swap3A_118] {strides = array<i32>} : memref<80x128xf32, #tpu.memory_space<vmem>>, vector<16xf32>,
      tpu.vector_store %arg19[%swap3A_117, %swap3A_118], %broadcast_in_dim3A_31 {strides = array<i32>} : memref<80x128xf32, #tpu.memory_space<vmem>>, vector<16xf32>,
      %swap3A_120 = arith.index_cast %add3A_99 : i32 to index
      %swap3A_121 = arith.constant 112 : index
      %swap3A_122 = tpu.vector_load %arg19[%swap3A_120, %swap3A_121] {strides = array<i32>} : memref<80x128xf32, #tpu.memory_space<vmem>>, vector<16xf32>,
      tpu.vector_store %arg19[%swap3A_120, %swap3A_121], %broadcast_in_dim3A_31 {strides = array<i32>} : memref<80x128xf32, #tpu.memory_space<vmem>>, vector<16xf32>,
    }
    %scan3A_35 = arith.constant 80 : i32
    %mul3A_36 = arith.constant 640 : i32
    %mul3A_37 = arith.muli %arg1, %mul3A_36 : i32
    %add3A_38 = arith.constant 0 : i32
    %add3A_39 = arith.addi %mul3A_37, %add3A_38 : i32
    "tpu.region"() ({
      %run_scoped3A = tpu.sem_alloc : memref<!tpu.dma_semaphore, #tpu.memory_space<semaphore_mem>>
      %dma_start3A = arith.constant 0 : i32
      %dma_start3A_95 = tpu.memref_slice %arg22[%add3A_39, %dma_start3A] : memref<10240x128xf32, #tpu.memory_space<vmem_shared>> -> memref<80x128xf32, #tpu.memory_space<vmem_shared>>
      %dma_start3A_96 = arith.constant 0 : i32
      %dma_start3A_97 = tpu.memref_slice %arg22[%add3A_39, %dma_start3A_96] : memref<10240x128xf32, #tpu.memory_space<vmem_shared>> -> memref<80x128xf32, #tpu.memory_space<vmem_shared>>
      tpu.enqueue_dma source(%arg19 : memref<80x128xf32, #tpu.memory_space<vmem>>) target(%dma_start3A_97 : memref<80x128xf32, #tpu.memory_space<vmem_shared>>) target_semaphore(%run_scoped3A : memref<!tpu.dma_semaphore, #tpu.memory_space<semaphore_mem>>)
      %dma_wait3A = arith.constant 0 : i32
      %dma_wait3A_98 = tpu.memref_slice %arg22[%add3A_39, %dma_wait3A] : memref<10240x128xf32, #tpu.memory_space<vmem_shared>> -> memref<80x128xf32, #tpu.memory_space<vmem_shared>>
      %dma_wait3A_99 = arith.constant 0 : i32
      %dma_wait3A_100 = tpu.memref_slice %arg22[%add3A_39, %dma_wait3A_99] : memref<10240x128xf32, #tpu.memory_space<vmem_shared>> -> memref<80x128xf32, #tpu.memory_space<vmem_shared>>
      tpu.wait_dma2 semaphore(%run_scoped3A : memref<!tpu.dma_semaphore, #tpu.memory_space<semaphore_mem>>) src(%arg19 : memref<80x128xf32, #tpu.memory_space<vmem>>) dst(%dma_wait3A_100 : memref<80x128xf32, #tpu.memory_space<vmem_shared>>)
      tpu.yield
    }) : () -> ()
    %add3A_40 = arith.constant 80 : i32
    %add3A_41 = arith.addi %mul3A_37, %add3A_40 : i32
    "tpu.region"() ({
      %run_scoped3A = tpu.sem_alloc : memref<!tpu.dma_semaphore, #tpu.memory_space<semaphore_mem>>
      %dma_start3A = arith.constant 0 : i32
      %dma_start3A_95 = tpu.memref_slice %arg22[%add3A_41, %dma_start3A] : memref<10240x128xf32, #tpu.memory_space<vmem_shared>> -> memref<80x128xf32, #tpu.memory_space<vmem_shared>>
      %dma_start3A_96 = arith.constant 0 : i32
      %dma_start3A_97 = tpu.memref_slice %arg22[%add3A_41, %dma_start3A_96] : memref<10240x128xf32, #tpu.memory_space<vmem_shared>> -> memref<80x128xf32, #tpu.memory_space<vmem_shared>>
      tpu.enqueue_dma source(%arg19 : memref<80x128xf32, #tpu.memory_space<vmem>>) target(%dma_start3A_97 : memref<80x128xf32, #tpu.memory_space<vmem_shared>>) target_semaphore(%run_scoped3A : memref<!tpu.dma_semaphore, #tpu.memory_space<semaphore_mem>>)
      %dma_wait3A = arith.constant 0 : i32
      %dma_wait3A_98 = tpu.memref_slice %arg22[%add3A_41, %dma_wait3A] : memref<10240x128xf32, #tpu.memory_space<vmem_shared>> -> memref<80x128xf32, #tpu.memory_space<vmem_shared>>
      %dma_wait3A_99 = arith.constant 0 : i32
      %dma_wait3A_100 = tpu.memref_slice %arg22[%add3A_41, %dma_wait3A_99] : memref<10240x128xf32, #tpu.memory_space<vmem_shared>> -> memref<80x128xf32, #tpu.memory_space<vmem_shared>>
      tpu.wait_dma2 semaphore(%run_scoped3A : memref<!tpu.dma_semaphore, #tpu.memory_space<semaphore_mem>>) src(%arg19 : memref<80x128xf32, #tpu.memory_space<vmem>>) dst(%dma_wait3A_100 : memref<80x128xf32, #tpu.memory_space<vmem_shared>>)
      tpu.yield
    }) : () -> ()
    %add3A_42 = arith.constant 160 : i32
    %add3A_43 = arith.addi %mul3A_37, %add3A_42 : i32
    "tpu.region"() ({
      %run_scoped3A = tpu.sem_alloc : memref<!tpu.dma_semaphore, #tpu.memory_space<semaphore_mem>>
      %dma_start3A = arith.constant 0 : i32
      %dma_start3A_95 = tpu.memref_slice %arg22[%add3A_43, %dma_start3A] : memref<10240x128xf32, #tpu.memory_space<vmem_shared>> -> memref<80x128xf32, #tpu.memory_space<vmem_shared>>
      %dma_start3A_96 = arith.constant 0 : i32
      %dma_start3A_97 = tpu.memref_slice %arg22[%add3A_43, %dma_start3A_96] : memref<10240x128xf32, #tpu.memory_space<vmem_shared>> -> memref<80x128xf32, #tpu.memory_space<vmem_shared>>
      tpu.enqueue_dma source(%arg19 : memref<80x128xf32, #tpu.memory_space<vmem>>) target(%dma_start3A_97 : memref<80x128xf32, #tpu.memory_space<vmem_shared>>) target_semaphore(%run_scoped3A : memref<!tpu.dma_semaphore, #tpu.memory_space<semaphore_mem>>)
      %dma_wait3A = arith.constant 0 : i32
      %dma_wait3A_98 = tpu.memref_slice %arg22[%add3A_43, %dma_wait3A] : memref<10240x128xf32, #tpu.memory_space<vmem_shared>> -> memref<80x128xf32, #tpu.memory_space<vmem_shared>>
      %dma_wait3A_99 = arith.constant 0 : i32
      %dma_wait3A_100 = tpu.memref_slice %arg22[%add3A_43, %dma_wait3A_99] : memref<10240x128xf32, #tpu.memory_space<vmem_shared>> -> memref<80x128xf32, #tpu.memory_space<vmem_shared>>
      tpu.wait_dma2 semaphore(%run_scoped3A : memref<!tpu.dma_semaphore, #tpu.memory_space<semaphore_mem>>) src(%arg19 : memref<80x128xf32, #tpu.memory_space<vmem>>) dst(%dma_wait3A_100 : memref<80x128xf32, #tpu.memory_space<vmem_shared>>)
      tpu.yield
    }) : () -> ()
    %add3A_44 = arith.constant 240 : i32
    %add3A_45 = arith.addi %mul3A_37, %add3A_44 : i32
    "tpu.region"() ({
      %run_scoped3A = tpu.sem_alloc : memref<!tpu.dma_semaphore, #tpu.memory_space<semaphore_mem>>
      %dma_start3A = arith.constant 0 : i32
      %dma_start3A_95 = tpu.memref_slice %arg22[%add3A_45, %dma_start3A] : memref<10240x128xf32, #tpu.memory_space<vmem_shared>> -> memref<80x128xf32, #tpu.memory_space<vmem_shared>>
      %dma_start3A_96 = arith.constant 0 : i32
      %dma_start3A_97 = tpu.memref_slice %arg22[%add3A_45, %dma_start3A_96] : memref<10240x128xf32, #tpu.memory_space<vmem_shared>> -> memref<80x128xf32, #tpu.memory_space<vmem_shared>>
      tpu.enqueue_dma source(%arg19 : memref<80x128xf32, #tpu.memory_space<vmem>>) target(%dma_start3A_97 : memref<80x128xf32, #tpu.memory_space<vmem_shared>>) target_semaphore(%run_scoped3A : memref<!tpu.dma_semaphore, #tpu.memory_space<semaphore_mem>>)
      %dma_wait3A = arith.constant 0 : i32
      %dma_wait3A_98 = tpu.memref_slice %arg22[%add3A_45, %dma_wait3A] : memref<10240x128xf32, #tpu.memory_space<vmem_shared>> -> memref<80x128xf32, #tpu.memory_space<vmem_shared>>
      %dma_wait3A_99 = arith.constant 0 : i32
      %dma_wait3A_100 = tpu.memref_slice %arg22[%add3A_45, %dma_wait3A_99] : memref<10240x128xf32, #tpu.memory_space<vmem_shared>> -> memref<80x128xf32, #tpu.memory_space<vmem_shared>>
      tpu.wait_dma2 semaphore(%run_scoped3A : memref<!tpu.dma_semaphore, #tpu.memory_space<semaphore_mem>>) src(%arg19 : memref<80x128xf32, #tpu.memory_space<vmem>>) dst(%dma_wait3A_100 : memref<80x128xf32, #tpu.memory_space<vmem_shared>>)
      tpu.yield
    }) : () -> ()
    %add3A_46 = arith.constant 320 : i32
    %add3A_47 = arith.addi %mul3A_37, %add3A_46 : i32
    "tpu.region"() ({
      %run_scoped3A = tpu.sem_alloc : memref<!tpu.dma_semaphore, #tpu.memory_space<semaphore_mem>>
      %dma_start3A = arith.constant 0 : i32
      %dma_start3A_95 = tpu.memref_slice %arg22[%add3A_47, %dma_start3A] : memref<10240x128xf32, #tpu.memory_space<vmem_shared>> -> memref<80x128xf32, #tpu.memory_space<vmem_shared>>
      %dma_start3A_96 = arith.constant 0 : i32
      %dma_start3A_97 = tpu.memref_slice %arg22[%add3A_47, %dma_start3A_96] : memref<10240x128xf32, #tpu.memory_space<vmem_shared>> -> memref<80x128xf32, #tpu.memory_space<vmem_shared>>
      tpu.enqueue_dma source(%arg19 : memref<80x128xf32, #tpu.memory_space<vmem>>) target(%dma_start3A_97 : memref<80x128xf32, #tpu.memory_space<vmem_shared>>) target_semaphore(%run_scoped3A : memref<!tpu.dma_semaphore, #tpu.memory_space<semaphore_mem>>)
      %dma_wait3A = arith.constant 0 : i32
      %dma_wait3A_98 = tpu.memref_slice %arg22[%add3A_47, %dma_wait3A] : memref<10240x128xf32, #tpu.memory_space<vmem_shared>> -> memref<80x128xf32, #tpu.memory_space<vmem_shared>>
      %dma_wait3A_99 = arith.constant 0 : i32
      %dma_wait3A_100 = tpu.memref_slice %arg22[%add3A_47, %dma_wait3A_99] : memref<10240x128xf32, #tpu.memory_space<vmem_shared>> -> memref<80x128xf32, #tpu.memory_space<vmem_shared>>
      tpu.wait_dma2 semaphore(%run_scoped3A : memref<!tpu.dma_semaphore, #tpu.memory_space<semaphore_mem>>) src(%arg19 : memref<80x128xf32, #tpu.memory_space<vmem>>) dst(%dma_wait3A_100 : memref<80x128xf32, #tpu.memory_space<vmem_shared>>)
      tpu.yield
    }) : () -> ()
    %add3A_48 = arith.constant 400 : i32
    %add3A_49 = arith.addi %mul3A_37, %add3A_48 : i32
    "tpu.region"() ({
      %run_scoped3A = tpu.sem_alloc : memref<!tpu.dma_semaphore, #tpu.memory_space<semaphore_mem>>
      %dma_start3A = arith.constant 0 : i32
      %dma_start3A_95 = tpu.memref_slice %arg22[%add3A_49, %dma_start3A] : memref<10240x128xf32, #tpu.memory_space<vmem_shared>> -> memref<80x128xf32, #tpu.memory_space<vmem_shared>>
      %dma_start3A_96 = arith.constant 0 : i32
      %dma_start3A_97 = tpu.memref_slice %arg22[%add3A_49, %dma_start3A_96] : memref<10240x128xf32, #tpu.memory_space<vmem_shared>> -> memref<80x128xf32, #tpu.memory_space<vmem_shared>>
      tpu.enqueue_dma source(%arg19 : memref<80x128xf32, #tpu.memory_space<vmem>>) target(%dma_start3A_97 : memref<80x128xf32, #tpu.memory_space<vmem_shared>>) target_semaphore(%run_scoped3A : memref<!tpu.dma_semaphore, #tpu.memory_space<semaphore_mem>>)
      %dma_wait3A = arith.constant 0 : i32
      %dma_wait3A_98 = tpu.memref_slice %arg22[%add3A_49, %dma_wait3A] : memref<10240x128xf32, #tpu.memory_space<vmem_shared>> -> memref<80x128xf32, #tpu.memory_space<vmem_shared>>
      %dma_wait3A_99 = arith.constant 0 : i32
      %dma_wait3A_100 = tpu.memref_slice %arg22[%add3A_49, %dma_wait3A_99] : memref<10240x128xf32, #tpu.memory_space<vmem_shared>> -> memref<80x128xf32, #tpu.memory_space<vmem_shared>>
      tpu.wait_dma2 semaphore(%run_scoped3A : memref<!tpu.dma_semaphore, #tpu.memory_space<semaphore_mem>>) src(%arg19 : memref<80x128xf32, #tpu.memory_space<vmem>>) dst(%dma_wait3A_100 : memref<80x128xf32, #tpu.memory_space<vmem_shared>>)
      tpu.yield
    }) : () -> ()
    %add3A_50 = arith.constant 480 : i32
    %add3A_51 = arith.addi %mul3A_37, %add3A_50 : i32
    "tpu.region"() ({
      %run_scoped3A = tpu.sem_alloc : memref<!tpu.dma_semaphore, #tpu.memory_space<semaphore_mem>>
      %dma_start3A = arith.constant 0 : i32
      %dma_start3A_95 = tpu.memref_slice %arg22[%add3A_51, %dma_start3A] : memref<10240x128xf32, #tpu.memory_space<vmem_shared>> -> memref<80x128xf32, #tpu.memory_space<vmem_shared>>
      %dma_start3A_96 = arith.constant 0 : i32
      %dma_start3A_97 = tpu.memref_slice %arg22[%add3A_51, %dma_start3A_96] : memref<10240x128xf32, #tpu.memory_space<vmem_shared>> -> memref<80x128xf32, #tpu.memory_space<vmem_shared>>
      tpu.enqueue_dma source(%arg19 : memref<80x128xf32, #tpu.memory_space<vmem>>) target(%dma_start3A_97 : memref<80x128xf32, #tpu.memory_space<vmem_shared>>) target_semaphore(%run_scoped3A : memref<!tpu.dma_semaphore, #tpu.memory_space<semaphore_mem>>)
      %dma_wait3A = arith.constant 0 : i32
      %dma_wait3A_98 = tpu.memref_slice %arg22[%add3A_51, %dma_wait3A] : memref<10240x128xf32, #tpu.memory_space<vmem_shared>> -> memref<80x128xf32, #tpu.memory_space<vmem_shared>>
      %dma_wait3A_99 = arith.constant 0 : i32
      %dma_wait3A_100 = tpu.memref_slice %arg22[%add3A_51, %dma_wait3A_99] : memref<10240x128xf32, #tpu.memory_space<vmem_shared>> -> memref<80x128xf32, #tpu.memory_space<vmem_shared>>
      tpu.wait_dma2 semaphore(%run_scoped3A : memref<!tpu.dma_semaphore, #tpu.memory_space<semaphore_mem>>) src(%arg19 : memref<80x128xf32, #tpu.memory_space<vmem>>) dst(%dma_wait3A_100 : memref<80x128xf32, #tpu.memory_space<vmem_shared>>)
      tpu.yield
    }) : () -> ()
    %add3A_52 = arith.constant 560 : i32
    %add3A_53 = arith.addi %mul3A_37, %add3A_52 : i32
    "tpu.region"() ({
      %run_scoped3A = tpu.sem_alloc : memref<!tpu.dma_semaphore, #tpu.memory_space<semaphore_mem>>
      %dma_start3A = arith.constant 0 : i32
      %dma_start3A_95 = tpu.memref_slice %arg22[%add3A_53, %dma_start3A] : memref<10240x128xf32, #tpu.memory_space<vmem_shared>> -> memref<80x128xf32, #tpu.memory_space<vmem_shared>>
      %dma_start3A_96 = arith.constant 0 : i32
      %dma_start3A_97 = tpu.memref_slice %arg22[%add3A_53, %dma_start3A_96] : memref<10240x128xf32, #tpu.memory_space<vmem_shared>> -> memref<80x128xf32, #tpu.memory_space<vmem_shared>>
      tpu.enqueue_dma source(%arg19 : memref<80x128xf32, #tpu.memory_space<vmem>>) target(%dma_start3A_97 : memref<80x128xf32, #tpu.memory_space<vmem_shared>>) target_semaphore(%run_scoped3A : memref<!tpu.dma_semaphore, #tpu.memory_space<semaphore_mem>>)
      %dma_wait3A = arith.constant 0 : i32
      %dma_wait3A_98 = tpu.memref_slice %arg22[%add3A_53, %dma_wait3A] : memref<10240x128xf32, #tpu.memory_space<vmem_shared>> -> memref<80x128xf32, #tpu.memory_space<vmem_shared>>
      %dma_wait3A_99 = arith.constant 0 : i32
      %dma_wait3A_100 = tpu.memref_slice %arg22[%add3A_53, %dma_wait3A_99] : memref<10240x128xf32, #tpu.memory_space<vmem_shared>> -> memref<80x128xf32, #tpu.memory_space<vmem_shared>>
      tpu.wait_dma2 semaphore(%run_scoped3A : memref<!tpu.dma_semaphore, #tpu.memory_space<semaphore_mem>>) src(%arg19 : memref<80x128xf32, #tpu.memory_space<vmem>>) dst(%dma_wait3A_100 : memref<80x128xf32, #tpu.memory_space<vmem_shared>>)
      tpu.yield
    }) : () -> ()
    %scan3A_54 = arith.constant 0 : i32
    %scan3A_55 = arith.constant 640 : i32
    %scan3A_56 = arith.addi %scan3A_54, %scan3A_55 : i32
    %scan3A_57 = arith.constant 1 : i32
    scf.for %scan3A_95 = %scan3A_54 to %scan3A_56 step %scan3A_57  : i32 {
      %mul3A_96 = arith.constant 1 : i32
      %mul3A_97 = arith.muli %scan3A_95, %mul3A_96 : i32
      %add3A_98 = arith.constant 0 : i32
      %add3A_99 = arith.addi %add3A_98, %mul3A_97 : i32
      %mul3A_100 = arith.constant 16 : i32
      %mul3A_101 = arith.muli %add3A_99, %mul3A_100 : i32
      %swap3A = arith.index_cast %mul3A_101 : i32 to index
      %swap3A_102 = tpu.vector_load %arg35[%swap3A] {strides = array<i32>} : memref<10240xf32, #tpu.memory_space<vmem>>, vector<16xf32>,
      tpu.vector_store %arg35[%swap3A], %broadcast_in_dim3A_31 {strides = array<i32>} : memref<10240xf32, #tpu.memory_space<vmem>>, vector<16xf32>,
    }
    %scan3A_58 = arith.constant 640 : i32
    %barrier3A = arith.constant 0 : index
    tpu.barrier barrier_id(%barrier3A)
    %gt3A_59 = arith.constant 0 : i32
    %gt3A_60 = arith.cmpi sgt, %min3A, %gt3A_59 : i32
    %convert_element_type3A_61 = arith.extui %gt3A_60 : i1 to i32
    %cond3A_62 = arith.constant 0 : i32
    %cond3A_63 = arith.cmpi ne, %convert_element_type3A_61, %cond3A_62 : i32
    scf.if %cond3A_63 {
      %add3A_95 = arith.constant 0 : i32
      %add3A_96 = arith.addi %mul3A_4, %add3A_95 : i32
      %dma_wait3A = tpu.memref_slice %arg3[%add3A_96] : memref<320000xi32, #tpu.memory_space<hbm>> -> memref<80xi32, #tpu.memory_space<hbm>>
      %dma_wait3A_97 = tpu.memref_slice %arg3[%add3A_96] : memref<320000xi32, #tpu.memory_space<hbm>> -> memref<80xi32, #tpu.memory_space<hbm>>
      tpu.wait_dma2 semaphore(%arg26 : memref<!tpu.dma_semaphore, #tpu.memory_space<semaphore_mem>>) src(%dma_wait3A_97 : memref<80xi32, #tpu.memory_space<hbm>>) dst(%arg7 : memref<80xi32, #tpu.memory_space<vmem>>)
      %dma_wait3A_98 = tpu.memref_slice %arg4[%add3A_96] : memref<320000xi32, #tpu.memory_space<hbm>> -> memref<80xi32, #tpu.memory_space<hbm>>
      %dma_wait3A_99 = tpu.memref_slice %arg4[%add3A_96] : memref<320000xi32, #tpu.memory_space<hbm>> -> memref<80xi32, #tpu.memory_space<hbm>>
      tpu.wait_dma2 semaphore(%arg26 : memref<!tpu.dma_semaphore, #tpu.memory_space<semaphore_mem>>) src(%dma_wait3A_99 : memref<80xi32, #tpu.memory_space<hbm>>) dst(%arg13 : memref<80xi32, #tpu.memory_space<vmem>>)
      %dma_start3A = arith.constant 0 : i32
      %dma_start3A_100 = arith.constant 0 : i32
      %dma_start3A_101 = tpu.memref_slice %arg2[%dma_start3A, %dma_start3A_100] : memref<10000x128xf32, #tpu.memory_space<hbm>> -> memref<10000x128xf32, #tpu.memory_space<hbm>>
      tpu.enqueue_indirect_dma source(%dma_start3A_101 : memref<10000x128xf32, #tpu.memory_space<hbm>>) target(%arg19 : memref<80x128xf32, #tpu.memory_space<vmem>>) offsets(%arg7 : memref<80xi32, #tpu.memory_space<vmem>>) semaphore(%arg23 : memref<!tpu.dma_semaphore, #tpu.memory_space<semaphore_mem>>)
    } else {
    }
    %gt3A_64 = arith.constant 1 : i32
    %gt3A_65 = arith.cmpi sgt, %min3A, %gt3A_64 : i32
    %convert_element_type3A_66 = arith.extui %gt3A_65 : i1 to i32
    %cond3A_67 = arith.constant 0 : i32
    %cond3A_68 = arith.cmpi ne, %convert_element_type3A_66, %cond3A_67 : i32
    scf.if %cond3A_68 {
      %add3A_95 = arith.constant 80 : i32
      %add3A_96 = arith.addi %mul3A_4, %add3A_95 : i32
      %dma_wait3A = tpu.memref_slice %arg3[%add3A_96] : memref<320000xi32, #tpu.memory_space<hbm>> -> memref<80xi32, #tpu.memory_space<hbm>>
      %dma_wait3A_97 = tpu.memref_slice %arg3[%add3A_96] : memref<320000xi32, #tpu.memory_space<hbm>> -> memref<80xi32, #tpu.memory_space<hbm>>
      tpu.wait_dma2 semaphore(%arg27 : memref<!tpu.dma_semaphore, #tpu.memory_space<semaphore_mem>>) src(%dma_wait3A_97 : memref<80xi32, #tpu.memory_space<hbm>>) dst(%arg8 : memref<80xi32, #tpu.memory_space<vmem>>)
      %dma_wait3A_98 = tpu.memref_slice %arg4[%add3A_96] : memref<320000xi32, #tpu.memory_space<hbm>> -> memref<80xi32, #tpu.memory_space<hbm>>
      %dma_wait3A_99 = tpu.memref_slice %arg4[%add3A_96] : memref<320000xi32, #tpu.memory_space<hbm>> -> memref<80xi32, #tpu.memory_space<hbm>>
      tpu.wait_dma2 semaphore(%arg27 : memref<!tpu.dma_semaphore, #tpu.memory_space<semaphore_mem>>) src(%dma_wait3A_99 : memref<80xi32, #tpu.memory_space<hbm>>) dst(%arg14 : memref<80xi32, #tpu.memory_space<vmem>>)
      %dma_start3A = arith.constant 0 : i32
      %dma_start3A_100 = arith.constant 0 : i32
      %dma_start3A_101 = tpu.memref_slice %arg2[%dma_start3A, %dma_start3A_100] : memref<10000x128xf32, #tpu.memory_space<hbm>> -> memref<10000x128xf32, #tpu.memory_space<hbm>>
      tpu.enqueue_indirect_dma source(%dma_start3A_101 : memref<10000x128xf32, #tpu.memory_space<hbm>>) target(%arg20 : memref<80x128xf32, #tpu.memory_space<vmem>>) offsets(%arg8 : memref<80xi32, #tpu.memory_space<vmem>>) semaphore(%arg24 : memref<!tpu.dma_semaphore, #tpu.memory_space<semaphore_mem>>)
    } else {
    }
    %broadcast_in_dim3A_69 = arith.constant 1.000000e+00 : f32
    %broadcast_in_dim3A_70 = vector.broadcast %broadcast_in_dim3A_69 : f32 to vector<16xf32>
    %scan3A_71 = arith.constant 0 : i32
    %scan3A_72 = arith.constant 21 : i32
    %scan3A_73 = arith.addi %scan3A_71, %scan3A_72 : i32
    %scan3A_74 = arith.constant 1 : i32
    scf.for %scan3A_95 = %scan3A_71 to %scan3A_73 step %scan3A_74  : i32 {
      %mul3A_96 = arith.constant 1 : i32
      %mul3A_97 = arith.muli %scan3A_95, %mul3A_96 : i32
      %add3A_98 = arith.constant 0 : i32
      %add3A_99 = arith.addi %add3A_98, %mul3A_97 : i32
      %mul3A_100 = arith.constant 6 : i32
      %mul3A_101 = arith.muli %add3A_99, %mul3A_100 : i32
      %add3A_102 = arith.constant 0 : i32
      %add3A_103 = arith.addi %mul3A_101, %add3A_102 : i32
      %lt3A = arith.cmpi slt, %add3A_103, %min3A : i32
      %convert_element_type3A_104 = arith.extui %lt3A : i1 to i32
      %cond3A_105 = arith.constant 0 : i32
      %cond3A_106 = arith.cmpi ne, %convert_element_type3A_104, %cond3A_105 : i32
      scf.if %cond3A_106 {
        %dma_wait3A = arith.constant 0 : i32
        %dma_wait3A_147 = arith.constant 0 : i32
        %dma_wait3A_148 = tpu.memref_slice %arg2[%dma_wait3A, %dma_wait3A_147] : memref<10000x128xf32, #tpu.memory_space<hbm>> -> memref<10000x128xf32, #tpu.memory_space<hbm>>
        tpu.wait_indirect_dma semaphore(%arg23 : memref<!tpu.dma_semaphore, #tpu.memory_space<semaphore_mem>>) src(%dma_wait3A_148 : memref<10000x128xf32, #tpu.memory_space<hbm>>) dst(%arg19 : memref<80x128xf32, #tpu.memory_space<vmem>>)
        %dma_start3A = arith.constant 0 : i32
        %dma_start3A_149 = arith.constant 0 : i32
        %dma_start3A_150 = tpu.memref_slice %arg22[%dma_start3A, %dma_start3A_149] : memref<10240x128xf32, #tpu.memory_space<vmem_shared>> -> memref<10240x128xf32, #tpu.memory_space<vmem_shared>>
        tpu.enqueue_indirect_dma source(%arg19 : memref<80x128xf32, #tpu.memory_space<vmem>>) target(%dma_start3A_150 : memref<10240x128xf32, #tpu.memory_space<vmem_shared>>) offsets(%arg13 : memref<80xi32, #tpu.memory_space<vmem>>) semaphore(%arg32 : memref<!tpu.dma_semaphore, #tpu.memory_space<semaphore_mem>>) {add = true}
        %get3A = arith.constant 0 : index
        %get3A_151 = tpu.vector_load %arg13[%get3A] {strides = array<i32>} : memref<80xi32, #tpu.memory_space<vmem>>, vector<16xi32>,
        tpu.vector_store_idx %arg35[%get3A_151], %broadcast_in_dim3A_70 {add = true} : memref<10240xf32, #tpu.memory_space<vmem>>[vector<16xi32>], vector<16xf32>,
        %get3A_152 = arith.constant 16 : index
        %get3A_153 = tpu.vector_load %arg13[%get3A_152] {strides = array<i32>} : memref<80xi32, #tpu.memory_space<vmem>>, vector<16xi32>,
        tpu.vector_store_idx %arg35[%get3A_153], %broadcast_in_dim3A_70 {add = true} : memref<10240xf32, #tpu.memory_space<vmem>>[vector<16xi32>], vector<16xf32>,
        %get3A_154 = arith.constant 32 : index
        %get3A_155 = tpu.vector_load %arg13[%get3A_154] {strides = array<i32>} : memref<80xi32, #tpu.memory_space<vmem>>, vector<16xi32>,
        tpu.vector_store_idx %arg35[%get3A_155], %broadcast_in_dim3A_70 {add = true} : memref<10240xf32, #tpu.memory_space<vmem>>[vector<16xi32>], vector<16xf32>,
        %get3A_156 = arith.constant 48 : index
        %get3A_157 = tpu.vector_load %arg13[%get3A_156] {strides = array<i32>} : memref<80xi32, #tpu.memory_space<vmem>>, vector<16xi32>,
        tpu.vector_store_idx %arg35[%get3A_157], %broadcast_in_dim3A_70 {add = true} : memref<10240xf32, #tpu.memory_space<vmem>>[vector<16xi32>], vector<16xf32>,
        %get3A_158 = arith.constant 64 : index
        %get3A_159 = tpu.vector_load %arg13[%get3A_158] {strides = array<i32>} : memref<80xi32, #tpu.memory_space<vmem>>, vector<16xi32>,
        tpu.vector_store_idx %arg35[%get3A_159], %broadcast_in_dim3A_70 {add = true} : memref<10240xf32, #tpu.memory_space<vmem>>[vector<16xi32>], vector<16xf32>,
        %add3A_160 = arith.constant 3 : i32
        %add3A_161 = arith.addi %add3A_103, %add3A_160 : i32
        %sub3A_162 = arith.constant 1 : i32
        %sub3A_163 = arith.subi %add3A_161, %sub3A_162 : i32
        %lt3A_164 = arith.cmpi slt, %sub3A_163, %min3A : i32
        %convert_element_type3A_165 = arith.extui %lt3A_164 : i1 to i32
        %cond3A_166 = arith.constant 0 : i32
        %cond3A_167 = arith.cmpi ne, %convert_element_type3A_165, %cond3A_166 : i32
        scf.if %cond3A_167 {
          %add3A_168 = arith.constant 3 : i32
          %add3A_169 = arith.addi %add3A_103, %add3A_168 : i32
          %sub3A_170 = arith.constant 1 : i32
          %sub3A_171 = arith.subi %add3A_169, %sub3A_170 : i32
          %mul3A_172 = arith.constant 80 : i32
          %mul3A_173 = arith.muli %sub3A_171, %mul3A_172 : i32
          %add3A_174 = arith.addi %mul3A_4, %mul3A_173 : i32
          %dma_wait3A_175 = tpu.memref_slice %arg3[%add3A_174] : memref<320000xi32, #tpu.memory_space<hbm>> -> memref<80xi32, #tpu.memory_space<hbm>>
          %dma_wait3A_176 = tpu.memref_slice %arg3[%add3A_174] : memref<320000xi32, #tpu.memory_space<hbm>> -> memref<80xi32, #tpu.memory_space<hbm>>
          tpu.wait_dma2 semaphore(%arg28 : memref<!tpu.dma_semaphore, #tpu.memory_space<semaphore_mem>>) src(%dma_wait3A_176 : memref<80xi32, #tpu.memory_space<hbm>>) dst(%arg9 : memref<80xi32, #tpu.memory_space<vmem>>)
          %dma_wait3A_177 = tpu.memref_slice %arg4[%add3A_174] : memref<320000xi32, #tpu.memory_space<hbm>> -> memref<80xi32, #tpu.memory_space<hbm>>
          %dma_wait3A_178 = tpu.memref_slice %arg4[%add3A_174] : memref<320000xi32, #tpu.memory_space<hbm>> -> memref<80xi32, #tpu.memory_space<hbm>>
          tpu.wait_dma2 semaphore(%arg28 : memref<!tpu.dma_semaphore, #tpu.memory_space<semaphore_mem>>) src(%dma_wait3A_178 : memref<80xi32, #tpu.memory_space<hbm>>) dst(%arg15 : memref<80xi32, #tpu.memory_space<vmem>>)
          %ge3A = arith.constant 1 : i32
          %ge3A_179 = arith.cmpi sge, %add3A_103, %ge3A : i32
          %convert_element_type3A_180 = arith.extui %ge3A_179 : i1 to i32
          %cond3A_181 = arith.constant 0 : i32
          %cond3A_182 = arith.cmpi ne, %convert_element_type3A_180, %cond3A_181 : i32
          scf.if %cond3A_182 {
            %dma_wait3A_194 = arith.constant 0 : i32
            %dma_wait3A_195 = arith.constant 0 : i32
            %dma_wait3A_196 = tpu.memref_slice %arg22[%dma_wait3A_194, %dma_wait3A_195] : memref<10240x128xf32, #tpu.memory_space<vmem_shared>> -> memref<10240x128xf32, #tpu.memory_space<vmem_shared>>
            tpu.wait_indirect_dma semaphore(%arg34 : memref<!tpu.dma_semaphore, #tpu.memory_space<semaphore_mem>>) src(%arg21 : memref<80x128xf32, #tpu.memory_space<vmem>>) dst(%dma_wait3A_196 : memref<10240x128xf32, #tpu.memory_space<vmem_shared>>)
          } else {
          }
          %dma_start3A_183 = arith.constant 0 : i32
          %dma_start3A_184 = arith.constant 0 : i32
          %dma_start3A_185 = tpu.memref_slice %arg2[%dma_start3A_183, %dma_start3A_184] : memref<10000x128xf32, #tpu.memory_space<hbm>> -> memref<10000x128xf32, #tpu.memory_space<hbm>>
          tpu.enqueue_indirect_dma source(%dma_start3A_185 : memref<10000x128xf32, #tpu.memory_space<hbm>>) target(%arg21 : memref<80x128xf32, #tpu.memory_space<vmem>>) offsets(%arg9 : memref<80xi32, #tpu.memory_space<vmem>>) semaphore(%arg25 : memref<!tpu.dma_semaphore, #tpu.memory_space<semaphore_mem>>)
          %add3A_186 = arith.constant 6 : i32
          %add3A_187 = arith.addi %add3A_103, %add3A_186 : i32
          %sub3A_188 = arith.constant 1 : i32
          %sub3A_189 = arith.subi %add3A_187, %sub3A_188 : i32
          %lt3A_190 = arith.cmpi slt, %sub3A_189, %min3A : i32
          %convert_element_type3A_191 = arith.extui %lt3A_190 : i1 to i32
          %cond3A_192 = arith.constant 0 : i32
          %cond3A_193 = arith.cmpi ne, %convert_element_type3A_191, %cond3A_192 : i32
          scf.if %cond3A_193 {
            %add3A_194 = arith.constant 6 : i32
            %add3A_195 = arith.addi %add3A_103, %add3A_194 : i32
            %sub3A_196 = arith.constant 1 : i32
            %sub3A_197 = arith.subi %add3A_195, %sub3A_196 : i32
            %mul3A_198 = arith.constant 80 : i32
            %mul3A_199 = arith.muli %sub3A_197, %mul3A_198 : i32
            %add3A_200 = arith.addi %mul3A_4, %mul3A_199 : i32
            %dma_start3A_201 = tpu.memref_slice %arg3[%add3A_200] : memref<320000xi32, #tpu.memory_space<hbm>> -> memref<80xi32, #tpu.memory_space<hbm>>
            %dma_start3A_202 = tpu.memref_slice %arg3[%add3A_200] : memref<320000xi32, #tpu.memory_space<hbm>> -> memref<80xi32, #tpu.memory_space<hbm>>
            tpu.enqueue_dma source(%dma_start3A_202 : memref<80xi32, #tpu.memory_space<hbm>>) target(%arg12 : memref<80xi32, #tpu.memory_space<vmem>>) target_semaphore(%arg31 : memref<!tpu.dma_semaphore, #tpu.memory_space<semaphore_mem>>)
            %dma_start3A_203 = tpu.memref_slice %arg4[%add3A_200] : memref<320000xi32, #tpu.memory_space<hbm>> -> memref<80xi32, #tpu.memory_space<hbm>>
            %dma_start3A_204 = tpu.memref_slice %arg4[%add3A_200] : memref<320000xi32, #tpu.memory_space<hbm>> -> memref<80xi32, #tpu.memory_space<hbm>>
            tpu.enqueue_dma source(%dma_start3A_204 : memref<80xi32, #tpu.memory_space<hbm>>) target(%arg18 : memref<80xi32, #tpu.memory_space<vmem>>) target_semaphore(%arg31 : memref<!tpu.dma_semaphore, #tpu.memory_space<semaphore_mem>>)
          } else {
          }
        } else {
        }
      } else {
      }
      %mul3A_107 = arith.constant 6 : i32
      %mul3A_108 = arith.muli %add3A_99, %mul3A_107 : i32
      %add3A_109 = arith.constant 1 : i32
      %add3A_110 = arith.addi %mul3A_108, %add3A_109 : i32
      %lt3A_111 = arith.cmpi slt, %add3A_110, %min3A : i32
      %convert_element_type3A_112 = arith.extui %lt3A_111 : i1 to i32
      %cond3A_113 = arith.constant 0 : i32
      %cond3A_114 = arith.cmpi ne, %convert_element_type3A_112, %cond3A_113 : i32
      scf.if %cond3A_114 {
        %dma_wait3A = arith.constant 0 : i32
        %dma_wait3A_147 = arith.constant 0 : i32
        %dma_wait3A_148 = tpu.memref_slice %arg2[%dma_wait3A, %dma_wait3A_147] : memref<10000x128xf32, #tpu.memory_space<hbm>> -> memref<10000x128xf32, #tpu.memory_space<hbm>>
        tpu.wait_indirect_dma semaphore(%arg24 : memref<!tpu.dma_semaphore, #tpu.memory_space<semaphore_mem>>) src(%dma_wait3A_148 : memref<10000x128xf32, #tpu.memory_space<hbm>>) dst(%arg20 : memref<80x128xf32, #tpu.memory_space<vmem>>)
        %dma_start3A = arith.constant 0 : i32
        %dma_start3A_149 = arith.constant 0 : i32
        %dma_start3A_150 = tpu.memref_slice %arg22[%dma_start3A, %dma_start3A_149] : memref<10240x128xf32, #tpu.memory_space<vmem_shared>> -> memref<10240x128xf32, #tpu.memory_space<vmem_shared>>
        tpu.enqueue_indirect_dma source(%arg20 : memref<80x128xf32, #tpu.memory_space<vmem>>) target(%dma_start3A_150 : memref<10240x128xf32, #tpu.memory_space<vmem_shared>>) offsets(%arg14 : memref<80xi32, #tpu.memory_space<vmem>>) semaphore(%arg33 : memref<!tpu.dma_semaphore, #tpu.memory_space<semaphore_mem>>) {add = true}
        %get3A = arith.constant 0 : index
        %get3A_151 = tpu.vector_load %arg14[%get3A] {strides = array<i32>} : memref<80xi32, #tpu.memory_space<vmem>>, vector<16xi32>,
        tpu.vector_store_idx %arg35[%get3A_151], %broadcast_in_dim3A_70 {add = true} : memref<10240xf32, #tpu.memory_space<vmem>>[vector<16xi32>], vector<16xf32>,
        %get3A_152 = arith.constant 16 : index
        %get3A_153 = tpu.vector_load %arg14[%get3A_152] {strides = array<i32>} : memref<80xi32, #tpu.memory_space<vmem>>, vector<16xi32>,
        tpu.vector_store_idx %arg35[%get3A_153], %broadcast_in_dim3A_70 {add = true} : memref<10240xf32, #tpu.memory_space<vmem>>[vector<16xi32>], vector<16xf32>,
        %get3A_154 = arith.constant 32 : index
        %get3A_155 = tpu.vector_load %arg14[%get3A_154] {strides = array<i32>} : memref<80xi32, #tpu.memory_space<vmem>>, vector<16xi32>,
        tpu.vector_store_idx %arg35[%get3A_155], %broadcast_in_dim3A_70 {add = true} : memref<10240xf32, #tpu.memory_space<vmem>>[vector<16xi32>], vector<16xf32>,
        %get3A_156 = arith.constant 48 : index
        %get3A_157 = tpu.vector_load %arg14[%get3A_156] {strides = array<i32>} : memref<80xi32, #tpu.memory_space<vmem>>, vector<16xi32>,
        tpu.vector_store_idx %arg35[%get3A_157], %broadcast_in_dim3A_70 {add = true} : memref<10240xf32, #tpu.memory_space<vmem>>[vector<16xi32>], vector<16xf32>,
        %get3A_158 = arith.constant 64 : index
        %get3A_159 = tpu.vector_load %arg14[%get3A_158] {strides = array<i32>} : memref<80xi32, #tpu.memory_space<vmem>>, vector<16xi32>,
        tpu.vector_store_idx %arg35[%get3A_159], %broadcast_in_dim3A_70 {add = true} : memref<10240xf32, #tpu.memory_space<vmem>>[vector<16xi32>], vector<16xf32>,
        %add3A_160 = arith.constant 3 : i32
        %add3A_161 = arith.addi %add3A_110, %add3A_160 : i32
        %sub3A_162 = arith.constant 1 : i32
        %sub3A_163 = arith.subi %add3A_161, %sub3A_162 : i32
        %lt3A_164 = arith.cmpi slt, %sub3A_163, %min3A : i32
        %convert_element_type3A_165 = arith.extui %lt3A_164 : i1 to i32
        %cond3A_166 = arith.constant 0 : i32
        %cond3A_167 = arith.cmpi ne, %convert_element_type3A_165, %cond3A_166 : i32
        scf.if %cond3A_167 {
          %add3A_168 = arith.constant 3 : i32
          %add3A_169 = arith.addi %add3A_110, %add3A_168 : i32
          %sub3A_170 = arith.constant 1 : i32
          %sub3A_171 = arith.subi %add3A_169, %sub3A_170 : i32
          %mul3A_172 = arith.constant 80 : i32
          %mul3A_173 = arith.muli %sub3A_171, %mul3A_172 : i32
          %add3A_174 = arith.addi %mul3A_4, %mul3A_173 : i32
          %dma_wait3A_175 = tpu.memref_slice %arg3[%add3A_174] : memref<320000xi32, #tpu.memory_space<hbm>> -> memref<80xi32, #tpu.memory_space<hbm>>
          %dma_wait3A_176 = tpu.memref_slice %arg3[%add3A_174] : memref<320000xi32, #tpu.memory_space<hbm>> -> memref<80xi32, #tpu.memory_space<hbm>>
          tpu.wait_dma2 semaphore(%arg29 : memref<!tpu.dma_semaphore, #tpu.memory_space<semaphore_mem>>) src(%dma_wait3A_176 : memref<80xi32, #tpu.memory_space<hbm>>) dst(%arg10 : memref<80xi32, #tpu.memory_space<vmem>>)
          %dma_wait3A_177 = tpu.memref_slice %arg4[%add3A_174] : memref<320000xi32, #tpu.memory_space<hbm>> -> memref<80xi32, #tpu.memory_space<hbm>>
          %dma_wait3A_178 = tpu.memref_slice %arg4[%add3A_174] : memref<320000xi32, #tpu.memory_space<hbm>> -> memref<80xi32, #tpu.memory_space<hbm>>
          tpu.wait_dma2 semaphore(%arg29 : memref<!tpu.dma_semaphore, #tpu.memory_space<semaphore_mem>>) src(%dma_wait3A_178 : memref<80xi32, #tpu.memory_space<hbm>>) dst(%arg16 : memref<80xi32, #tpu.memory_space<vmem>>)
          %ge3A = arith.constant 1 : i32
          %ge3A_179 = arith.cmpi sge, %add3A_110, %ge3A : i32
          %convert_element_type3A_180 = arith.extui %ge3A_179 : i1 to i32
          %cond3A_181 = arith.constant 0 : i32
          %cond3A_182 = arith.cmpi ne, %convert_element_type3A_180, %cond3A_181 : i32
          scf.if %cond3A_182 {
            %dma_wait3A_194 = arith.constant 0 : i32
            %dma_wait3A_195 = arith.constant 0 : i32
            %dma_wait3A_196 = tpu.memref_slice %arg22[%dma_wait3A_194, %dma_wait3A_195] : memref<10240x128xf32, #tpu.memory_space<vmem_shared>> -> memref<10240x128xf32, #tpu.memory_space<vmem_shared>>
            tpu.wait_indirect_dma semaphore(%arg32 : memref<!tpu.dma_semaphore, #tpu.memory_space<semaphore_mem>>) src(%arg19 : memref<80x128xf32, #tpu.memory_space<vmem>>) dst(%dma_wait3A_196 : memref<10240x128xf32, #tpu.memory_space<vmem_shared>>)
          } else {
          }
          %dma_start3A_183 = arith.constant 0 : i32
          %dma_start3A_184 = arith.constant 0 : i32
          %dma_start3A_185 = tpu.memref_slice %arg2[%dma_start3A_183, %dma_start3A_184] : memref<10000x128xf32, #tpu.memory_space<hbm>> -> memref<10000x128xf32, #tpu.memory_space<hbm>>
          tpu.enqueue_indirect_dma source(%dma_start3A_185 : memref<10000x128xf32, #tpu.memory_space<hbm>>) target(%arg19 : memref<80x128xf32, #tpu.memory_space<vmem>>) offsets(%arg10 : memref<80xi32, #tpu.memory_space<vmem>>) semaphore(%arg23 : memref<!tpu.dma_semaphore, #tpu.memory_space<semaphore_mem>>)
          %add3A_186 = arith.constant 6 : i32
          %add3A_187 = arith.addi %add3A_110, %add3A_186 : i32
          %sub3A_188 = arith.constant 1 : i32
          %sub3A_189 = arith.subi %add3A_187, %sub3A_188 : i32
          %lt3A_190 = arith.cmpi slt, %sub3A_189, %min3A : i32
          %convert_element_type3A_191 = arith.extui %lt3A_190 : i1 to i32
          %cond3A_192 = arith.constant 0 : i32
          %cond3A_193 = arith.cmpi ne, %convert_element_type3A_191, %cond3A_192 : i32
          scf.if %cond3A_193 {
            %add3A_194 = arith.constant 6 : i32
            %add3A_195 = arith.addi %add3A_110, %add3A_194 : i32
            %sub3A_196 = arith.constant 1 : i32
            %sub3A_197 = arith.subi %add3A_195, %sub3A_196 : i32
            %mul3A_198 = arith.constant 80 : i32
            %mul3A_199 = arith.muli %sub3A_197, %mul3A_198 : i32
            %add3A_200 = arith.addi %mul3A_4, %mul3A_199 : i32
            %dma_start3A_201 = tpu.memref_slice %arg3[%add3A_200] : memref<320000xi32, #tpu.memory_space<hbm>> -> memref<80xi32, #tpu.memory_space<hbm>>
            %dma_start3A_202 = tpu.memref_slice %arg3[%add3A_200] : memref<320000xi32, #tpu.memory_space<hbm>> -> memref<80xi32, #tpu.memory_space<hbm>>
            tpu.enqueue_dma source(%dma_start3A_202 : memref<80xi32, #tpu.memory_space<hbm>>) target(%arg7 : memref<80xi32, #tpu.memory_space<vmem>>) target_semaphore(%arg26 : memref<!tpu.dma_semaphore, #tpu.memory_space<semaphore_mem>>)
            %dma_start3A_203 = tpu.memref_slice %arg4[%add3A_200] : memref<320000xi32, #tpu.memory_space<hbm>> -> memref<80xi32, #tpu.memory_space<hbm>>
            %dma_start3A_204 = tpu.memref_slice %arg4[%add3A_200] : memref<320000xi32, #tpu.memory_space<hbm>> -> memref<80xi32, #tpu.memory_space<hbm>>
            tpu.enqueue_dma source(%dma_start3A_204 : memref<80xi32, #tpu.memory_space<hbm>>) target(%arg13 : memref<80xi32, #tpu.memory_space<vmem>>) target_semaphore(%arg26 : memref<!tpu.dma_semaphore, #tpu.memory_space<semaphore_mem>>)
          } else {
          }
        } else {
        }
      } else {
      }
      %mul3A_115 = arith.constant 6 : i32
      %mul3A_116 = arith.muli %add3A_99, %mul3A_115 : i32
      %add3A_117 = arith.constant 2 : i32
      %add3A_118 = arith.addi %mul3A_116, %add3A_117 : i32
      %lt3A_119 = arith.cmpi slt, %add3A_118, %min3A : i32
      %convert_element_type3A_120 = arith.extui %lt3A_119 : i1 to i32
      %cond3A_121 = arith.constant 0 : i32
      %cond3A_122 = arith.cmpi ne, %convert_element_type3A_120, %cond3A_121 : i32
      scf.if %cond3A_122 {
        %dma_wait3A = arith.constant 0 : i32
        %dma_wait3A_147 = arith.constant 0 : i32
        %dma_wait3A_148 = tpu.memref_slice %arg2[%dma_wait3A, %dma_wait3A_147] : memref<10000x128xf32, #tpu.memory_space<hbm>> -> memref<10000x128xf32, #tpu.memory_space<hbm>>
        tpu.wait_indirect_dma semaphore(%arg25 : memref<!tpu.dma_semaphore, #tpu.memory_space<semaphore_mem>>) src(%dma_wait3A_148 : memref<10000x128xf32, #tpu.memory_space<hbm>>) dst(%arg21 : memref<80x128xf32, #tpu.memory_space<vmem>>)
        %dma_start3A = arith.constant 0 : i32
        %dma_start3A_149 = arith.constant 0 : i32
        %dma_start3A_150 = tpu.memref_slice %arg22[%dma_start3A, %dma_start3A_149] : memref<10240x128xf32, #tpu.memory_space<vmem_shared>> -> memref<10240x128xf32, #tpu.memory_space<vmem_shared>>
        tpu.enqueue_indirect_dma source(%arg21 : memref<80x128xf32, #tpu.memory_space<vmem>>) target(%dma_start3A_150 : memref<10240x128xf32, #tpu.memory_space<vmem_shared>>) offsets(%arg15 : memref<80xi32, #tpu.memory_space<vmem>>) semaphore(%arg34 : memref<!tpu.dma_semaphore, #tpu.memory_space<semaphore_mem>>) {add = true}
        %get3A = arith.constant 0 : index
        %get3A_151 = tpu.vector_load %arg15[%get3A] {strides = array<i32>} : memref<80xi32, #tpu.memory_space<vmem>>, vector<16xi32>,
        tpu.vector_store_idx %arg35[%get3A_151], %broadcast_in_dim3A_70 {add = true} : memref<10240xf32, #tpu.memory_space<vmem>>[vector<16xi32>], vector<16xf32>,
        %get3A_152 = arith.constant 16 : index
        %get3A_153 = tpu.vector_load %arg15[%get3A_152] {strides = array<i32>} : memref<80xi32, #tpu.memory_space<vmem>>, vector<16xi32>,
        tpu.vector_store_idx %arg35[%get3A_153], %broadcast_in_dim3A_70 {add = true} : memref<10240xf32, #tpu.memory_space<vmem>>[vector<16xi32>], vector<16xf32>,
        %get3A_154 = arith.constant 32 : index
        %get3A_155 = tpu.vector_load %arg15[%get3A_154] {strides = array<i32>} : memref<80xi32, #tpu.memory_space<vmem>>, vector<16xi32>,
        tpu.vector_store_idx %arg35[%get3A_155], %broadcast_in_dim3A_70 {add = true} : memref<10240xf32, #tpu.memory_space<vmem>>[vector<16xi32>], vector<16xf32>,
        %get3A_156 = arith.constant 48 : index
        %get3A_157 = tpu.vector_load %arg15[%get3A_156] {strides = array<i32>} : memref<80xi32, #tpu.memory_space<vmem>>, vector<16xi32>,
        tpu.vector_store_idx %arg35[%get3A_157], %broadcast_in_dim3A_70 {add = true} : memref<10240xf32, #tpu.memory_space<vmem>>[vector<16xi32>], vector<16xf32>,
        %get3A_158 = arith.constant 64 : index
        %get3A_159 = tpu.vector_load %arg15[%get3A_158] {strides = array<i32>} : memref<80xi32, #tpu.memory_space<vmem>>, vector<16xi32>,
        tpu.vector_store_idx %arg35[%get3A_159], %broadcast_in_dim3A_70 {add = true} : memref<10240xf32, #tpu.memory_space<vmem>>[vector<16xi32>], vector<16xf32>,
        %add3A_160 = arith.constant 3 : i32
        %add3A_161 = arith.addi %add3A_118, %add3A_160 : i32
        %sub3A_162 = arith.constant 1 : i32
        %sub3A_163 = arith.subi %add3A_161, %sub3A_162 : i32
        %lt3A_164 = arith.cmpi slt, %sub3A_163, %min3A : i32
        %convert_element_type3A_165 = arith.extui %lt3A_164 : i1 to i32
        %cond3A_166 = arith.constant 0 : i32
        %cond3A_167 = arith.cmpi ne, %convert_element_type3A_165, %cond3A_166 : i32
        scf.if %cond3A_167 {
          %add3A_168 = arith.constant 3 : i32
          %add3A_169 = arith.addi %add3A_118, %add3A_168 : i32
          %sub3A_170 = arith.constant 1 : i32
          %sub3A_171 = arith.subi %add3A_169, %sub3A_170 : i32
          %mul3A_172 = arith.constant 80 : i32
          %mul3A_173 = arith.muli %sub3A_171, %mul3A_172 : i32
          %add3A_174 = arith.addi %mul3A_4, %mul3A_173 : i32
          %dma_wait3A_175 = tpu.memref_slice %arg3[%add3A_174] : memref<320000xi32, #tpu.memory_space<hbm>> -> memref<80xi32, #tpu.memory_space<hbm>>
          %dma_wait3A_176 = tpu.memref_slice %arg3[%add3A_174] : memref<320000xi32, #tpu.memory_space<hbm>> -> memref<80xi32, #tpu.memory_space<hbm>>
          tpu.wait_dma2 semaphore(%arg30 : memref<!tpu.dma_semaphore, #tpu.memory_space<semaphore_mem>>) src(%dma_wait3A_176 : memref<80xi32, #tpu.memory_space<hbm>>) dst(%arg11 : memref<80xi32, #tpu.memory_space<vmem>>)
          %dma_wait3A_177 = tpu.memref_slice %arg4[%add3A_174] : memref<320000xi32, #tpu.memory_space<hbm>> -> memref<80xi32, #tpu.memory_space<hbm>>
          %dma_wait3A_178 = tpu.memref_slice %arg4[%add3A_174] : memref<320000xi32, #tpu.memory_space<hbm>> -> memref<80xi32, #tpu.memory_space<hbm>>
          tpu.wait_dma2 semaphore(%arg30 : memref<!tpu.dma_semaphore, #tpu.memory_space<semaphore_mem>>) src(%dma_wait3A_178 : memref<80xi32, #tpu.memory_space<hbm>>) dst(%arg17 : memref<80xi32, #tpu.memory_space<vmem>>)
          %ge3A = arith.constant 1 : i32
          %ge3A_179 = arith.cmpi sge, %add3A_118, %ge3A : i32
          %convert_element_type3A_180 = arith.extui %ge3A_179 : i1 to i32
          %cond3A_181 = arith.constant 0 : i32
          %cond3A_182 = arith.cmpi ne, %convert_element_type3A_180, %cond3A_181 : i32
          scf.if %cond3A_182 {
            %dma_wait3A_194 = arith.constant 0 : i32
            %dma_wait3A_195 = arith.constant 0 : i32
            %dma_wait3A_196 = tpu.memref_slice %arg22[%dma_wait3A_194, %dma_wait3A_195] : memref<10240x128xf32, #tpu.memory_space<vmem_shared>> -> memref<10240x128xf32, #tpu.memory_space<vmem_shared>>
            tpu.wait_indirect_dma semaphore(%arg33 : memref<!tpu.dma_semaphore, #tpu.memory_space<semaphore_mem>>) src(%arg20 : memref<80x128xf32, #tpu.memory_space<vmem>>) dst(%dma_wait3A_196 : memref<10240x128xf32, #tpu.memory_space<vmem_shared>>)
          } else {
          }
          %dma_start3A_183 = arith.constant 0 : i32
          %dma_start3A_184 = arith.constant 0 : i32
          %dma_start3A_185 = tpu.memref_slice %arg2[%dma_start3A_183, %dma_start3A_184] : memref<10000x128xf32, #tpu.memory_space<hbm>> -> memref<10000x128xf32, #tpu.memory_space<hbm>>
          tpu.enqueue_indirect_dma source(%dma_start3A_185 : memref<10000x128xf32, #tpu.memory_space<hbm>>) target(%arg20 : memref<80x128xf32, #tpu.memory_space<vmem>>) offsets(%arg11 : memref<80xi32, #tpu.memory_space<vmem>>) semaphore(%arg24 : memref<!tpu.dma_semaphore, #tpu.memory_space<semaphore_mem>>)
          %add3A_186 = arith.constant 6 : i32
          %add3A_187 = arith.addi %add3A_118, %add3A_186 : i32
          %sub3A_188 = arith.constant 1 : i32
          %sub3A_189 = arith.subi %add3A_187, %sub3A_188 : i32
          %lt3A_190 = arith.cmpi slt, %sub3A_189, %min3A : i32
          %convert_element_type3A_191 = arith.extui %lt3A_190 : i1 to i32
          %cond3A_192 = arith.constant 0 : i32
          %cond3A_193 = arith.cmpi ne, %convert_element_type3A_191, %cond3A_192 : i32
          scf.if %cond3A_193 {
            %add3A_194 = arith.constant 6 : i32
            %add3A_195 = arith.addi %add3A_118, %add3A_194 : i32
            %sub3A_196 = arith.constant 1 : i32
            %sub3A_197 = arith.subi %add3A_195, %sub3A_196 : i32
            %mul3A_198 = arith.constant 80 : i32
            %mul3A_199 = arith.muli %sub3A_197, %mul3A_198 : i32
            %add3A_200 = arith.addi %mul3A_4, %mul3A_199 : i32
            %dma_start3A_201 = tpu.memref_slice %arg3[%add3A_200] : memref<320000xi32, #tpu.memory_space<hbm>> -> memref<80xi32, #tpu.memory_space<hbm>>
            %dma_start3A_202 = tpu.memref_slice %arg3[%add3A_200] : memref<320000xi32, #tpu.memory_space<hbm>> -> memref<80xi32, #tpu.memory_space<hbm>>
            tpu.enqueue_dma source(%dma_start3A_202 : memref<80xi32, #tpu.memory_space<hbm>>) target(%arg8 : memref<80xi32, #tpu.memory_space<vmem>>) target_semaphore(%arg27 : memref<!tpu.dma_semaphore, #tpu.memory_space<semaphore_mem>>)
            %dma_start3A_203 = tpu.memref_slice %arg4[%add3A_200] : memref<320000xi32, #tpu.memory_space<hbm>> -> memref<80xi32, #tpu.memory_space<hbm>>
            %dma_start3A_204 = tpu.memref_slice %arg4[%add3A_200] : memref<320000xi32, #tpu.memory_space<hbm>> -> memref<80xi32, #tpu.memory_space<hbm>>
            tpu.enqueue_dma source(%dma_start3A_204 : memref<80xi32, #tpu.memory_space<hbm>>) target(%arg14 : memref<80xi32, #tpu.memory_space<vmem>>) target_semaphore(%arg27 : memref<!tpu.dma_semaphore, #tpu.memory_space<semaphore_mem>>)
          } else {
          }
        } else {
        }
      } else {
      }
      %mul3A_123 = arith.constant 6 : i32
      %mul3A_124 = arith.muli %add3A_99, %mul3A_123 : i32
      %add3A_125 = arith.constant 3 : i32
      %add3A_126 = arith.addi %mul3A_124, %add3A_125 : i32
      %lt3A_127 = arith.cmpi slt, %add3A_126, %min3A : i32
      %convert_element_type3A_128 = arith.extui %lt3A_127 : i1 to i32
      %cond3A_129 = arith.constant 0 : i32
      %cond3A_130 = arith.cmpi ne, %convert_element_type3A_128, %cond3A_129 : i32
      scf.if %cond3A_130 {
        %dma_wait3A = arith.constant 0 : i32
        %dma_wait3A_147 = arith.constant 0 : i32
        %dma_wait3A_148 = tpu.memref_slice %arg2[%dma_wait3A, %dma_wait3A_147] : memref<10000x128xf32, #tpu.memory_space<hbm>> -> memref<10000x128xf32, #tpu.memory_space<hbm>>
        tpu.wait_indirect_dma semaphore(%arg23 : memref<!tpu.dma_semaphore, #tpu.memory_space<semaphore_mem>>) src(%dma_wait3A_148 : memref<10000x128xf32, #tpu.memory_space<hbm>>) dst(%arg19 : memref<80x128xf32, #tpu.memory_space<vmem>>)
        %dma_start3A = arith.constant 0 : i32
        %dma_start3A_149 = arith.constant 0 : i32
        %dma_start3A_150 = tpu.memref_slice %arg22[%dma_start3A, %dma_start3A_149] : memref<10240x128xf32, #tpu.memory_space<vmem_shared>> -> memref<10240x128xf32, #tpu.memory_space<vmem_shared>>
        tpu.enqueue_indirect_dma source(%arg19 : memref<80x128xf32, #tpu.memory_space<vmem>>) target(%dma_start3A_150 : memref<10240x128xf32, #tpu.memory_space<vmem_shared>>) offsets(%arg16 : memref<80xi32, #tpu.memory_space<vmem>>) semaphore(%arg32 : memref<!tpu.dma_semaphore, #tpu.memory_space<semaphore_mem>>) {add = true}
        %get3A = arith.constant 0 : index
        %get3A_151 = tpu.vector_load %arg16[%get3A] {strides = array<i32>} : memref<80xi32, #tpu.memory_space<vmem>>, vector<16xi32>,
        tpu.vector_store_idx %arg35[%get3A_151], %broadcast_in_dim3A_70 {add = true} : memref<10240xf32, #tpu.memory_space<vmem>>[vector<16xi32>], vector<16xf32>,
        %get3A_152 = arith.constant 16 : index
        %get3A_153 = tpu.vector_load %arg16[%get3A_152] {strides = array<i32>} : memref<80xi32, #tpu.memory_space<vmem>>, vector<16xi32>,
        tpu.vector_store_idx %arg35[%get3A_153], %broadcast_in_dim3A_70 {add = true} : memref<10240xf32, #tpu.memory_space<vmem>>[vector<16xi32>], vector<16xf32>,
        %get3A_154 = arith.constant 32 : index
        %get3A_155 = tpu.vector_load %arg16[%get3A_154] {strides = array<i32>} : memref<80xi32, #tpu.memory_space<vmem>>, vector<16xi32>,
        tpu.vector_store_idx %arg35[%get3A_155], %broadcast_in_dim3A_70 {add = true} : memref<10240xf32, #tpu.memory_space<vmem>>[vector<16xi32>], vector<16xf32>,
        %get3A_156 = arith.constant 48 : index
        %get3A_157 = tpu.vector_load %arg16[%get3A_156] {strides = array<i32>} : memref<80xi32, #tpu.memory_space<vmem>>, vector<16xi32>,
        tpu.vector_store_idx %arg35[%get3A_157], %broadcast_in_dim3A_70 {add = true} : memref<10240xf32, #tpu.memory_space<vmem>>[vector<16xi32>], vector<16xf32>,
        %get3A_158 = arith.constant 64 : index
        %get3A_159 = tpu.vector_load %arg16[%get3A_158] {strides = array<i32>} : memref<80xi32, #tpu.memory_space<vmem>>, vector<16xi32>,
        tpu.vector_store_idx %arg35[%get3A_159], %broadcast_in_dim3A_70 {add = true} : memref<10240xf32, #tpu.memory_space<vmem>>[vector<16xi32>], vector<16xf32>,
        %add3A_160 = arith.constant 3 : i32
        %add3A_161 = arith.addi %add3A_126, %add3A_160 : i32
        %sub3A_162 = arith.constant 1 : i32
        %sub3A_163 = arith.subi %add3A_161, %sub3A_162 : i32
        %lt3A_164 = arith.cmpi slt, %sub3A_163, %min3A : i32
        %convert_element_type3A_165 = arith.extui %lt3A_164 : i1 to i32
        %cond3A_166 = arith.constant 0 : i32
        %cond3A_167 = arith.cmpi ne, %convert_element_type3A_165, %cond3A_166 : i32
        scf.if %cond3A_167 {
          %add3A_168 = arith.constant 3 : i32
          %add3A_169 = arith.addi %add3A_126, %add3A_168 : i32
          %sub3A_170 = arith.constant 1 : i32
          %sub3A_171 = arith.subi %add3A_169, %sub3A_170 : i32
          %mul3A_172 = arith.constant 80 : i32
          %mul3A_173 = arith.muli %sub3A_171, %mul3A_172 : i32
          %add3A_174 = arith.addi %mul3A_4, %mul3A_173 : i32
          %dma_wait3A_175 = tpu.memref_slice %arg3[%add3A_174] : memref<320000xi32, #tpu.memory_space<hbm>> -> memref<80xi32, #tpu.memory_space<hbm>>
          %dma_wait3A_176 = tpu.memref_slice %arg3[%add3A_174] : memref<320000xi32, #tpu.memory_space<hbm>> -> memref<80xi32, #tpu.memory_space<hbm>>
          tpu.wait_dma2 semaphore(%arg31 : memref<!tpu.dma_semaphore, #tpu.memory_space<semaphore_mem>>) src(%dma_wait3A_176 : memref<80xi32, #tpu.memory_space<hbm>>) dst(%arg12 : memref<80xi32, #tpu.memory_space<vmem>>)
          %dma_wait3A_177 = tpu.memref_slice %arg4[%add3A_174] : memref<320000xi32, #tpu.memory_space<hbm>> -> memref<80xi32, #tpu.memory_space<hbm>>
          %dma_wait3A_178 = tpu.memref_slice %arg4[%add3A_174] : memref<320000xi32, #tpu.memory_space<hbm>> -> memref<80xi32, #tpu.memory_space<hbm>>
          tpu.wait_dma2 semaphore(%arg31 : memref<!tpu.dma_semaphore, #tpu.memory_space<semaphore_mem>>) src(%dma_wait3A_178 : memref<80xi32, #tpu.memory_space<hbm>>) dst(%arg18 : memref<80xi32, #tpu.memory_space<vmem>>)
          %ge3A = arith.constant 1 : i32
          %ge3A_179 = arith.cmpi sge, %add3A_126, %ge3A : i32
          %convert_element_type3A_180 = arith.extui %ge3A_179 : i1 to i32
          %cond3A_181 = arith.constant 0 : i32
          %cond3A_182 = arith.cmpi ne, %convert_element_type3A_180, %cond3A_181 : i32
          scf.if %cond3A_182 {
            %dma_wait3A_194 = arith.constant 0 : i32
            %dma_wait3A_195 = arith.constant 0 : i32
            %dma_wait3A_196 = tpu.memref_slice %arg22[%dma_wait3A_194, %dma_wait3A_195] : memref<10240x128xf32, #tpu.memory_space<vmem_shared>> -> memref<10240x128xf32, #tpu.memory_space<vmem_shared>>
            tpu.wait_indirect_dma semaphore(%arg34 : memref<!tpu.dma_semaphore, #tpu.memory_space<semaphore_mem>>) src(%arg21 : memref<80x128xf32, #tpu.memory_space<vmem>>) dst(%dma_wait3A_196 : memref<10240x128xf32, #tpu.memory_space<vmem_shared>>)
          } else {
          }
          %dma_start3A_183 = arith.constant 0 : i32
          %dma_start3A_184 = arith.constant 0 : i32
          %dma_start3A_185 = tpu.memref_slice %arg2[%dma_start3A_183, %dma_start3A_184] : memref<10000x128xf32, #tpu.memory_space<hbm>> -> memref<10000x128xf32, #tpu.memory_space<hbm>>
          tpu.enqueue_indirect_dma source(%dma_start3A_185 : memref<10000x128xf32, #tpu.memory_space<hbm>>) target(%arg21 : memref<80x128xf32, #tpu.memory_space<vmem>>) offsets(%arg12 : memref<80xi32, #tpu.memory_space<vmem>>) semaphore(%arg25 : memref<!tpu.dma_semaphore, #tpu.memory_space<semaphore_mem>>)
          %add3A_186 = arith.constant 6 : i32
          %add3A_187 = arith.addi %add3A_126, %add3A_186 : i32
          %sub3A_188 = arith.constant 1 : i32
          %sub3A_189 = arith.subi %add3A_187, %sub3A_188 : i32
          %lt3A_190 = arith.cmpi slt, %sub3A_189, %min3A : i32
          %convert_element_type3A_191 = arith.extui %lt3A_190 : i1 to i32
          %cond3A_192 = arith.constant 0 : i32
          %cond3A_193 = arith.cmpi ne, %convert_element_type3A_191, %cond3A_192 : i32
          scf.if %cond3A_193 {
            %add3A_194 = arith.constant 6 : i32
            %add3A_195 = arith.addi %add3A_126, %add3A_194 : i32
            %sub3A_196 = arith.constant 1 : i32
            %sub3A_197 = arith.subi %add3A_195, %sub3A_196 : i32
            %mul3A_198 = arith.constant 80 : i32
            %mul3A_199 = arith.muli %sub3A_197, %mul3A_198 : i32
            %add3A_200 = arith.addi %mul3A_4, %mul3A_199 : i32
            %dma_start3A_201 = tpu.memref_slice %arg3[%add3A_200] : memref<320000xi32, #tpu.memory_space<hbm>> -> memref<80xi32, #tpu.memory_space<hbm>>
            %dma_start3A_202 = tpu.memref_slice %arg3[%add3A_200] : memref<320000xi32, #tpu.memory_space<hbm>> -> memref<80xi32, #tpu.memory_space<hbm>>
            tpu.enqueue_dma source(%dma_start3A_202 : memref<80xi32, #tpu.memory_space<hbm>>) target(%arg9 : memref<80xi32, #tpu.memory_space<vmem>>) target_semaphore(%arg28 : memref<!tpu.dma_semaphore, #tpu.memory_space<semaphore_mem>>)
            %dma_start3A_203 = tpu.memref_slice %arg4[%add3A_200] : memref<320000xi32, #tpu.memory_space<hbm>> -> memref<80xi32, #tpu.memory_space<hbm>>
            %dma_start3A_204 = tpu.memref_slice %arg4[%add3A_200] : memref<320000xi32, #tpu.memory_space<hbm>> -> memref<80xi32, #tpu.memory_space<hbm>>
            tpu.enqueue_dma source(%dma_start3A_204 : memref<80xi32, #tpu.memory_space<hbm>>) target(%arg15 : memref<80xi32, #tpu.memory_space<vmem>>) target_semaphore(%arg28 : memref<!tpu.dma_semaphore, #tpu.memory_space<semaphore_mem>>)
          } else {
          }
        } else {
        }
      } else {
      }
      %mul3A_131 = arith.constant 6 : i32
      %mul3A_132 = arith.muli %add3A_99, %mul3A_131 : i32
      %add3A_133 = arith.constant 4 : i32
      %add3A_134 = arith.addi %mul3A_132, %add3A_133 : i32
      %lt3A_135 = arith.cmpi slt, %add3A_134, %min3A : i32
      %convert_element_type3A_136 = arith.extui %lt3A_135 : i1 to i32
      %cond3A_137 = arith.constant 0 : i32
      %cond3A_138 = arith.cmpi ne, %convert_element_type3A_136, %cond3A_137 : i32
      scf.if %cond3A_138 {
        %dma_wait3A = arith.constant 0 : i32
        %dma_wait3A_147 = arith.constant 0 : i32
        %dma_wait3A_148 = tpu.memref_slice %arg2[%dma_wait3A, %dma_wait3A_147] : memref<10000x128xf32, #tpu.memory_space<hbm>> -> memref<10000x128xf32, #tpu.memory_space<hbm>>
        tpu.wait_indirect_dma semaphore(%arg24 : memref<!tpu.dma_semaphore, #tpu.memory_space<semaphore_mem>>) src(%dma_wait3A_148 : memref<10000x128xf32, #tpu.memory_space<hbm>>) dst(%arg20 : memref<80x128xf32, #tpu.memory_space<vmem>>)
        %dma_start3A = arith.constant 0 : i32
        %dma_start3A_149 = arith.constant 0 : i32
        %dma_start3A_150 = tpu.memref_slice %arg22[%dma_start3A, %dma_start3A_149] : memref<10240x128xf32, #tpu.memory_space<vmem_shared>> -> memref<10240x128xf32, #tpu.memory_space<vmem_shared>>
        tpu.enqueue_indirect_dma source(%arg20 : memref<80x128xf32, #tpu.memory_space<vmem>>) target(%dma_start3A_150 : memref<10240x128xf32, #tpu.memory_space<vmem_shared>>) offsets(%arg17 : memref<80xi32, #tpu.memory_space<vmem>>) semaphore(%arg33 : memref<!tpu.dma_semaphore, #tpu.memory_space<semaphore_mem>>) {add = true}
        %get3A = arith.constant 0 : index
        %get3A_151 = tpu.vector_load %arg17[%get3A] {strides = array<i32>} : memref<80xi32, #tpu.memory_space<vmem>>, vector<16xi32>,
        tpu.vector_store_idx %arg35[%get3A_151], %broadcast_in_dim3A_70 {add = true} : memref<10240xf32, #tpu.memory_space<vmem>>[vector<16xi32>], vector<16xf32>,
        %get3A_152 = arith.constant 16 : index
        %get3A_153 = tpu.vector_load %arg17[%get3A_152] {strides = array<i32>} : memref<80xi32, #tpu.memory_space<vmem>>, vector<16xi32>,
        tpu.vector_store_idx %arg35[%get3A_153], %broadcast_in_dim3A_70 {add = true} : memref<10240xf32, #tpu.memory_space<vmem>>[vector<16xi32>], vector<16xf32>,
        %get3A_154 = arith.constant 32 : index
        %get3A_155 = tpu.vector_load %arg17[%get3A_154] {strides = array<i32>} : memref<80xi32, #tpu.memory_space<vmem>>, vector<16xi32>,
        tpu.vector_store_idx %arg35[%get3A_155], %broadcast_in_dim3A_70 {add = true} : memref<10240xf32, #tpu.memory_space<vmem>>[vector<16xi32>], vector<16xf32>,
        %get3A_156 = arith.constant 48 : index
        %get3A_157 = tpu.vector_load %arg17[%get3A_156] {strides = array<i32>} : memref<80xi32, #tpu.memory_space<vmem>>, vector<16xi32>,
        tpu.vector_store_idx %arg35[%get3A_157], %broadcast_in_dim3A_70 {add = true} : memref<10240xf32, #tpu.memory_space<vmem>>[vector<16xi32>], vector<16xf32>,
        %get3A_158 = arith.constant 64 : index
        %get3A_159 = tpu.vector_load %arg17[%get3A_158] {strides = array<i32>} : memref<80xi32, #tpu.memory_space<vmem>>, vector<16xi32>,
        tpu.vector_store_idx %arg35[%get3A_159], %broadcast_in_dim3A_70 {add = true} : memref<10240xf32, #tpu.memory_space<vmem>>[vector<16xi32>], vector<16xf32>,
        %add3A_160 = arith.constant 3 : i32
        %add3A_161 = arith.addi %add3A_134, %add3A_160 : i32
        %sub3A_162 = arith.constant 1 : i32
        %sub3A_163 = arith.subi %add3A_161, %sub3A_162 : i32
        %lt3A_164 = arith.cmpi slt, %sub3A_163, %min3A : i32
        %convert_element_type3A_165 = arith.extui %lt3A_164 : i1 to i32
        %cond3A_166 = arith.constant 0 : i32
        %cond3A_167 = arith.cmpi ne, %convert_element_type3A_165, %cond3A_166 : i32
        scf.if %cond3A_167 {
          %add3A_168 = arith.constant 3 : i32
          %add3A_169 = arith.addi %add3A_134, %add3A_168 : i32
          %sub3A_170 = arith.constant 1 : i32
          %sub3A_171 = arith.subi %add3A_169, %sub3A_170 : i32
          %mul3A_172 = arith.constant 80 : i32
          %mul3A_173 = arith.muli %sub3A_171, %mul3A_172 : i32
          %add3A_174 = arith.addi %mul3A_4, %mul3A_173 : i32
          %dma_wait3A_175 = tpu.memref_slice %arg3[%add3A_174] : memref<320000xi32, #tpu.memory_space<hbm>> -> memref<80xi32, #tpu.memory_space<hbm>>
          %dma_wait3A_176 = tpu.memref_slice %arg3[%add3A_174] : memref<320000xi32, #tpu.memory_space<hbm>> -> memref<80xi32, #tpu.memory_space<hbm>>
          tpu.wait_dma2 semaphore(%arg26 : memref<!tpu.dma_semaphore, #tpu.memory_space<semaphore_mem>>) src(%dma_wait3A_176 : memref<80xi32, #tpu.memory_space<hbm>>) dst(%arg7 : memref<80xi32, #tpu.memory_space<vmem>>)
          %dma_wait3A_177 = tpu.memref_slice %arg4[%add3A_174] : memref<320000xi32, #tpu.memory_space<hbm>> -> memref<80xi32, #tpu.memory_space<hbm>>
          %dma_wait3A_178 = tpu.memref_slice %arg4[%add3A_174] : memref<320000xi32, #tpu.memory_space<hbm>> -> memref<80xi32, #tpu.memory_space<hbm>>
          tpu.wait_dma2 semaphore(%arg26 : memref<!tpu.dma_semaphore, #tpu.memory_space<semaphore_mem>>) src(%dma_wait3A_178 : memref<80xi32, #tpu.memory_space<hbm>>) dst(%arg13 : memref<80xi32, #tpu.memory_space<vmem>>)
          %ge3A = arith.constant 1 : i32
          %ge3A_179 = arith.cmpi sge, %add3A_134, %ge3A : i32
          %convert_element_type3A_180 = arith.extui %ge3A_179 : i1 to i32
          %cond3A_181 = arith.constant 0 : i32
          %cond3A_182 = arith.cmpi ne, %convert_element_type3A_180, %cond3A_181 : i32
          scf.if %cond3A_182 {
            %dma_wait3A_194 = arith.constant 0 : i32
            %dma_wait3A_195 = arith.constant 0 : i32
            %dma_wait3A_196 = tpu.memref_slice %arg22[%dma_wait3A_194, %dma_wait3A_195] : memref<10240x128xf32, #tpu.memory_space<vmem_shared>> -> memref<10240x128xf32, #tpu.memory_space<vmem_shared>>
            tpu.wait_indirect_dma semaphore(%arg32 : memref<!tpu.dma_semaphore, #tpu.memory_space<semaphore_mem>>) src(%arg19 : memref<80x128xf32, #tpu.memory_space<vmem>>) dst(%dma_wait3A_196 : memref<10240x128xf32, #tpu.memory_space<vmem_shared>>)
          } else {
          }
          %dma_start3A_183 = arith.constant 0 : i32
          %dma_start3A_184 = arith.constant 0 : i32
          %dma_start3A_185 = tpu.memref_slice %arg2[%dma_start3A_183, %dma_start3A_184] : memref<10000x128xf32, #tpu.memory_space<hbm>> -> memref<10000x128xf32, #tpu.memory_space<hbm>>
          tpu.enqueue_indirect_dma source(%dma_start3A_185 : memref<10000x128xf32, #tpu.memory_space<hbm>>) target(%arg19 : memref<80x128xf32, #tpu.memory_space<vmem>>) offsets(%arg7 : memref<80xi32, #tpu.memory_space<vmem>>) semaphore(%arg23 : memref<!tpu.dma_semaphore, #tpu.memory_space<semaphore_mem>>)
          %add3A_186 = arith.constant 6 : i32
          %add3A_187 = arith.addi %add3A_134, %add3A_186 : i32
          %sub3A_188 = arith.constant 1 : i32
          %sub3A_189 = arith.subi %add3A_187, %sub3A_188 : i32
          %lt3A_190 = arith.cmpi slt, %sub3A_189, %min3A : i32
          %convert_element_type3A_191 = arith.extui %lt3A_190 : i1 to i32
          %cond3A_192 = arith.constant 0 : i32
          %cond3A_193 = arith.cmpi ne, %convert_element_type3A_191, %cond3A_192 : i32
          scf.if %cond3A_193 {
            %add3A_194 = arith.constant 6 : i32
            %add3A_195 = arith.addi %add3A_134, %add3A_194 : i32
            %sub3A_196 = arith.constant 1 : i32
            %sub3A_197 = arith.subi %add3A_195, %sub3A_196 : i32
            %mul3A_198 = arith.constant 80 : i32
            %mul3A_199 = arith.muli %sub3A_197, %mul3A_198 : i32
            %add3A_200 = arith.addi %mul3A_4, %mul3A_199 : i32
            %dma_start3A_201 = tpu.memref_slice %arg3[%add3A_200] : memref<320000xi32, #tpu.memory_space<hbm>> -> memref<80xi32, #tpu.memory_space<hbm>>
            %dma_start3A_202 = tpu.memref_slice %arg3[%add3A_200] : memref<320000xi32, #tpu.memory_space<hbm>> -> memref<80xi32, #tpu.memory_space<hbm>>
            tpu.enqueue_dma source(%dma_start3A_202 : memref<80xi32, #tpu.memory_space<hbm>>) target(%arg10 : memref<80xi32, #tpu.memory_space<vmem>>) target_semaphore(%arg29 : memref<!tpu.dma_semaphore, #tpu.memory_space<semaphore_mem>>)
            %dma_start3A_203 = tpu.memref_slice %arg4[%add3A_200] : memref<320000xi32, #tpu.memory_space<hbm>> -> memref<80xi32, #tpu.memory_space<hbm>>
            %dma_start3A_204 = tpu.memref_slice %arg4[%add3A_200] : memref<320000xi32, #tpu.memory_space<hbm>> -> memref<80xi32, #tpu.memory_space<hbm>>
            tpu.enqueue_dma source(%dma_start3A_204 : memref<80xi32, #tpu.memory_space<hbm>>) target(%arg16 : memref<80xi32, #tpu.memory_space<vmem>>) target_semaphore(%arg29 : memref<!tpu.dma_semaphore, #tpu.memory_space<semaphore_mem>>)
          } else {
          }
        } else {
        }
      } else {
      }
      %mul3A_139 = arith.constant 6 : i32
      %mul3A_140 = arith.muli %add3A_99, %mul3A_139 : i32
      %add3A_141 = arith.constant 5 : i32
      %add3A_142 = arith.addi %mul3A_140, %add3A_141 : i32
      %lt3A_143 = arith.cmpi slt, %add3A_142, %min3A : i32
      %convert_element_type3A_144 = arith.extui %lt3A_143 : i1 to i32
      %cond3A_145 = arith.constant 0 : i32
      %cond3A_146 = arith.cmpi ne, %convert_element_type3A_144, %cond3A_145 : i32
      scf.if %cond3A_146 {
        %dma_wait3A = arith.constant 0 : i32
        %dma_wait3A_147 = arith.constant 0 : i32
        %dma_wait3A_148 = tpu.memref_slice %arg2[%dma_wait3A, %dma_wait3A_147] : memref<10000x128xf32, #tpu.memory_space<hbm>> -> memref<10000x128xf32, #tpu.memory_space<hbm>>
        tpu.wait_indirect_dma semaphore(%arg25 : memref<!tpu.dma_semaphore, #tpu.memory_space<semaphore_mem>>) src(%dma_wait3A_148 : memref<10000x128xf32, #tpu.memory_space<hbm>>) dst(%arg21 : memref<80x128xf32, #tpu.memory_space<vmem>>)
        %dma_start3A = arith.constant 0 : i32
        %dma_start3A_149 = arith.constant 0 : i32
        %dma_start3A_150 = tpu.memref_slice %arg22[%dma_start3A, %dma_start3A_149] : memref<10240x128xf32, #tpu.memory_space<vmem_shared>> -> memref<10240x128xf32, #tpu.memory_space<vmem_shared>>
        tpu.enqueue_indirect_dma source(%arg21 : memref<80x128xf32, #tpu.memory_space<vmem>>) target(%dma_start3A_150 : memref<10240x128xf32, #tpu.memory_space<vmem_shared>>) offsets(%arg18 : memref<80xi32, #tpu.memory_space<vmem>>) semaphore(%arg34 : memref<!tpu.dma_semaphore, #tpu.memory_space<semaphore_mem>>) {add = true}
        %get3A = arith.constant 0 : index
        %get3A_151 = tpu.vector_load %arg18[%get3A] {strides = array<i32>} : memref<80xi32, #tpu.memory_space<vmem>>, vector<16xi32>,
        tpu.vector_store_idx %arg35[%get3A_151], %broadcast_in_dim3A_70 {add = true} : memref<10240xf32, #tpu.memory_space<vmem>>[vector<16xi32>], vector<16xf32>,
        %get3A_152 = arith.constant 16 : index
        %get3A_153 = tpu.vector_load %arg18[%get3A_152] {strides = array<i32>} : memref<80xi32, #tpu.memory_space<vmem>>, vector<16xi32>,
        tpu.vector_store_idx %arg35[%get3A_153], %broadcast_in_dim3A_70 {add = true} : memref<10240xf32, #tpu.memory_space<vmem>>[vector<16xi32>], vector<16xf32>,
        %get3A_154 = arith.constant 32 : index
        %get3A_155 = tpu.vector_load %arg18[%get3A_154] {strides = array<i32>} : memref<80xi32, #tpu.memory_space<vmem>>, vector<16xi32>,
        tpu.vector_store_idx %arg35[%get3A_155], %broadcast_in_dim3A_70 {add = true} : memref<10240xf32, #tpu.memory_space<vmem>>[vector<16xi32>], vector<16xf32>,
        %get3A_156 = arith.constant 48 : index
        %get3A_157 = tpu.vector_load %arg18[%get3A_156] {strides = array<i32>} : memref<80xi32, #tpu.memory_space<vmem>>, vector<16xi32>,
        tpu.vector_store_idx %arg35[%get3A_157], %broadcast_in_dim3A_70 {add = true} : memref<10240xf32, #tpu.memory_space<vmem>>[vector<16xi32>], vector<16xf32>,
        %get3A_158 = arith.constant 64 : index
        %get3A_159 = tpu.vector_load %arg18[%get3A_158] {strides = array<i32>} : memref<80xi32, #tpu.memory_space<vmem>>, vector<16xi32>,
        tpu.vector_store_idx %arg35[%get3A_159], %broadcast_in_dim3A_70 {add = true} : memref<10240xf32, #tpu.memory_space<vmem>>[vector<16xi32>], vector<16xf32>,
        %add3A_160 = arith.constant 3 : i32
        %add3A_161 = arith.addi %add3A_142, %add3A_160 : i32
        %sub3A_162 = arith.constant 1 : i32
        %sub3A_163 = arith.subi %add3A_161, %sub3A_162 : i32
        %lt3A_164 = arith.cmpi slt, %sub3A_163, %min3A : i32
        %convert_element_type3A_165 = arith.extui %lt3A_164 : i1 to i32
        %cond3A_166 = arith.constant 0 : i32
        %cond3A_167 = arith.cmpi ne, %convert_element_type3A_165, %cond3A_166 : i32
        scf.if %cond3A_167 {
          %add3A_168 = arith.constant 3 : i32
          %add3A_169 = arith.addi %add3A_142, %add3A_168 : i32
          %sub3A_170 = arith.constant 1 : i32
          %sub3A_171 = arith.subi %add3A_169, %sub3A_170 : i32
          %mul3A_172 = arith.constant 80 : i32
          %mul3A_173 = arith.muli %sub3A_171, %mul3A_172 : i32
          %add3A_174 = arith.addi %mul3A_4, %mul3A_173 : i32
          %dma_wait3A_175 = tpu.memref_slice %arg3[%add3A_174] : memref<320000xi32, #tpu.memory_space<hbm>> -> memref<80xi32, #tpu.memory_space<hbm>>
          %dma_wait3A_176 = tpu.memref_slice %arg3[%add3A_174] : memref<320000xi32, #tpu.memory_space<hbm>> -> memref<80xi32, #tpu.memory_space<hbm>>
          tpu.wait_dma2 semaphore(%arg27 : memref<!tpu.dma_semaphore, #tpu.memory_space<semaphore_mem>>) src(%dma_wait3A_176 : memref<80xi32, #tpu.memory_space<hbm>>) dst(%arg8 : memref<80xi32, #tpu.memory_space<vmem>>)
          %dma_wait3A_177 = tpu.memref_slice %arg4[%add3A_174] : memref<320000xi32, #tpu.memory_space<hbm>> -> memref<80xi32, #tpu.memory_space<hbm>>
          %dma_wait3A_178 = tpu.memref_slice %arg4[%add3A_174] : memref<320000xi32, #tpu.memory_space<hbm>> -> memref<80xi32, #tpu.memory_space<hbm>>
          tpu.wait_dma2 semaphore(%arg27 : memref<!tpu.dma_semaphore, #tpu.memory_space<semaphore_mem>>) src(%dma_wait3A_178 : memref<80xi32, #tpu.memory_space<hbm>>) dst(%arg14 : memref<80xi32, #tpu.memory_space<vmem>>)
          %ge3A = arith.constant 1 : i32
          %ge3A_179 = arith.cmpi sge, %add3A_142, %ge3A : i32
          %convert_element_type3A_180 = arith.extui %ge3A_179 : i1 to i32
          %cond3A_181 = arith.constant 0 : i32
          %cond3A_182 = arith.cmpi ne, %convert_element_type3A_180, %cond3A_181 : i32
          scf.if %cond3A_182 {
            %dma_wait3A_194 = arith.constant 0 : i32
            %dma_wait3A_195 = arith.constant 0 : i32
            %dma_wait3A_196 = tpu.memref_slice %arg22[%dma_wait3A_194, %dma_wait3A_195] : memref<10240x128xf32, #tpu.memory_space<vmem_shared>> -> memref<10240x128xf32, #tpu.memory_space<vmem_shared>>
            tpu.wait_indirect_dma semaphore(%arg33 : memref<!tpu.dma_semaphore, #tpu.memory_space<semaphore_mem>>) src(%arg20 : memref<80x128xf32, #tpu.memory_space<vmem>>) dst(%dma_wait3A_196 : memref<10240x128xf32, #tpu.memory_space<vmem_shared>>)
          } else {
          }
          %dma_start3A_183 = arith.constant 0 : i32
          %dma_start3A_184 = arith.constant 0 : i32
          %dma_start3A_185 = tpu.memref_slice %arg2[%dma_start3A_183, %dma_start3A_184] : memref<10000x128xf32, #tpu.memory_space<hbm>> -> memref<10000x128xf32, #tpu.memory_space<hbm>>
          tpu.enqueue_indirect_dma source(%dma_start3A_185 : memref<10000x128xf32, #tpu.memory_space<hbm>>) target(%arg20 : memref<80x128xf32, #tpu.memory_space<vmem>>) offsets(%arg8 : memref<80xi32, #tpu.memory_space<vmem>>) semaphore(%arg24 : memref<!tpu.dma_semaphore, #tpu.memory_space<semaphore_mem>>)
          %add3A_186 = arith.constant 6 : i32
          %add3A_187 = arith.addi %add3A_142, %add3A_186 : i32
          %sub3A_188 = arith.constant 1 : i32
          %sub3A_189 = arith.subi %add3A_187, %sub3A_188 : i32
          %lt3A_190 = arith.cmpi slt, %sub3A_189, %min3A : i32
          %convert_element_type3A_191 = arith.extui %lt3A_190 : i1 to i32
          %cond3A_192 = arith.constant 0 : i32
          %cond3A_193 = arith.cmpi ne, %convert_element_type3A_191, %cond3A_192 : i32
          scf.if %cond3A_193 {
            %add3A_194 = arith.constant 6 : i32
            %add3A_195 = arith.addi %add3A_142, %add3A_194 : i32
            %sub3A_196 = arith.constant 1 : i32
            %sub3A_197 = arith.subi %add3A_195, %sub3A_196 : i32
            %mul3A_198 = arith.constant 80 : i32
            %mul3A_199 = arith.muli %sub3A_197, %mul3A_198 : i32
            %add3A_200 = arith.addi %mul3A_4, %mul3A_199 : i32
            %dma_start3A_201 = tpu.memref_slice %arg3[%add3A_200] : memref<320000xi32, #tpu.memory_space<hbm>> -> memref<80xi32, #tpu.memory_space<hbm>>
            %dma_start3A_202 = tpu.memref_slice %arg3[%add3A_200] : memref<320000xi32, #tpu.memory_space<hbm>> -> memref<80xi32, #tpu.memory_space<hbm>>
            tpu.enqueue_dma source(%dma_start3A_202 : memref<80xi32, #tpu.memory_space<hbm>>) target(%arg11 : memref<80xi32, #tpu.memory_space<vmem>>) target_semaphore(%arg30 : memref<!tpu.dma_semaphore, #tpu.memory_space<semaphore_mem>>)
            %dma_start3A_203 = tpu.memref_slice %arg4[%add3A_200] : memref<320000xi32, #tpu.memory_space<hbm>> -> memref<80xi32, #tpu.memory_space<hbm>>
            %dma_start3A_204 = tpu.memref_slice %arg4[%add3A_200] : memref<320000xi32, #tpu.memory_space<hbm>> -> memref<80xi32, #tpu.memory_space<hbm>>
            tpu.enqueue_dma source(%dma_start3A_204 : memref<80xi32, #tpu.memory_space<hbm>>) target(%arg17 : memref<80xi32, #tpu.memory_space<vmem>>) target_semaphore(%arg30 : memref<!tpu.dma_semaphore, #tpu.memory_space<semaphore_mem>>)
          } else {
          }
        } else {
        }
      } else {
      }
    }
    %scan3A_75 = arith.constant 21 : i32
    %gt3A_76 = arith.constant 0 : i32
    %gt3A_77 = arith.cmpi sgt, %min3A, %gt3A_76 : i32
    %convert_element_type3A_78 = arith.extui %gt3A_77 : i1 to i32
    %cond3A_79 = arith.constant 0 : i32
    %cond3A_80 = arith.cmpi ne, %convert_element_type3A_78, %cond3A_79 : i32
    scf.if %cond3A_80 {
      %dma_wait3A = arith.constant 0 : i32
      %dma_wait3A_95 = arith.constant 0 : i32
      %dma_wait3A_96 = tpu.memref_slice %arg22[%dma_wait3A, %dma_wait3A_95] : memref<10240x128xf32, #tpu.memory_space<vmem_shared>> -> memref<10240x128xf32, #tpu.memory_space<vmem_shared>>
      tpu.wait_indirect_dma semaphore(%arg32 : memref<!tpu.dma_semaphore, #tpu.memory_space<semaphore_mem>>) src(%arg19 : memref<80x128xf32, #tpu.memory_space<vmem>>) dst(%dma_wait3A_96 : memref<10240x128xf32, #tpu.memory_space<vmem_shared>>)
    } else {
    }
    %gt3A_81 = arith.constant 1 : i32
    %gt3A_82 = arith.cmpi sgt, %min3A, %gt3A_81 : i32
    %convert_element_type3A_83 = arith.extui %gt3A_82 : i1 to i32
    %cond3A_84 = arith.constant 0 : i32
    %cond3A_85 = arith.cmpi ne, %convert_element_type3A_83, %cond3A_84 : i32
    scf.if %cond3A_85 {
      %dma_wait3A = arith.constant 0 : i32
      %dma_wait3A_95 = arith.constant 0 : i32
      %dma_wait3A_96 = tpu.memref_slice %arg22[%dma_wait3A, %dma_wait3A_95] : memref<10240x128xf32, #tpu.memory_space<vmem_shared>> -> memref<10240x128xf32, #tpu.memory_space<vmem_shared>>
      tpu.wait_indirect_dma semaphore(%arg33 : memref<!tpu.dma_semaphore, #tpu.memory_space<semaphore_mem>>) src(%arg20 : memref<80x128xf32, #tpu.memory_space<vmem>>) dst(%dma_wait3A_96 : memref<10240x128xf32, #tpu.memory_space<vmem_shared>>)
    } else {
    }
    %gt3A_86 = arith.constant 2 : i32
    %gt3A_87 = arith.cmpi sgt, %min3A, %gt3A_86 : i32
    %convert_element_type3A_88 = arith.extui %gt3A_87 : i1 to i32
    %cond3A_89 = arith.constant 0 : i32
    %cond3A_90 = arith.cmpi ne, %convert_element_type3A_88, %cond3A_89 : i32
    scf.if %cond3A_90 {
      %dma_wait3A = arith.constant 0 : i32
      %dma_wait3A_95 = arith.constant 0 : i32
      %dma_wait3A_96 = tpu.memref_slice %arg22[%dma_wait3A, %dma_wait3A_95] : memref<10240x128xf32, #tpu.memory_space<vmem_shared>> -> memref<10240x128xf32, #tpu.memory_space<vmem_shared>>
      tpu.wait_indirect_dma semaphore(%arg34 : memref<!tpu.dma_semaphore, #tpu.memory_space<semaphore_mem>>) src(%arg21 : memref<80x128xf32, #tpu.memory_space<vmem>>) dst(%dma_wait3A_96 : memref<10240x128xf32, #tpu.memory_space<vmem_shared>>)
    } else {
    }
    %barrier3A_91 = arith.constant 0 : index
    tpu.barrier barrier_id(%barrier3A_91)
    %mul3A_92 = arith.constant 10240 : i32
    %mul3A_93 = arith.muli %arg0, %mul3A_92 : i32
    %add3A_94 = arith.addi %mul3A_93, %mul3A_37 : i32
    "tpu.region"() ({
      %run_scoped3A = tpu.sem_alloc : memref<!tpu.dma_semaphore, #tpu.memory_space<semaphore_mem>>
      %dma_start3A = arith.constant 0 : i32
      %dma_start3A_95 = tpu.memref_slice %arg5[%add3A_94, %dma_start3A] : memref<20480x128xf32, #tpu.memory_space<hbm>> -> memref<640x128xf32, #tpu.memory_space<hbm>>
      %dma_start3A_96 = arith.constant 0 : i32
      %dma_start3A_97 = tpu.memref_slice %arg22[%mul3A_37, %dma_start3A_96] : memref<10240x128xf32, #tpu.memory_space<vmem_shared>> -> memref<640x128xf32, #tpu.memory_space<vmem_shared>>
      tpu.enqueue_dma source(%dma_start3A_97 : memref<640x128xf32, #tpu.memory_space<vmem_shared>>) target(%dma_start3A_95 : memref<640x128xf32, #tpu.memory_space<hbm>>) target_semaphore(%run_scoped3A : memref<!tpu.dma_semaphore, #tpu.memory_space<semaphore_mem>>)
      %dma_wait3A = arith.constant 0 : i32
      %dma_wait3A_98 = tpu.memref_slice %arg5[%add3A_94, %dma_wait3A] : memref<20480x128xf32, #tpu.memory_space<hbm>> -> memref<640x128xf32, #tpu.memory_space<hbm>>
      %dma_wait3A_99 = arith.constant 0 : i32
      %dma_wait3A_100 = tpu.memref_slice %arg22[%mul3A_37, %dma_wait3A_99] : memref<10240x128xf32, #tpu.memory_space<vmem_shared>> -> memref<640x128xf32, #tpu.memory_space<vmem_shared>>
      tpu.wait_dma2 semaphore(%run_scoped3A : memref<!tpu.dma_semaphore, #tpu.memory_space<semaphore_mem>>) src(%dma_wait3A_100 : memref<640x128xf32, #tpu.memory_space<vmem_shared>>) dst(%dma_wait3A_98 : memref<640x128xf32, #tpu.memory_space<hbm>>)
      tpu.yield
    }) : () -> ()
    "tpu.region"() ({
      %run_scoped3A = tpu.sem_alloc : memref<!tpu.dma_semaphore, #tpu.memory_space<semaphore_mem>>
      %dma_start3A = arith.constant 0 : i32
      %dma_start3A_95 = tpu.memref_slice %arg6[%add3A, %dma_start3A] : memref<32x10240xf32, #tpu.memory_space<hbm>> -> memref<1x10240xf32, #tpu.memory_space<hbm>>
      %dma_start3A_96 = tpu.memref_squeeze %dma_start3A_95 : memref<1x10240xf32, #tpu.memory_space<hbm>> -> memref<10240xf32, #tpu.memory_space<hbm>>
      %dma_start3A_97 = arith.constant 0 : i32
      %dma_start3A_98 = tpu.memref_slice %arg6[%add3A, %dma_start3A_97] : memref<32x10240xf32, #tpu.memory_space<hbm>> -> memref<1x10240xf32, #tpu.memory_space<hbm>>
      %dma_start3A_99 = tpu.memref_squeeze %dma_start3A_98 : memref<1x10240xf32, #tpu.memory_space<hbm>> -> memref<10240xf32, #tpu.memory_space<hbm>>
      tpu.enqueue_dma source(%arg35 : memref<10240xf32, #tpu.memory_space<vmem>>) target(%dma_start3A_99 : memref<10240xf32, #tpu.memory_space<hbm>>) target_semaphore(%run_scoped3A : memref<!tpu.dma_semaphore, #tpu.memory_space<semaphore_mem>>)
      %dma_wait3A = arith.constant 0 : i32
      %dma_wait3A_100 = tpu.memref_slice %arg6[%add3A, %dma_wait3A] : memref<32x10240xf32, #tpu.memory_space<hbm>> -> memref<1x10240xf32, #tpu.memory_space<hbm>>
      %dma_wait3A_101 = tpu.memref_squeeze %dma_wait3A_100 : memref<1x10240xf32, #tpu.memory_space<hbm>> -> memref<10240xf32, #tpu.memory_space<hbm>>
      %dma_wait3A_102 = arith.constant 0 : i32
      %dma_wait3A_103 = tpu.memref_slice %arg6[%add3A, %dma_wait3A_102] : memref<32x10240xf32, #tpu.memory_space<hbm>> -> memref<1x10240xf32, #tpu.memory_space<hbm>>
      %dma_wait3A_104 = tpu.memref_squeeze %dma_wait3A_103 : memref<1x10240xf32, #tpu.memory_space<hbm>> -> memref<10240xf32, #tpu.memory_space<hbm>>
      tpu.wait_dma2 semaphore(%run_scoped3A : memref<!tpu.dma_semaphore, #tpu.memory_space<semaphore_mem>>) src(%arg35 : memref<10240xf32, #tpu.memory_space<vmem>>) dst(%dma_wait3A_104 : memref<10240xf32, #tpu.memory_space<hbm>>)
      tpu.yield
    }) : () -> ()
    return
  }
}

#map = affine_map<(d0, d1) -> (0, 0)>
#map1 = affine_map<(d0, d1) -> (0)>
module attributes {stable_mosaic.version = 14 : i64} {
  func.func @agg_kernel(%arg0: i32, %arg1: i32, %arg2: memref<10240x128xf32, #tpu.memory_space<hbm>>, %arg3: memref<320000xi32, #tpu.memory_space<hbm>>, %arg4: memref<320000xi32, #tpu.memory_space<hbm>>, %arg5: memref<20480x128xf32, #tpu.memory_space<hbm>>, %arg6: memref<80xi32, #tpu.memory_space<vmem>>, %arg7: memref<80xi32, #tpu.memory_space<vmem>>, %arg8: memref<80xi32, #tpu.memory_space<vmem>>, %arg9: memref<80xi32, #tpu.memory_space<vmem>>, %arg10: memref<80xi32, #tpu.memory_space<vmem>>, %arg11: memref<80xi32, #tpu.memory_space<vmem>>, %arg12: memref<80xi32, #tpu.memory_space<vmem>>, %arg13: memref<80xi32, #tpu.memory_space<vmem>>, %arg14: memref<80xi32, #tpu.memory_space<vmem>>, %arg15: memref<80xi32, #tpu.memory_space<vmem>>, %arg16: memref<80xi32, #tpu.memory_space<vmem>>, %arg17: memref<80xi32, #tpu.memory_space<vmem>>, %arg18: memref<80x128xf32, #tpu.memory_space<vmem>>, %arg19: memref<80x128xf32, #tpu.memory_space<vmem>>, %arg20: memref<80x128xf32, #tpu.memory_space<vmem>>, %arg21: memref<10240x128xf32, #tpu.memory_space<vmem_shared>>, %arg22: memref<!tpu.dma_semaphore, #tpu.memory_space<semaphore_mem>>, %arg23: memref<!tpu.dma_semaphore, #tpu.memory_space<semaphore_mem>>, %arg24: memref<!tpu.dma_semaphore, #tpu.memory_space<semaphore_mem>>, %arg25: memref<!tpu.dma_semaphore, #tpu.memory_space<semaphore_mem>>, %arg26: memref<!tpu.dma_semaphore, #tpu.memory_space<semaphore_mem>>, %arg27: memref<!tpu.dma_semaphore, #tpu.memory_space<semaphore_mem>>, %arg28: memref<!tpu.dma_semaphore, #tpu.memory_space<semaphore_mem>>, %arg29: memref<!tpu.dma_semaphore, #tpu.memory_space<semaphore_mem>>, %arg30: memref<!tpu.dma_semaphore, #tpu.memory_space<semaphore_mem>>, %arg31: memref<!tpu.dma_semaphore, #tpu.memory_space<semaphore_mem>>, %arg32: memref<!tpu.dma_semaphore, #tpu.memory_space<semaphore_mem>>, %arg33: memref<!tpu.dma_semaphore, #tpu.memory_space<semaphore_mem>>) attributes {dimension_semantics = [#tpu.dimension_semantics<core_parallel>, #tpu.dimension_semantics<subcore_parallel>], iteration_bounds = array<i64: 2, 16>, scalar_prefetch = 0 : i64, scratch_operands = 28 : i64, tpu.core_type = #tpu.core_type<sc_vector_subcore>, window_params = [{transform_indices = #map}, {transform_indices = #map1}, {transform_indices = #map1}, {transform_indices = #map}]} {
    %mul3A = arith.constant 2 : i32
    %mul3A_0 = arith.muli %arg1, %mul3A : i32
    %add3A = arith.addi %mul3A_0, %arg0 : i32
    %mul3A_1 = arith.constant 125 : i32
    %mul3A_2 = arith.muli %add3A, %mul3A_1 : i32
    %mul3A_3 = arith.constant 80 : i32
    %mul3A_4 = arith.muli %mul3A_2, %mul3A_3 : i32
    %mul3A_5 = arith.constant 125 : i32
    %mul3A_6 = arith.muli %add3A, %mul3A_5 : i32
    %sub3A = arith.constant 4000 : i32
    %sub3A_7 = arith.subi %sub3A, %mul3A_6 : i32
    %jit3A = arith.constant 0 : i32
    %jit3A_8 = arith.constant 125 : i32
    %max3A = arith.maxsi %jit3A, %sub3A_7 : i32
    %min3A = arith.minsi %jit3A_8, %max3A : i32
    %gt3A = arith.constant 0 : i32
    %gt3A_9 = arith.cmpi sgt, %min3A, %gt3A : i32
    %convert_element_type3A = arith.extui %gt3A_9 : i1 to i32
    %cond3A = arith.constant 0 : i32
    %cond3A_10 = arith.cmpi ne, %convert_element_type3A, %cond3A : i32
    scf.if %cond3A_10 {
      %add3A_90 = arith.constant 0 : i32
      %add3A_91 = arith.addi %mul3A_4, %add3A_90 : i32
      %dma_start3A = tpu.memref_slice %arg3[%add3A_91] : memref<320000xi32, #tpu.memory_space<hbm>> -> memref<80xi32, #tpu.memory_space<hbm>>
      %dma_start3A_92 = tpu.memref_slice %arg3[%add3A_91] : memref<320000xi32, #tpu.memory_space<hbm>> -> memref<80xi32, #tpu.memory_space<hbm>>
      tpu.enqueue_dma source(%dma_start3A_92 : memref<80xi32, #tpu.memory_space<hbm>>) target(%arg6 : memref<80xi32, #tpu.memory_space<vmem>>) target_semaphore(%arg25 : memref<!tpu.dma_semaphore, #tpu.memory_space<semaphore_mem>>)
      %dma_start3A_93 = tpu.memref_slice %arg4[%add3A_91] : memref<320000xi32, #tpu.memory_space<hbm>> -> memref<80xi32, #tpu.memory_space<hbm>>
      %dma_start3A_94 = tpu.memref_slice %arg4[%add3A_91] : memref<320000xi32, #tpu.memory_space<hbm>> -> memref<80xi32, #tpu.memory_space<hbm>>
      tpu.enqueue_dma source(%dma_start3A_94 : memref<80xi32, #tpu.memory_space<hbm>>) target(%arg12 : memref<80xi32, #tpu.memory_space<vmem>>) target_semaphore(%arg25 : memref<!tpu.dma_semaphore, #tpu.memory_space<semaphore_mem>>)
    } else {
    }
    %gt3A_11 = arith.constant 1 : i32
    %gt3A_12 = arith.cmpi sgt, %min3A, %gt3A_11 : i32
    %convert_element_type3A_13 = arith.extui %gt3A_12 : i1 to i32
    %cond3A_14 = arith.constant 0 : i32
    %cond3A_15 = arith.cmpi ne, %convert_element_type3A_13, %cond3A_14 : i32
    scf.if %cond3A_15 {
      %add3A_90 = arith.constant 80 : i32
      %add3A_91 = arith.addi %mul3A_4, %add3A_90 : i32
      %dma_start3A = tpu.memref_slice %arg3[%add3A_91] : memref<320000xi32, #tpu.memory_space<hbm>> -> memref<80xi32, #tpu.memory_space<hbm>>
      %dma_start3A_92 = tpu.memref_slice %arg3[%add3A_91] : memref<320000xi32, #tpu.memory_space<hbm>> -> memref<80xi32, #tpu.memory_space<hbm>>
      tpu.enqueue_dma source(%dma_start3A_92 : memref<80xi32, #tpu.memory_space<hbm>>) target(%arg7 : memref<80xi32, #tpu.memory_space<vmem>>) target_semaphore(%arg26 : memref<!tpu.dma_semaphore, #tpu.memory_space<semaphore_mem>>)
      %dma_start3A_93 = tpu.memref_slice %arg4[%add3A_91] : memref<320000xi32, #tpu.memory_space<hbm>> -> memref<80xi32, #tpu.memory_space<hbm>>
      %dma_start3A_94 = tpu.memref_slice %arg4[%add3A_91] : memref<320000xi32, #tpu.memory_space<hbm>> -> memref<80xi32, #tpu.memory_space<hbm>>
      tpu.enqueue_dma source(%dma_start3A_94 : memref<80xi32, #tpu.memory_space<hbm>>) target(%arg13 : memref<80xi32, #tpu.memory_space<vmem>>) target_semaphore(%arg26 : memref<!tpu.dma_semaphore, #tpu.memory_space<semaphore_mem>>)
    } else {
    }
    %gt3A_16 = arith.constant 2 : i32
    %gt3A_17 = arith.cmpi sgt, %min3A, %gt3A_16 : i32
    %convert_element_type3A_18 = arith.extui %gt3A_17 : i1 to i32
    %cond3A_19 = arith.constant 0 : i32
    %cond3A_20 = arith.cmpi ne, %convert_element_type3A_18, %cond3A_19 : i32
    scf.if %cond3A_20 {
      %add3A_90 = arith.constant 160 : i32
      %add3A_91 = arith.addi %mul3A_4, %add3A_90 : i32
      %dma_start3A = tpu.memref_slice %arg3[%add3A_91] : memref<320000xi32, #tpu.memory_space<hbm>> -> memref<80xi32, #tpu.memory_space<hbm>>
      %dma_start3A_92 = tpu.memref_slice %arg3[%add3A_91] : memref<320000xi32, #tpu.memory_space<hbm>> -> memref<80xi32, #tpu.memory_space<hbm>>
      tpu.enqueue_dma source(%dma_start3A_92 : memref<80xi32, #tpu.memory_space<hbm>>) target(%arg8 : memref<80xi32, #tpu.memory_space<vmem>>) target_semaphore(%arg27 : memref<!tpu.dma_semaphore, #tpu.memory_space<semaphore_mem>>)
      %dma_start3A_93 = tpu.memref_slice %arg4[%add3A_91] : memref<320000xi32, #tpu.memory_space<hbm>> -> memref<80xi32, #tpu.memory_space<hbm>>
      %dma_start3A_94 = tpu.memref_slice %arg4[%add3A_91] : memref<320000xi32, #tpu.memory_space<hbm>> -> memref<80xi32, #tpu.memory_space<hbm>>
      tpu.enqueue_dma source(%dma_start3A_94 : memref<80xi32, #tpu.memory_space<hbm>>) target(%arg14 : memref<80xi32, #tpu.memory_space<vmem>>) target_semaphore(%arg27 : memref<!tpu.dma_semaphore, #tpu.memory_space<semaphore_mem>>)
    } else {
    }
    %gt3A_21 = arith.constant 3 : i32
    %gt3A_22 = arith.cmpi sgt, %min3A, %gt3A_21 : i32
    %convert_element_type3A_23 = arith.extui %gt3A_22 : i1 to i32
    %cond3A_24 = arith.constant 0 : i32
    %cond3A_25 = arith.cmpi ne, %convert_element_type3A_23, %cond3A_24 : i32
    scf.if %cond3A_25 {
      %add3A_90 = arith.constant 240 : i32
      %add3A_91 = arith.addi %mul3A_4, %add3A_90 : i32
      %dma_start3A = tpu.memref_slice %arg3[%add3A_91] : memref<320000xi32, #tpu.memory_space<hbm>> -> memref<80xi32, #tpu.memory_space<hbm>>
      %dma_start3A_92 = tpu.memref_slice %arg3[%add3A_91] : memref<320000xi32, #tpu.memory_space<hbm>> -> memref<80xi32, #tpu.memory_space<hbm>>
      tpu.enqueue_dma source(%dma_start3A_92 : memref<80xi32, #tpu.memory_space<hbm>>) target(%arg9 : memref<80xi32, #tpu.memory_space<vmem>>) target_semaphore(%arg28 : memref<!tpu.dma_semaphore, #tpu.memory_space<semaphore_mem>>)
      %dma_start3A_93 = tpu.memref_slice %arg4[%add3A_91] : memref<320000xi32, #tpu.memory_space<hbm>> -> memref<80xi32, #tpu.memory_space<hbm>>
      %dma_start3A_94 = tpu.memref_slice %arg4[%add3A_91] : memref<320000xi32, #tpu.memory_space<hbm>> -> memref<80xi32, #tpu.memory_space<hbm>>
      tpu.enqueue_dma source(%dma_start3A_94 : memref<80xi32, #tpu.memory_space<hbm>>) target(%arg15 : memref<80xi32, #tpu.memory_space<vmem>>) target_semaphore(%arg28 : memref<!tpu.dma_semaphore, #tpu.memory_space<semaphore_mem>>)
    } else {
    }
    %gt3A_26 = arith.constant 4 : i32
    %gt3A_27 = arith.cmpi sgt, %min3A, %gt3A_26 : i32
    %convert_element_type3A_28 = arith.extui %gt3A_27 : i1 to i32
    %cond3A_29 = arith.constant 0 : i32
    %cond3A_30 = arith.cmpi ne, %convert_element_type3A_28, %cond3A_29 : i32
    scf.if %cond3A_30 {
      %add3A_90 = arith.constant 320 : i32
      %add3A_91 = arith.addi %mul3A_4, %add3A_90 : i32
      %dma_start3A = tpu.memref_slice %arg3[%add3A_91] : memref<320000xi32, #tpu.memory_space<hbm>> -> memref<80xi32, #tpu.memory_space<hbm>>
      %dma_start3A_92 = tpu.memref_slice %arg3[%add3A_91] : memref<320000xi32, #tpu.memory_space<hbm>> -> memref<80xi32, #tpu.memory_space<hbm>>
      tpu.enqueue_dma source(%dma_start3A_92 : memref<80xi32, #tpu.memory_space<hbm>>) target(%arg10 : memref<80xi32, #tpu.memory_space<vmem>>) target_semaphore(%arg29 : memref<!tpu.dma_semaphore, #tpu.memory_space<semaphore_mem>>)
      %dma_start3A_93 = tpu.memref_slice %arg4[%add3A_91] : memref<320000xi32, #tpu.memory_space<hbm>> -> memref<80xi32, #tpu.memory_space<hbm>>
      %dma_start3A_94 = tpu.memref_slice %arg4[%add3A_91] : memref<320000xi32, #tpu.memory_space<hbm>> -> memref<80xi32, #tpu.memory_space<hbm>>
      tpu.enqueue_dma source(%dma_start3A_94 : memref<80xi32, #tpu.memory_space<hbm>>) target(%arg16 : memref<80xi32, #tpu.memory_space<vmem>>) target_semaphore(%arg29 : memref<!tpu.dma_semaphore, #tpu.memory_space<semaphore_mem>>)
    } else {
    }
    %broadcast_in_dim3A = arith.constant 0.000000e+00 : f32
    %broadcast_in_dim3A_31 = vector.broadcast %broadcast_in_dim3A : f32 to vector<16xf32>
    %scan3A = arith.constant 0 : i32
    %scan3A_32 = arith.constant 80 : i32
    %scan3A_33 = arith.addi %scan3A, %scan3A_32 : i32
    %scan3A_34 = arith.constant 1 : i32
    scf.for %scan3A_90 = %scan3A to %scan3A_33 step %scan3A_34  : i32 {
      %mul3A_91 = arith.constant 1 : i32
      %mul3A_92 = arith.muli %scan3A_90, %mul3A_91 : i32
      %add3A_93 = arith.constant 0 : i32
      %add3A_94 = arith.addi %add3A_93, %mul3A_92 : i32
      %swap3A = arith.index_cast %add3A_94 : i32 to index
      %swap3A_95 = arith.constant 0 : index
      %swap3A_96 = tpu.vector_load %arg18[%swap3A, %swap3A_95] {strides = array<i32>} : memref<80x128xf32, #tpu.memory_space<vmem>>, vector<16xf32>,
      tpu.vector_store %arg18[%swap3A, %swap3A_95], %broadcast_in_dim3A_31 {strides = array<i32>} : memref<80x128xf32, #tpu.memory_space<vmem>>, vector<16xf32>,
      %swap3A_97 = arith.index_cast %add3A_94 : i32 to index
      %swap3A_98 = arith.constant 16 : index
      %swap3A_99 = tpu.vector_load %arg18[%swap3A_97, %swap3A_98] {strides = array<i32>} : memref<80x128xf32, #tpu.memory_space<vmem>>, vector<16xf32>,
      tpu.vector_store %arg18[%swap3A_97, %swap3A_98], %broadcast_in_dim3A_31 {strides = array<i32>} : memref<80x128xf32, #tpu.memory_space<vmem>>, vector<16xf32>,
      %swap3A_100 = arith.index_cast %add3A_94 : i32 to index
      %swap3A_101 = arith.constant 32 : index
      %swap3A_102 = tpu.vector_load %arg18[%swap3A_100, %swap3A_101] {strides = array<i32>} : memref<80x128xf32, #tpu.memory_space<vmem>>, vector<16xf32>,
      tpu.vector_store %arg18[%swap3A_100, %swap3A_101], %broadcast_in_dim3A_31 {strides = array<i32>} : memref<80x128xf32, #tpu.memory_space<vmem>>, vector<16xf32>,
      %swap3A_103 = arith.index_cast %add3A_94 : i32 to index
      %swap3A_104 = arith.constant 48 : index
      %swap3A_105 = tpu.vector_load %arg18[%swap3A_103, %swap3A_104] {strides = array<i32>} : memref<80x128xf32, #tpu.memory_space<vmem>>, vector<16xf32>,
      tpu.vector_store %arg18[%swap3A_103, %swap3A_104], %broadcast_in_dim3A_31 {strides = array<i32>} : memref<80x128xf32, #tpu.memory_space<vmem>>, vector<16xf32>,
      %swap3A_106 = arith.index_cast %add3A_94 : i32 to index
      %swap3A_107 = arith.constant 64 : index
      %swap3A_108 = tpu.vector_load %arg18[%swap3A_106, %swap3A_107] {strides = array<i32>} : memref<80x128xf32, #tpu.memory_space<vmem>>, vector<16xf32>,
      tpu.vector_store %arg18[%swap3A_106, %swap3A_107], %broadcast_in_dim3A_31 {strides = array<i32>} : memref<80x128xf32, #tpu.memory_space<vmem>>, vector<16xf32>,
      %swap3A_109 = arith.index_cast %add3A_94 : i32 to index
      %swap3A_110 = arith.constant 80 : index
      %swap3A_111 = tpu.vector_load %arg18[%swap3A_109, %swap3A_110] {strides = array<i32>} : memref<80x128xf32, #tpu.memory_space<vmem>>, vector<16xf32>,
      tpu.vector_store %arg18[%swap3A_109, %swap3A_110], %broadcast_in_dim3A_31 {strides = array<i32>} : memref<80x128xf32, #tpu.memory_space<vmem>>, vector<16xf32>,
      %swap3A_112 = arith.index_cast %add3A_94 : i32 to index
      %swap3A_113 = arith.constant 96 : index
      %swap3A_114 = tpu.vector_load %arg18[%swap3A_112, %swap3A_113] {strides = array<i32>} : memref<80x128xf32, #tpu.memory_space<vmem>>, vector<16xf32>,
      tpu.vector_store %arg18[%swap3A_112, %swap3A_113], %broadcast_in_dim3A_31 {strides = array<i32>} : memref<80x128xf32, #tpu.memory_space<vmem>>, vector<16xf32>,
      %swap3A_115 = arith.index_cast %add3A_94 : i32 to index
      %swap3A_116 = arith.constant 112 : index
      %swap3A_117 = tpu.vector_load %arg18[%swap3A_115, %swap3A_116] {strides = array<i32>} : memref<80x128xf32, #tpu.memory_space<vmem>>, vector<16xf32>,
      tpu.vector_store %arg18[%swap3A_115, %swap3A_116], %broadcast_in_dim3A_31 {strides = array<i32>} : memref<80x128xf32, #tpu.memory_space<vmem>>, vector<16xf32>,
    }
    %scan3A_35 = arith.constant 80 : i32
    %mul3A_36 = arith.constant 640 : i32
    %mul3A_37 = arith.muli %arg1, %mul3A_36 : i32
    %add3A_38 = arith.constant 0 : i32
    %add3A_39 = arith.addi %mul3A_37, %add3A_38 : i32
    "tpu.region"() ({
      %run_scoped3A = tpu.sem_alloc : memref<!tpu.dma_semaphore, #tpu.memory_space<semaphore_mem>>
      %dma_start3A = arith.constant 0 : i32
      %dma_start3A_90 = tpu.memref_slice %arg21[%add3A_39, %dma_start3A] : memref<10240x128xf32, #tpu.memory_space<vmem_shared>> -> memref<80x128xf32, #tpu.memory_space<vmem_shared>>
      %dma_start3A_91 = arith.constant 0 : i32
      %dma_start3A_92 = tpu.memref_slice %arg21[%add3A_39, %dma_start3A_91] : memref<10240x128xf32, #tpu.memory_space<vmem_shared>> -> memref<80x128xf32, #tpu.memory_space<vmem_shared>>
      tpu.enqueue_dma source(%arg18 : memref<80x128xf32, #tpu.memory_space<vmem>>) target(%dma_start3A_92 : memref<80x128xf32, #tpu.memory_space<vmem_shared>>) target_semaphore(%run_scoped3A : memref<!tpu.dma_semaphore, #tpu.memory_space<semaphore_mem>>)
      %dma_wait3A = arith.constant 0 : i32
      %dma_wait3A_93 = tpu.memref_slice %arg21[%add3A_39, %dma_wait3A] : memref<10240x128xf32, #tpu.memory_space<vmem_shared>> -> memref<80x128xf32, #tpu.memory_space<vmem_shared>>
      %dma_wait3A_94 = arith.constant 0 : i32
      %dma_wait3A_95 = tpu.memref_slice %arg21[%add3A_39, %dma_wait3A_94] : memref<10240x128xf32, #tpu.memory_space<vmem_shared>> -> memref<80x128xf32, #tpu.memory_space<vmem_shared>>
      tpu.wait_dma2 semaphore(%run_scoped3A : memref<!tpu.dma_semaphore, #tpu.memory_space<semaphore_mem>>) src(%arg18 : memref<80x128xf32, #tpu.memory_space<vmem>>) dst(%dma_wait3A_95 : memref<80x128xf32, #tpu.memory_space<vmem_shared>>)
      tpu.yield
    }) : () -> ()
    %add3A_40 = arith.constant 80 : i32
    %add3A_41 = arith.addi %mul3A_37, %add3A_40 : i32
    "tpu.region"() ({
      %run_scoped3A = tpu.sem_alloc : memref<!tpu.dma_semaphore, #tpu.memory_space<semaphore_mem>>
      %dma_start3A = arith.constant 0 : i32
      %dma_start3A_90 = tpu.memref_slice %arg21[%add3A_41, %dma_start3A] : memref<10240x128xf32, #tpu.memory_space<vmem_shared>> -> memref<80x128xf32, #tpu.memory_space<vmem_shared>>
      %dma_start3A_91 = arith.constant 0 : i32
      %dma_start3A_92 = tpu.memref_slice %arg21[%add3A_41, %dma_start3A_91] : memref<10240x128xf32, #tpu.memory_space<vmem_shared>> -> memref<80x128xf32, #tpu.memory_space<vmem_shared>>
      tpu.enqueue_dma source(%arg18 : memref<80x128xf32, #tpu.memory_space<vmem>>) target(%dma_start3A_92 : memref<80x128xf32, #tpu.memory_space<vmem_shared>>) target_semaphore(%run_scoped3A : memref<!tpu.dma_semaphore, #tpu.memory_space<semaphore_mem>>)
      %dma_wait3A = arith.constant 0 : i32
      %dma_wait3A_93 = tpu.memref_slice %arg21[%add3A_41, %dma_wait3A] : memref<10240x128xf32, #tpu.memory_space<vmem_shared>> -> memref<80x128xf32, #tpu.memory_space<vmem_shared>>
      %dma_wait3A_94 = arith.constant 0 : i32
      %dma_wait3A_95 = tpu.memref_slice %arg21[%add3A_41, %dma_wait3A_94] : memref<10240x128xf32, #tpu.memory_space<vmem_shared>> -> memref<80x128xf32, #tpu.memory_space<vmem_shared>>
      tpu.wait_dma2 semaphore(%run_scoped3A : memref<!tpu.dma_semaphore, #tpu.memory_space<semaphore_mem>>) src(%arg18 : memref<80x128xf32, #tpu.memory_space<vmem>>) dst(%dma_wait3A_95 : memref<80x128xf32, #tpu.memory_space<vmem_shared>>)
      tpu.yield
    }) : () -> ()
    %add3A_42 = arith.constant 160 : i32
    %add3A_43 = arith.addi %mul3A_37, %add3A_42 : i32
    "tpu.region"() ({
      %run_scoped3A = tpu.sem_alloc : memref<!tpu.dma_semaphore, #tpu.memory_space<semaphore_mem>>
      %dma_start3A = arith.constant 0 : i32
      %dma_start3A_90 = tpu.memref_slice %arg21[%add3A_43, %dma_start3A] : memref<10240x128xf32, #tpu.memory_space<vmem_shared>> -> memref<80x128xf32, #tpu.memory_space<vmem_shared>>
      %dma_start3A_91 = arith.constant 0 : i32
      %dma_start3A_92 = tpu.memref_slice %arg21[%add3A_43, %dma_start3A_91] : memref<10240x128xf32, #tpu.memory_space<vmem_shared>> -> memref<80x128xf32, #tpu.memory_space<vmem_shared>>
      tpu.enqueue_dma source(%arg18 : memref<80x128xf32, #tpu.memory_space<vmem>>) target(%dma_start3A_92 : memref<80x128xf32, #tpu.memory_space<vmem_shared>>) target_semaphore(%run_scoped3A : memref<!tpu.dma_semaphore, #tpu.memory_space<semaphore_mem>>)
      %dma_wait3A = arith.constant 0 : i32
      %dma_wait3A_93 = tpu.memref_slice %arg21[%add3A_43, %dma_wait3A] : memref<10240x128xf32, #tpu.memory_space<vmem_shared>> -> memref<80x128xf32, #tpu.memory_space<vmem_shared>>
      %dma_wait3A_94 = arith.constant 0 : i32
      %dma_wait3A_95 = tpu.memref_slice %arg21[%add3A_43, %dma_wait3A_94] : memref<10240x128xf32, #tpu.memory_space<vmem_shared>> -> memref<80x128xf32, #tpu.memory_space<vmem_shared>>
      tpu.wait_dma2 semaphore(%run_scoped3A : memref<!tpu.dma_semaphore, #tpu.memory_space<semaphore_mem>>) src(%arg18 : memref<80x128xf32, #tpu.memory_space<vmem>>) dst(%dma_wait3A_95 : memref<80x128xf32, #tpu.memory_space<vmem_shared>>)
      tpu.yield
    }) : () -> ()
    %add3A_44 = arith.constant 240 : i32
    %add3A_45 = arith.addi %mul3A_37, %add3A_44 : i32
    "tpu.region"() ({
      %run_scoped3A = tpu.sem_alloc : memref<!tpu.dma_semaphore, #tpu.memory_space<semaphore_mem>>
      %dma_start3A = arith.constant 0 : i32
      %dma_start3A_90 = tpu.memref_slice %arg21[%add3A_45, %dma_start3A] : memref<10240x128xf32, #tpu.memory_space<vmem_shared>> -> memref<80x128xf32, #tpu.memory_space<vmem_shared>>
      %dma_start3A_91 = arith.constant 0 : i32
      %dma_start3A_92 = tpu.memref_slice %arg21[%add3A_45, %dma_start3A_91] : memref<10240x128xf32, #tpu.memory_space<vmem_shared>> -> memref<80x128xf32, #tpu.memory_space<vmem_shared>>
      tpu.enqueue_dma source(%arg18 : memref<80x128xf32, #tpu.memory_space<vmem>>) target(%dma_start3A_92 : memref<80x128xf32, #tpu.memory_space<vmem_shared>>) target_semaphore(%run_scoped3A : memref<!tpu.dma_semaphore, #tpu.memory_space<semaphore_mem>>)
      %dma_wait3A = arith.constant 0 : i32
      %dma_wait3A_93 = tpu.memref_slice %arg21[%add3A_45, %dma_wait3A] : memref<10240x128xf32, #tpu.memory_space<vmem_shared>> -> memref<80x128xf32, #tpu.memory_space<vmem_shared>>
      %dma_wait3A_94 = arith.constant 0 : i32
      %dma_wait3A_95 = tpu.memref_slice %arg21[%add3A_45, %dma_wait3A_94] : memref<10240x128xf32, #tpu.memory_space<vmem_shared>> -> memref<80x128xf32, #tpu.memory_space<vmem_shared>>
      tpu.wait_dma2 semaphore(%run_scoped3A : memref<!tpu.dma_semaphore, #tpu.memory_space<semaphore_mem>>) src(%arg18 : memref<80x128xf32, #tpu.memory_space<vmem>>) dst(%dma_wait3A_95 : memref<80x128xf32, #tpu.memory_space<vmem_shared>>)
      tpu.yield
    }) : () -> ()
    %add3A_46 = arith.constant 320 : i32
    %add3A_47 = arith.addi %mul3A_37, %add3A_46 : i32
    "tpu.region"() ({
      %run_scoped3A = tpu.sem_alloc : memref<!tpu.dma_semaphore, #tpu.memory_space<semaphore_mem>>
      %dma_start3A = arith.constant 0 : i32
      %dma_start3A_90 = tpu.memref_slice %arg21[%add3A_47, %dma_start3A] : memref<10240x128xf32, #tpu.memory_space<vmem_shared>> -> memref<80x128xf32, #tpu.memory_space<vmem_shared>>
      %dma_start3A_91 = arith.constant 0 : i32
      %dma_start3A_92 = tpu.memref_slice %arg21[%add3A_47, %dma_start3A_91] : memref<10240x128xf32, #tpu.memory_space<vmem_shared>> -> memref<80x128xf32, #tpu.memory_space<vmem_shared>>
      tpu.enqueue_dma source(%arg18 : memref<80x128xf32, #tpu.memory_space<vmem>>) target(%dma_start3A_92 : memref<80x128xf32, #tpu.memory_space<vmem_shared>>) target_semaphore(%run_scoped3A : memref<!tpu.dma_semaphore, #tpu.memory_space<semaphore_mem>>)
      %dma_wait3A = arith.constant 0 : i32
      %dma_wait3A_93 = tpu.memref_slice %arg21[%add3A_47, %dma_wait3A] : memref<10240x128xf32, #tpu.memory_space<vmem_shared>> -> memref<80x128xf32, #tpu.memory_space<vmem_shared>>
      %dma_wait3A_94 = arith.constant 0 : i32
      %dma_wait3A_95 = tpu.memref_slice %arg21[%add3A_47, %dma_wait3A_94] : memref<10240x128xf32, #tpu.memory_space<vmem_shared>> -> memref<80x128xf32, #tpu.memory_space<vmem_shared>>
      tpu.wait_dma2 semaphore(%run_scoped3A : memref<!tpu.dma_semaphore, #tpu.memory_space<semaphore_mem>>) src(%arg18 : memref<80x128xf32, #tpu.memory_space<vmem>>) dst(%dma_wait3A_95 : memref<80x128xf32, #tpu.memory_space<vmem_shared>>)
      tpu.yield
    }) : () -> ()
    %add3A_48 = arith.constant 400 : i32
    %add3A_49 = arith.addi %mul3A_37, %add3A_48 : i32
    "tpu.region"() ({
      %run_scoped3A = tpu.sem_alloc : memref<!tpu.dma_semaphore, #tpu.memory_space<semaphore_mem>>
      %dma_start3A = arith.constant 0 : i32
      %dma_start3A_90 = tpu.memref_slice %arg21[%add3A_49, %dma_start3A] : memref<10240x128xf32, #tpu.memory_space<vmem_shared>> -> memref<80x128xf32, #tpu.memory_space<vmem_shared>>
      %dma_start3A_91 = arith.constant 0 : i32
      %dma_start3A_92 = tpu.memref_slice %arg21[%add3A_49, %dma_start3A_91] : memref<10240x128xf32, #tpu.memory_space<vmem_shared>> -> memref<80x128xf32, #tpu.memory_space<vmem_shared>>
      tpu.enqueue_dma source(%arg18 : memref<80x128xf32, #tpu.memory_space<vmem>>) target(%dma_start3A_92 : memref<80x128xf32, #tpu.memory_space<vmem_shared>>) target_semaphore(%run_scoped3A : memref<!tpu.dma_semaphore, #tpu.memory_space<semaphore_mem>>)
      %dma_wait3A = arith.constant 0 : i32
      %dma_wait3A_93 = tpu.memref_slice %arg21[%add3A_49, %dma_wait3A] : memref<10240x128xf32, #tpu.memory_space<vmem_shared>> -> memref<80x128xf32, #tpu.memory_space<vmem_shared>>
      %dma_wait3A_94 = arith.constant 0 : i32
      %dma_wait3A_95 = tpu.memref_slice %arg21[%add3A_49, %dma_wait3A_94] : memref<10240x128xf32, #tpu.memory_space<vmem_shared>> -> memref<80x128xf32, #tpu.memory_space<vmem_shared>>
      tpu.wait_dma2 semaphore(%run_scoped3A : memref<!tpu.dma_semaphore, #tpu.memory_space<semaphore_mem>>) src(%arg18 : memref<80x128xf32, #tpu.memory_space<vmem>>) dst(%dma_wait3A_95 : memref<80x128xf32, #tpu.memory_space<vmem_shared>>)
      tpu.yield
    }) : () -> ()
    %add3A_50 = arith.constant 480 : i32
    %add3A_51 = arith.addi %mul3A_37, %add3A_50 : i32
    "tpu.region"() ({
      %run_scoped3A = tpu.sem_alloc : memref<!tpu.dma_semaphore, #tpu.memory_space<semaphore_mem>>
      %dma_start3A = arith.constant 0 : i32
      %dma_start3A_90 = tpu.memref_slice %arg21[%add3A_51, %dma_start3A] : memref<10240x128xf32, #tpu.memory_space<vmem_shared>> -> memref<80x128xf32, #tpu.memory_space<vmem_shared>>
      %dma_start3A_91 = arith.constant 0 : i32
      %dma_start3A_92 = tpu.memref_slice %arg21[%add3A_51, %dma_start3A_91] : memref<10240x128xf32, #tpu.memory_space<vmem_shared>> -> memref<80x128xf32, #tpu.memory_space<vmem_shared>>
      tpu.enqueue_dma source(%arg18 : memref<80x128xf32, #tpu.memory_space<vmem>>) target(%dma_start3A_92 : memref<80x128xf32, #tpu.memory_space<vmem_shared>>) target_semaphore(%run_scoped3A : memref<!tpu.dma_semaphore, #tpu.memory_space<semaphore_mem>>)
      %dma_wait3A = arith.constant 0 : i32
      %dma_wait3A_93 = tpu.memref_slice %arg21[%add3A_51, %dma_wait3A] : memref<10240x128xf32, #tpu.memory_space<vmem_shared>> -> memref<80x128xf32, #tpu.memory_space<vmem_shared>>
      %dma_wait3A_94 = arith.constant 0 : i32
      %dma_wait3A_95 = tpu.memref_slice %arg21[%add3A_51, %dma_wait3A_94] : memref<10240x128xf32, #tpu.memory_space<vmem_shared>> -> memref<80x128xf32, #tpu.memory_space<vmem_shared>>
      tpu.wait_dma2 semaphore(%run_scoped3A : memref<!tpu.dma_semaphore, #tpu.memory_space<semaphore_mem>>) src(%arg18 : memref<80x128xf32, #tpu.memory_space<vmem>>) dst(%dma_wait3A_95 : memref<80x128xf32, #tpu.memory_space<vmem_shared>>)
      tpu.yield
    }) : () -> ()
    %add3A_52 = arith.constant 560 : i32
    %add3A_53 = arith.addi %mul3A_37, %add3A_52 : i32
    "tpu.region"() ({
      %run_scoped3A = tpu.sem_alloc : memref<!tpu.dma_semaphore, #tpu.memory_space<semaphore_mem>>
      %dma_start3A = arith.constant 0 : i32
      %dma_start3A_90 = tpu.memref_slice %arg21[%add3A_53, %dma_start3A] : memref<10240x128xf32, #tpu.memory_space<vmem_shared>> -> memref<80x128xf32, #tpu.memory_space<vmem_shared>>
      %dma_start3A_91 = arith.constant 0 : i32
      %dma_start3A_92 = tpu.memref_slice %arg21[%add3A_53, %dma_start3A_91] : memref<10240x128xf32, #tpu.memory_space<vmem_shared>> -> memref<80x128xf32, #tpu.memory_space<vmem_shared>>
      tpu.enqueue_dma source(%arg18 : memref<80x128xf32, #tpu.memory_space<vmem>>) target(%dma_start3A_92 : memref<80x128xf32, #tpu.memory_space<vmem_shared>>) target_semaphore(%run_scoped3A : memref<!tpu.dma_semaphore, #tpu.memory_space<semaphore_mem>>)
      %dma_wait3A = arith.constant 0 : i32
      %dma_wait3A_93 = tpu.memref_slice %arg21[%add3A_53, %dma_wait3A] : memref<10240x128xf32, #tpu.memory_space<vmem_shared>> -> memref<80x128xf32, #tpu.memory_space<vmem_shared>>
      %dma_wait3A_94 = arith.constant 0 : i32
      %dma_wait3A_95 = tpu.memref_slice %arg21[%add3A_53, %dma_wait3A_94] : memref<10240x128xf32, #tpu.memory_space<vmem_shared>> -> memref<80x128xf32, #tpu.memory_space<vmem_shared>>
      tpu.wait_dma2 semaphore(%run_scoped3A : memref<!tpu.dma_semaphore, #tpu.memory_space<semaphore_mem>>) src(%arg18 : memref<80x128xf32, #tpu.memory_space<vmem>>) dst(%dma_wait3A_95 : memref<80x128xf32, #tpu.memory_space<vmem_shared>>)
      tpu.yield
    }) : () -> ()
    %barrier3A = arith.constant 0 : index
    tpu.barrier barrier_id(%barrier3A)
    %gt3A_54 = arith.constant 0 : i32
    %gt3A_55 = arith.cmpi sgt, %min3A, %gt3A_54 : i32
    %convert_element_type3A_56 = arith.extui %gt3A_55 : i1 to i32
    %cond3A_57 = arith.constant 0 : i32
    %cond3A_58 = arith.cmpi ne, %convert_element_type3A_56, %cond3A_57 : i32
    scf.if %cond3A_58 {
      %add3A_90 = arith.constant 0 : i32
      %add3A_91 = arith.addi %mul3A_4, %add3A_90 : i32
      %dma_wait3A = tpu.memref_slice %arg3[%add3A_91] : memref<320000xi32, #tpu.memory_space<hbm>> -> memref<80xi32, #tpu.memory_space<hbm>>
      %dma_wait3A_92 = tpu.memref_slice %arg3[%add3A_91] : memref<320000xi32, #tpu.memory_space<hbm>> -> memref<80xi32, #tpu.memory_space<hbm>>
      tpu.wait_dma2 semaphore(%arg25 : memref<!tpu.dma_semaphore, #tpu.memory_space<semaphore_mem>>) src(%dma_wait3A_92 : memref<80xi32, #tpu.memory_space<hbm>>) dst(%arg6 : memref<80xi32, #tpu.memory_space<vmem>>)
      %dma_wait3A_93 = tpu.memref_slice %arg4[%add3A_91] : memref<320000xi32, #tpu.memory_space<hbm>> -> memref<80xi32, #tpu.memory_space<hbm>>
      %dma_wait3A_94 = tpu.memref_slice %arg4[%add3A_91] : memref<320000xi32, #tpu.memory_space<hbm>> -> memref<80xi32, #tpu.memory_space<hbm>>
      tpu.wait_dma2 semaphore(%arg25 : memref<!tpu.dma_semaphore, #tpu.memory_space<semaphore_mem>>) src(%dma_wait3A_94 : memref<80xi32, #tpu.memory_space<hbm>>) dst(%arg12 : memref<80xi32, #tpu.memory_space<vmem>>)
      %dma_start3A = arith.constant 0 : i32
      %dma_start3A_95 = arith.constant 0 : i32
      %dma_start3A_96 = tpu.memref_slice %arg2[%dma_start3A, %dma_start3A_95] : memref<10240x128xf32, #tpu.memory_space<hbm>> -> memref<10240x128xf32, #tpu.memory_space<hbm>>
      tpu.enqueue_indirect_dma source(%dma_start3A_96 : memref<10240x128xf32, #tpu.memory_space<hbm>>) target(%arg18 : memref<80x128xf32, #tpu.memory_space<vmem>>) offsets(%arg6 : memref<80xi32, #tpu.memory_space<vmem>>) semaphore(%arg22 : memref<!tpu.dma_semaphore, #tpu.memory_space<semaphore_mem>>)
    } else {
    }
    %gt3A_59 = arith.constant 1 : i32
    %gt3A_60 = arith.cmpi sgt, %min3A, %gt3A_59 : i32
    %convert_element_type3A_61 = arith.extui %gt3A_60 : i1 to i32
    %cond3A_62 = arith.constant 0 : i32
    %cond3A_63 = arith.cmpi ne, %convert_element_type3A_61, %cond3A_62 : i32
    scf.if %cond3A_63 {
      %add3A_90 = arith.constant 80 : i32
      %add3A_91 = arith.addi %mul3A_4, %add3A_90 : i32
      %dma_wait3A = tpu.memref_slice %arg3[%add3A_91] : memref<320000xi32, #tpu.memory_space<hbm>> -> memref<80xi32, #tpu.memory_space<hbm>>
      %dma_wait3A_92 = tpu.memref_slice %arg3[%add3A_91] : memref<320000xi32, #tpu.memory_space<hbm>> -> memref<80xi32, #tpu.memory_space<hbm>>
      tpu.wait_dma2 semaphore(%arg26 : memref<!tpu.dma_semaphore, #tpu.memory_space<semaphore_mem>>) src(%dma_wait3A_92 : memref<80xi32, #tpu.memory_space<hbm>>) dst(%arg7 : memref<80xi32, #tpu.memory_space<vmem>>)
      %dma_wait3A_93 = tpu.memref_slice %arg4[%add3A_91] : memref<320000xi32, #tpu.memory_space<hbm>> -> memref<80xi32, #tpu.memory_space<hbm>>
      %dma_wait3A_94 = tpu.memref_slice %arg4[%add3A_91] : memref<320000xi32, #tpu.memory_space<hbm>> -> memref<80xi32, #tpu.memory_space<hbm>>
      tpu.wait_dma2 semaphore(%arg26 : memref<!tpu.dma_semaphore, #tpu.memory_space<semaphore_mem>>) src(%dma_wait3A_94 : memref<80xi32, #tpu.memory_space<hbm>>) dst(%arg13 : memref<80xi32, #tpu.memory_space<vmem>>)
      %dma_start3A = arith.constant 0 : i32
      %dma_start3A_95 = arith.constant 0 : i32
      %dma_start3A_96 = tpu.memref_slice %arg2[%dma_start3A, %dma_start3A_95] : memref<10240x128xf32, #tpu.memory_space<hbm>> -> memref<10240x128xf32, #tpu.memory_space<hbm>>
      tpu.enqueue_indirect_dma source(%dma_start3A_96 : memref<10240x128xf32, #tpu.memory_space<hbm>>) target(%arg19 : memref<80x128xf32, #tpu.memory_space<vmem>>) offsets(%arg7 : memref<80xi32, #tpu.memory_space<vmem>>) semaphore(%arg23 : memref<!tpu.dma_semaphore, #tpu.memory_space<semaphore_mem>>)
    } else {
    }
    %broadcast_in_dim3A_64 = arith.constant 1.000000e+00 : f32
    %broadcast_in_dim3A_65 = vector.broadcast %broadcast_in_dim3A_64 : f32 to vector<16xf32>
    %scan3A_66 = arith.constant 0 : i32
    %scan3A_67 = arith.constant 21 : i32
    %scan3A_68 = arith.addi %scan3A_66, %scan3A_67 : i32
    %scan3A_69 = arith.constant 1 : i32
    scf.for %scan3A_90 = %scan3A_66 to %scan3A_68 step %scan3A_69  : i32 {
      %mul3A_91 = arith.constant 1 : i32
      %mul3A_92 = arith.muli %scan3A_90, %mul3A_91 : i32
      %add3A_93 = arith.constant 0 : i32
      %add3A_94 = arith.addi %add3A_93, %mul3A_92 : i32
      %mul3A_95 = arith.constant 6 : i32
      %mul3A_96 = arith.muli %add3A_94, %mul3A_95 : i32
      %add3A_97 = arith.constant 0 : i32
      %add3A_98 = arith.addi %mul3A_96, %add3A_97 : i32
      %lt3A = arith.cmpi slt, %add3A_98, %min3A : i32
      %convert_element_type3A_99 = arith.extui %lt3A : i1 to i32
      %cond3A_100 = arith.constant 0 : i32
      %cond3A_101 = arith.cmpi ne, %convert_element_type3A_99, %cond3A_100 : i32
      scf.if %cond3A_101 {
        %dma_wait3A = arith.constant 0 : i32
        %dma_wait3A_142 = arith.constant 0 : i32
        %dma_wait3A_143 = tpu.memref_slice %arg2[%dma_wait3A, %dma_wait3A_142] : memref<10240x128xf32, #tpu.memory_space<hbm>> -> memref<10240x128xf32, #tpu.memory_space<hbm>>
        tpu.wait_indirect_dma semaphore(%arg22 : memref<!tpu.dma_semaphore, #tpu.memory_space<semaphore_mem>>) src(%dma_wait3A_143 : memref<10240x128xf32, #tpu.memory_space<hbm>>) dst(%arg18 : memref<80x128xf32, #tpu.memory_space<vmem>>)
        %dma_start3A = arith.constant 0 : i32
        %dma_start3A_144 = arith.constant 0 : i32
        %dma_start3A_145 = tpu.memref_slice %arg21[%dma_start3A, %dma_start3A_144] : memref<10240x128xf32, #tpu.memory_space<vmem_shared>> -> memref<10240x128xf32, #tpu.memory_space<vmem_shared>>
        tpu.enqueue_indirect_dma source(%arg18 : memref<80x128xf32, #tpu.memory_space<vmem>>) target(%dma_start3A_145 : memref<10240x128xf32, #tpu.memory_space<vmem_shared>>) offsets(%arg12 : memref<80xi32, #tpu.memory_space<vmem>>) semaphore(%arg31 : memref<!tpu.dma_semaphore, #tpu.memory_space<semaphore_mem>>) {add = true}
        %add3A_146 = arith.constant 3 : i32
        %add3A_147 = arith.addi %add3A_98, %add3A_146 : i32
        %sub3A_148 = arith.constant 1 : i32
        %sub3A_149 = arith.subi %add3A_147, %sub3A_148 : i32
        %lt3A_150 = arith.cmpi slt, %sub3A_149, %min3A : i32
        %convert_element_type3A_151 = arith.extui %lt3A_150 : i1 to i32
        %cond3A_152 = arith.constant 0 : i32
        %cond3A_153 = arith.cmpi ne, %convert_element_type3A_151, %cond3A_152 : i32
        scf.if %cond3A_153 {
          %add3A_154 = arith.constant 3 : i32
          %add3A_155 = arith.addi %add3A_98, %add3A_154 : i32
          %sub3A_156 = arith.constant 1 : i32
          %sub3A_157 = arith.subi %add3A_155, %sub3A_156 : i32
          %mul3A_158 = arith.constant 80 : i32
          %mul3A_159 = arith.muli %sub3A_157, %mul3A_158 : i32
          %add3A_160 = arith.addi %mul3A_4, %mul3A_159 : i32
          %dma_wait3A_161 = tpu.memref_slice %arg3[%add3A_160] : memref<320000xi32, #tpu.memory_space<hbm>> -> memref<80xi32, #tpu.memory_space<hbm>>
          %dma_wait3A_162 = tpu.memref_slice %arg3[%add3A_160] : memref<320000xi32, #tpu.memory_space<hbm>> -> memref<80xi32, #tpu.memory_space<hbm>>
          tpu.wait_dma2 semaphore(%arg27 : memref<!tpu.dma_semaphore, #tpu.memory_space<semaphore_mem>>) src(%dma_wait3A_162 : memref<80xi32, #tpu.memory_space<hbm>>) dst(%arg8 : memref<80xi32, #tpu.memory_space<vmem>>)
          %dma_wait3A_163 = tpu.memref_slice %arg4[%add3A_160] : memref<320000xi32, #tpu.memory_space<hbm>> -> memref<80xi32, #tpu.memory_space<hbm>>
          %dma_wait3A_164 = tpu.memref_slice %arg4[%add3A_160] : memref<320000xi32, #tpu.memory_space<hbm>> -> memref<80xi32, #tpu.memory_space<hbm>>
          tpu.wait_dma2 semaphore(%arg27 : memref<!tpu.dma_semaphore, #tpu.memory_space<semaphore_mem>>) src(%dma_wait3A_164 : memref<80xi32, #tpu.memory_space<hbm>>) dst(%arg14 : memref<80xi32, #tpu.memory_space<vmem>>)
          %ge3A = arith.constant 1 : i32
          %ge3A_165 = arith.cmpi sge, %add3A_98, %ge3A : i32
          %convert_element_type3A_166 = arith.extui %ge3A_165 : i1 to i32
          %cond3A_167 = arith.constant 0 : i32
          %cond3A_168 = arith.cmpi ne, %convert_element_type3A_166, %cond3A_167 : i32
          scf.if %cond3A_168 {
            %dma_wait3A_180 = arith.constant 0 : i32
            %dma_wait3A_181 = arith.constant 0 : i32
            %dma_wait3A_182 = tpu.memref_slice %arg21[%dma_wait3A_180, %dma_wait3A_181] : memref<10240x128xf32, #tpu.memory_space<vmem_shared>> -> memref<10240x128xf32, #tpu.memory_space<vmem_shared>>
            tpu.wait_indirect_dma semaphore(%arg33 : memref<!tpu.dma_semaphore, #tpu.memory_space<semaphore_mem>>) src(%arg20 : memref<80x128xf32, #tpu.memory_space<vmem>>) dst(%dma_wait3A_182 : memref<10240x128xf32, #tpu.memory_space<vmem_shared>>)
          } else {
          }
          %dma_start3A_169 = arith.constant 0 : i32
          %dma_start3A_170 = arith.constant 0 : i32
          %dma_start3A_171 = tpu.memref_slice %arg2[%dma_start3A_169, %dma_start3A_170] : memref<10240x128xf32, #tpu.memory_space<hbm>> -> memref<10240x128xf32, #tpu.memory_space<hbm>>
          tpu.enqueue_indirect_dma source(%dma_start3A_171 : memref<10240x128xf32, #tpu.memory_space<hbm>>) target(%arg20 : memref<80x128xf32, #tpu.memory_space<vmem>>) offsets(%arg8 : memref<80xi32, #tpu.memory_space<vmem>>) semaphore(%arg24 : memref<!tpu.dma_semaphore, #tpu.memory_space<semaphore_mem>>)
          %add3A_172 = arith.constant 6 : i32
          %add3A_173 = arith.addi %add3A_98, %add3A_172 : i32
          %sub3A_174 = arith.constant 1 : i32
          %sub3A_175 = arith.subi %add3A_173, %sub3A_174 : i32
          %lt3A_176 = arith.cmpi slt, %sub3A_175, %min3A : i32
          %convert_element_type3A_177 = arith.extui %lt3A_176 : i1 to i32
          %cond3A_178 = arith.constant 0 : i32
          %cond3A_179 = arith.cmpi ne, %convert_element_type3A_177, %cond3A_178 : i32
          scf.if %cond3A_179 {
            %add3A_180 = arith.constant 6 : i32
            %add3A_181 = arith.addi %add3A_98, %add3A_180 : i32
            %sub3A_182 = arith.constant 1 : i32
            %sub3A_183 = arith.subi %add3A_181, %sub3A_182 : i32
            %mul3A_184 = arith.constant 80 : i32
            %mul3A_185 = arith.muli %sub3A_183, %mul3A_184 : i32
            %add3A_186 = arith.addi %mul3A_4, %mul3A_185 : i32
            %dma_start3A_187 = tpu.memref_slice %arg3[%add3A_186] : memref<320000xi32, #tpu.memory_space<hbm>> -> memref<80xi32, #tpu.memory_space<hbm>>
            %dma_start3A_188 = tpu.memref_slice %arg3[%add3A_186] : memref<320000xi32, #tpu.memory_space<hbm>> -> memref<80xi32, #tpu.memory_space<hbm>>
            tpu.enqueue_dma source(%dma_start3A_188 : memref<80xi32, #tpu.memory_space<hbm>>) target(%arg11 : memref<80xi32, #tpu.memory_space<vmem>>) target_semaphore(%arg30 : memref<!tpu.dma_semaphore, #tpu.memory_space<semaphore_mem>>)
            %dma_start3A_189 = tpu.memref_slice %arg4[%add3A_186] : memref<320000xi32, #tpu.memory_space<hbm>> -> memref<80xi32, #tpu.memory_space<hbm>>
            %dma_start3A_190 = tpu.memref_slice %arg4[%add3A_186] : memref<320000xi32, #tpu.memory_space<hbm>> -> memref<80xi32, #tpu.memory_space<hbm>>
            tpu.enqueue_dma source(%dma_start3A_190 : memref<80xi32, #tpu.memory_space<hbm>>) target(%arg17 : memref<80xi32, #tpu.memory_space<vmem>>) target_semaphore(%arg30 : memref<!tpu.dma_semaphore, #tpu.memory_space<semaphore_mem>>)
          } else {
          }
        } else {
        }
      } else {
      }
      %mul3A_102 = arith.constant 6 : i32
      %mul3A_103 = arith.muli %add3A_94, %mul3A_102 : i32
      %add3A_104 = arith.constant 1 : i32
      %add3A_105 = arith.addi %mul3A_103, %add3A_104 : i32
      %lt3A_106 = arith.cmpi slt, %add3A_105, %min3A : i32
      %convert_element_type3A_107 = arith.extui %lt3A_106 : i1 to i32
      %cond3A_108 = arith.constant 0 : i32
      %cond3A_109 = arith.cmpi ne, %convert_element_type3A_107, %cond3A_108 : i32
      scf.if %cond3A_109 {
        %dma_wait3A = arith.constant 0 : i32
        %dma_wait3A_142 = arith.constant 0 : i32
        %dma_wait3A_143 = tpu.memref_slice %arg2[%dma_wait3A, %dma_wait3A_142] : memref<10240x128xf32, #tpu.memory_space<hbm>> -> memref<10240x128xf32, #tpu.memory_space<hbm>>
        tpu.wait_indirect_dma semaphore(%arg23 : memref<!tpu.dma_semaphore, #tpu.memory_space<semaphore_mem>>) src(%dma_wait3A_143 : memref<10240x128xf32, #tpu.memory_space<hbm>>) dst(%arg19 : memref<80x128xf32, #tpu.memory_space<vmem>>)
        %dma_start3A = arith.constant 0 : i32
        %dma_start3A_144 = arith.constant 0 : i32
        %dma_start3A_145 = tpu.memref_slice %arg21[%dma_start3A, %dma_start3A_144] : memref<10240x128xf32, #tpu.memory_space<vmem_shared>> -> memref<10240x128xf32, #tpu.memory_space<vmem_shared>>
        tpu.enqueue_indirect_dma source(%arg19 : memref<80x128xf32, #tpu.memory_space<vmem>>) target(%dma_start3A_145 : memref<10240x128xf32, #tpu.memory_space<vmem_shared>>) offsets(%arg13 : memref<80xi32, #tpu.memory_space<vmem>>) semaphore(%arg32 : memref<!tpu.dma_semaphore, #tpu.memory_space<semaphore_mem>>) {add = true}
        %add3A_146 = arith.constant 3 : i32
        %add3A_147 = arith.addi %add3A_105, %add3A_146 : i32
        %sub3A_148 = arith.constant 1 : i32
        %sub3A_149 = arith.subi %add3A_147, %sub3A_148 : i32
        %lt3A_150 = arith.cmpi slt, %sub3A_149, %min3A : i32
        %convert_element_type3A_151 = arith.extui %lt3A_150 : i1 to i32
        %cond3A_152 = arith.constant 0 : i32
        %cond3A_153 = arith.cmpi ne, %convert_element_type3A_151, %cond3A_152 : i32
        scf.if %cond3A_153 {
          %add3A_154 = arith.constant 3 : i32
          %add3A_155 = arith.addi %add3A_105, %add3A_154 : i32
          %sub3A_156 = arith.constant 1 : i32
          %sub3A_157 = arith.subi %add3A_155, %sub3A_156 : i32
          %mul3A_158 = arith.constant 80 : i32
          %mul3A_159 = arith.muli %sub3A_157, %mul3A_158 : i32
          %add3A_160 = arith.addi %mul3A_4, %mul3A_159 : i32
          %dma_wait3A_161 = tpu.memref_slice %arg3[%add3A_160] : memref<320000xi32, #tpu.memory_space<hbm>> -> memref<80xi32, #tpu.memory_space<hbm>>
          %dma_wait3A_162 = tpu.memref_slice %arg3[%add3A_160] : memref<320000xi32, #tpu.memory_space<hbm>> -> memref<80xi32, #tpu.memory_space<hbm>>
          tpu.wait_dma2 semaphore(%arg28 : memref<!tpu.dma_semaphore, #tpu.memory_space<semaphore_mem>>) src(%dma_wait3A_162 : memref<80xi32, #tpu.memory_space<hbm>>) dst(%arg9 : memref<80xi32, #tpu.memory_space<vmem>>)
          %dma_wait3A_163 = tpu.memref_slice %arg4[%add3A_160] : memref<320000xi32, #tpu.memory_space<hbm>> -> memref<80xi32, #tpu.memory_space<hbm>>
          %dma_wait3A_164 = tpu.memref_slice %arg4[%add3A_160] : memref<320000xi32, #tpu.memory_space<hbm>> -> memref<80xi32, #tpu.memory_space<hbm>>
          tpu.wait_dma2 semaphore(%arg28 : memref<!tpu.dma_semaphore, #tpu.memory_space<semaphore_mem>>) src(%dma_wait3A_164 : memref<80xi32, #tpu.memory_space<hbm>>) dst(%arg15 : memref<80xi32, #tpu.memory_space<vmem>>)
          %ge3A = arith.constant 1 : i32
          %ge3A_165 = arith.cmpi sge, %add3A_105, %ge3A : i32
          %convert_element_type3A_166 = arith.extui %ge3A_165 : i1 to i32
          %cond3A_167 = arith.constant 0 : i32
          %cond3A_168 = arith.cmpi ne, %convert_element_type3A_166, %cond3A_167 : i32
          scf.if %cond3A_168 {
            %dma_wait3A_180 = arith.constant 0 : i32
            %dma_wait3A_181 = arith.constant 0 : i32
            %dma_wait3A_182 = tpu.memref_slice %arg21[%dma_wait3A_180, %dma_wait3A_181] : memref<10240x128xf32, #tpu.memory_space<vmem_shared>> -> memref<10240x128xf32, #tpu.memory_space<vmem_shared>>
            tpu.wait_indirect_dma semaphore(%arg31 : memref<!tpu.dma_semaphore, #tpu.memory_space<semaphore_mem>>) src(%arg18 : memref<80x128xf32, #tpu.memory_space<vmem>>) dst(%dma_wait3A_182 : memref<10240x128xf32, #tpu.memory_space<vmem_shared>>)
          } else {
          }
          %dma_start3A_169 = arith.constant 0 : i32
          %dma_start3A_170 = arith.constant 0 : i32
          %dma_start3A_171 = tpu.memref_slice %arg2[%dma_start3A_169, %dma_start3A_170] : memref<10240x128xf32, #tpu.memory_space<hbm>> -> memref<10240x128xf32, #tpu.memory_space<hbm>>
          tpu.enqueue_indirect_dma source(%dma_start3A_171 : memref<10240x128xf32, #tpu.memory_space<hbm>>) target(%arg18 : memref<80x128xf32, #tpu.memory_space<vmem>>) offsets(%arg9 : memref<80xi32, #tpu.memory_space<vmem>>) semaphore(%arg22 : memref<!tpu.dma_semaphore, #tpu.memory_space<semaphore_mem>>)
          %add3A_172 = arith.constant 6 : i32
          %add3A_173 = arith.addi %add3A_105, %add3A_172 : i32
          %sub3A_174 = arith.constant 1 : i32
          %sub3A_175 = arith.subi %add3A_173, %sub3A_174 : i32
          %lt3A_176 = arith.cmpi slt, %sub3A_175, %min3A : i32
          %convert_element_type3A_177 = arith.extui %lt3A_176 : i1 to i32
          %cond3A_178 = arith.constant 0 : i32
          %cond3A_179 = arith.cmpi ne, %convert_element_type3A_177, %cond3A_178 : i32
          scf.if %cond3A_179 {
            %add3A_180 = arith.constant 6 : i32
            %add3A_181 = arith.addi %add3A_105, %add3A_180 : i32
            %sub3A_182 = arith.constant 1 : i32
            %sub3A_183 = arith.subi %add3A_181, %sub3A_182 : i32
            %mul3A_184 = arith.constant 80 : i32
            %mul3A_185 = arith.muli %sub3A_183, %mul3A_184 : i32
            %add3A_186 = arith.addi %mul3A_4, %mul3A_185 : i32
            %dma_start3A_187 = tpu.memref_slice %arg3[%add3A_186] : memref<320000xi32, #tpu.memory_space<hbm>> -> memref<80xi32, #tpu.memory_space<hbm>>
            %dma_start3A_188 = tpu.memref_slice %arg3[%add3A_186] : memref<320000xi32, #tpu.memory_space<hbm>> -> memref<80xi32, #tpu.memory_space<hbm>>
            tpu.enqueue_dma source(%dma_start3A_188 : memref<80xi32, #tpu.memory_space<hbm>>) target(%arg6 : memref<80xi32, #tpu.memory_space<vmem>>) target_semaphore(%arg25 : memref<!tpu.dma_semaphore, #tpu.memory_space<semaphore_mem>>)
            %dma_start3A_189 = tpu.memref_slice %arg4[%add3A_186] : memref<320000xi32, #tpu.memory_space<hbm>> -> memref<80xi32, #tpu.memory_space<hbm>>
            %dma_start3A_190 = tpu.memref_slice %arg4[%add3A_186] : memref<320000xi32, #tpu.memory_space<hbm>> -> memref<80xi32, #tpu.memory_space<hbm>>
            tpu.enqueue_dma source(%dma_start3A_190 : memref<80xi32, #tpu.memory_space<hbm>>) target(%arg12 : memref<80xi32, #tpu.memory_space<vmem>>) target_semaphore(%arg25 : memref<!tpu.dma_semaphore, #tpu.memory_space<semaphore_mem>>)
          } else {
          }
        } else {
        }
      } else {
      }
      %mul3A_110 = arith.constant 6 : i32
      %mul3A_111 = arith.muli %add3A_94, %mul3A_110 : i32
      %add3A_112 = arith.constant 2 : i32
      %add3A_113 = arith.addi %mul3A_111, %add3A_112 : i32
      %lt3A_114 = arith.cmpi slt, %add3A_113, %min3A : i32
      %convert_element_type3A_115 = arith.extui %lt3A_114 : i1 to i32
      %cond3A_116 = arith.constant 0 : i32
      %cond3A_117 = arith.cmpi ne, %convert_element_type3A_115, %cond3A_116 : i32
      scf.if %cond3A_117 {
        %dma_wait3A = arith.constant 0 : i32
        %dma_wait3A_142 = arith.constant 0 : i32
        %dma_wait3A_143 = tpu.memref_slice %arg2[%dma_wait3A, %dma_wait3A_142] : memref<10240x128xf32, #tpu.memory_space<hbm>> -> memref<10240x128xf32, #tpu.memory_space<hbm>>
        tpu.wait_indirect_dma semaphore(%arg24 : memref<!tpu.dma_semaphore, #tpu.memory_space<semaphore_mem>>) src(%dma_wait3A_143 : memref<10240x128xf32, #tpu.memory_space<hbm>>) dst(%arg20 : memref<80x128xf32, #tpu.memory_space<vmem>>)
        %dma_start3A = arith.constant 0 : i32
        %dma_start3A_144 = arith.constant 0 : i32
        %dma_start3A_145 = tpu.memref_slice %arg21[%dma_start3A, %dma_start3A_144] : memref<10240x128xf32, #tpu.memory_space<vmem_shared>> -> memref<10240x128xf32, #tpu.memory_space<vmem_shared>>
        tpu.enqueue_indirect_dma source(%arg20 : memref<80x128xf32, #tpu.memory_space<vmem>>) target(%dma_start3A_145 : memref<10240x128xf32, #tpu.memory_space<vmem_shared>>) offsets(%arg14 : memref<80xi32, #tpu.memory_space<vmem>>) semaphore(%arg33 : memref<!tpu.dma_semaphore, #tpu.memory_space<semaphore_mem>>) {add = true}
        %add3A_146 = arith.constant 3 : i32
        %add3A_147 = arith.addi %add3A_113, %add3A_146 : i32
        %sub3A_148 = arith.constant 1 : i32
        %sub3A_149 = arith.subi %add3A_147, %sub3A_148 : i32
        %lt3A_150 = arith.cmpi slt, %sub3A_149, %min3A : i32
        %convert_element_type3A_151 = arith.extui %lt3A_150 : i1 to i32
        %cond3A_152 = arith.constant 0 : i32
        %cond3A_153 = arith.cmpi ne, %convert_element_type3A_151, %cond3A_152 : i32
        scf.if %cond3A_153 {
          %add3A_154 = arith.constant 3 : i32
          %add3A_155 = arith.addi %add3A_113, %add3A_154 : i32
          %sub3A_156 = arith.constant 1 : i32
          %sub3A_157 = arith.subi %add3A_155, %sub3A_156 : i32
          %mul3A_158 = arith.constant 80 : i32
          %mul3A_159 = arith.muli %sub3A_157, %mul3A_158 : i32
          %add3A_160 = arith.addi %mul3A_4, %mul3A_159 : i32
          %dma_wait3A_161 = tpu.memref_slice %arg3[%add3A_160] : memref<320000xi32, #tpu.memory_space<hbm>> -> memref<80xi32, #tpu.memory_space<hbm>>
          %dma_wait3A_162 = tpu.memref_slice %arg3[%add3A_160] : memref<320000xi32, #tpu.memory_space<hbm>> -> memref<80xi32, #tpu.memory_space<hbm>>
          tpu.wait_dma2 semaphore(%arg29 : memref<!tpu.dma_semaphore, #tpu.memory_space<semaphore_mem>>) src(%dma_wait3A_162 : memref<80xi32, #tpu.memory_space<hbm>>) dst(%arg10 : memref<80xi32, #tpu.memory_space<vmem>>)
          %dma_wait3A_163 = tpu.memref_slice %arg4[%add3A_160] : memref<320000xi32, #tpu.memory_space<hbm>> -> memref<80xi32, #tpu.memory_space<hbm>>
          %dma_wait3A_164 = tpu.memref_slice %arg4[%add3A_160] : memref<320000xi32, #tpu.memory_space<hbm>> -> memref<80xi32, #tpu.memory_space<hbm>>
          tpu.wait_dma2 semaphore(%arg29 : memref<!tpu.dma_semaphore, #tpu.memory_space<semaphore_mem>>) src(%dma_wait3A_164 : memref<80xi32, #tpu.memory_space<hbm>>) dst(%arg16 : memref<80xi32, #tpu.memory_space<vmem>>)
          %ge3A = arith.constant 1 : i32
          %ge3A_165 = arith.cmpi sge, %add3A_113, %ge3A : i32
          %convert_element_type3A_166 = arith.extui %ge3A_165 : i1 to i32
          %cond3A_167 = arith.constant 0 : i32
          %cond3A_168 = arith.cmpi ne, %convert_element_type3A_166, %cond3A_167 : i32
          scf.if %cond3A_168 {
            %dma_wait3A_180 = arith.constant 0 : i32
            %dma_wait3A_181 = arith.constant 0 : i32
            %dma_wait3A_182 = tpu.memref_slice %arg21[%dma_wait3A_180, %dma_wait3A_181] : memref<10240x128xf32, #tpu.memory_space<vmem_shared>> -> memref<10240x128xf32, #tpu.memory_space<vmem_shared>>
            tpu.wait_indirect_dma semaphore(%arg32 : memref<!tpu.dma_semaphore, #tpu.memory_space<semaphore_mem>>) src(%arg19 : memref<80x128xf32, #tpu.memory_space<vmem>>) dst(%dma_wait3A_182 : memref<10240x128xf32, #tpu.memory_space<vmem_shared>>)
          } else {
          }
          %dma_start3A_169 = arith.constant 0 : i32
          %dma_start3A_170 = arith.constant 0 : i32
          %dma_start3A_171 = tpu.memref_slice %arg2[%dma_start3A_169, %dma_start3A_170] : memref<10240x128xf32, #tpu.memory_space<hbm>> -> memref<10240x128xf32, #tpu.memory_space<hbm>>
          tpu.enqueue_indirect_dma source(%dma_start3A_171 : memref<10240x128xf32, #tpu.memory_space<hbm>>) target(%arg19 : memref<80x128xf32, #tpu.memory_space<vmem>>) offsets(%arg10 : memref<80xi32, #tpu.memory_space<vmem>>) semaphore(%arg23 : memref<!tpu.dma_semaphore, #tpu.memory_space<semaphore_mem>>)
          %add3A_172 = arith.constant 6 : i32
          %add3A_173 = arith.addi %add3A_113, %add3A_172 : i32
          %sub3A_174 = arith.constant 1 : i32
          %sub3A_175 = arith.subi %add3A_173, %sub3A_174 : i32
          %lt3A_176 = arith.cmpi slt, %sub3A_175, %min3A : i32
          %convert_element_type3A_177 = arith.extui %lt3A_176 : i1 to i32
          %cond3A_178 = arith.constant 0 : i32
          %cond3A_179 = arith.cmpi ne, %convert_element_type3A_177, %cond3A_178 : i32
          scf.if %cond3A_179 {
            %add3A_180 = arith.constant 6 : i32
            %add3A_181 = arith.addi %add3A_113, %add3A_180 : i32
            %sub3A_182 = arith.constant 1 : i32
            %sub3A_183 = arith.subi %add3A_181, %sub3A_182 : i32
            %mul3A_184 = arith.constant 80 : i32
            %mul3A_185 = arith.muli %sub3A_183, %mul3A_184 : i32
            %add3A_186 = arith.addi %mul3A_4, %mul3A_185 : i32
            %dma_start3A_187 = tpu.memref_slice %arg3[%add3A_186] : memref<320000xi32, #tpu.memory_space<hbm>> -> memref<80xi32, #tpu.memory_space<hbm>>
            %dma_start3A_188 = tpu.memref_slice %arg3[%add3A_186] : memref<320000xi32, #tpu.memory_space<hbm>> -> memref<80xi32, #tpu.memory_space<hbm>>
            tpu.enqueue_dma source(%dma_start3A_188 : memref<80xi32, #tpu.memory_space<hbm>>) target(%arg7 : memref<80xi32, #tpu.memory_space<vmem>>) target_semaphore(%arg26 : memref<!tpu.dma_semaphore, #tpu.memory_space<semaphore_mem>>)
            %dma_start3A_189 = tpu.memref_slice %arg4[%add3A_186] : memref<320000xi32, #tpu.memory_space<hbm>> -> memref<80xi32, #tpu.memory_space<hbm>>
            %dma_start3A_190 = tpu.memref_slice %arg4[%add3A_186] : memref<320000xi32, #tpu.memory_space<hbm>> -> memref<80xi32, #tpu.memory_space<hbm>>
            tpu.enqueue_dma source(%dma_start3A_190 : memref<80xi32, #tpu.memory_space<hbm>>) target(%arg13 : memref<80xi32, #tpu.memory_space<vmem>>) target_semaphore(%arg26 : memref<!tpu.dma_semaphore, #tpu.memory_space<semaphore_mem>>)
          } else {
          }
        } else {
        }
      } else {
      }
      %mul3A_118 = arith.constant 6 : i32
      %mul3A_119 = arith.muli %add3A_94, %mul3A_118 : i32
      %add3A_120 = arith.constant 3 : i32
      %add3A_121 = arith.addi %mul3A_119, %add3A_120 : i32
      %lt3A_122 = arith.cmpi slt, %add3A_121, %min3A : i32
      %convert_element_type3A_123 = arith.extui %lt3A_122 : i1 to i32
      %cond3A_124 = arith.constant 0 : i32
      %cond3A_125 = arith.cmpi ne, %convert_element_type3A_123, %cond3A_124 : i32
      scf.if %cond3A_125 {
        %dma_wait3A = arith.constant 0 : i32
        %dma_wait3A_142 = arith.constant 0 : i32
        %dma_wait3A_143 = tpu.memref_slice %arg2[%dma_wait3A, %dma_wait3A_142] : memref<10240x128xf32, #tpu.memory_space<hbm>> -> memref<10240x128xf32, #tpu.memory_space<hbm>>
        tpu.wait_indirect_dma semaphore(%arg22 : memref<!tpu.dma_semaphore, #tpu.memory_space<semaphore_mem>>) src(%dma_wait3A_143 : memref<10240x128xf32, #tpu.memory_space<hbm>>) dst(%arg18 : memref<80x128xf32, #tpu.memory_space<vmem>>)
        %dma_start3A = arith.constant 0 : i32
        %dma_start3A_144 = arith.constant 0 : i32
        %dma_start3A_145 = tpu.memref_slice %arg21[%dma_start3A, %dma_start3A_144] : memref<10240x128xf32, #tpu.memory_space<vmem_shared>> -> memref<10240x128xf32, #tpu.memory_space<vmem_shared>>
        tpu.enqueue_indirect_dma source(%arg18 : memref<80x128xf32, #tpu.memory_space<vmem>>) target(%dma_start3A_145 : memref<10240x128xf32, #tpu.memory_space<vmem_shared>>) offsets(%arg15 : memref<80xi32, #tpu.memory_space<vmem>>) semaphore(%arg31 : memref<!tpu.dma_semaphore, #tpu.memory_space<semaphore_mem>>) {add = true}
        %add3A_146 = arith.constant 3 : i32
        %add3A_147 = arith.addi %add3A_121, %add3A_146 : i32
        %sub3A_148 = arith.constant 1 : i32
        %sub3A_149 = arith.subi %add3A_147, %sub3A_148 : i32
        %lt3A_150 = arith.cmpi slt, %sub3A_149, %min3A : i32
        %convert_element_type3A_151 = arith.extui %lt3A_150 : i1 to i32
        %cond3A_152 = arith.constant 0 : i32
        %cond3A_153 = arith.cmpi ne, %convert_element_type3A_151, %cond3A_152 : i32
        scf.if %cond3A_153 {
          %add3A_154 = arith.constant 3 : i32
          %add3A_155 = arith.addi %add3A_121, %add3A_154 : i32
          %sub3A_156 = arith.constant 1 : i32
          %sub3A_157 = arith.subi %add3A_155, %sub3A_156 : i32
          %mul3A_158 = arith.constant 80 : i32
          %mul3A_159 = arith.muli %sub3A_157, %mul3A_158 : i32
          %add3A_160 = arith.addi %mul3A_4, %mul3A_159 : i32
          %dma_wait3A_161 = tpu.memref_slice %arg3[%add3A_160] : memref<320000xi32, #tpu.memory_space<hbm>> -> memref<80xi32, #tpu.memory_space<hbm>>
          %dma_wait3A_162 = tpu.memref_slice %arg3[%add3A_160] : memref<320000xi32, #tpu.memory_space<hbm>> -> memref<80xi32, #tpu.memory_space<hbm>>
          tpu.wait_dma2 semaphore(%arg30 : memref<!tpu.dma_semaphore, #tpu.memory_space<semaphore_mem>>) src(%dma_wait3A_162 : memref<80xi32, #tpu.memory_space<hbm>>) dst(%arg11 : memref<80xi32, #tpu.memory_space<vmem>>)
          %dma_wait3A_163 = tpu.memref_slice %arg4[%add3A_160] : memref<320000xi32, #tpu.memory_space<hbm>> -> memref<80xi32, #tpu.memory_space<hbm>>
          %dma_wait3A_164 = tpu.memref_slice %arg4[%add3A_160] : memref<320000xi32, #tpu.memory_space<hbm>> -> memref<80xi32, #tpu.memory_space<hbm>>
          tpu.wait_dma2 semaphore(%arg30 : memref<!tpu.dma_semaphore, #tpu.memory_space<semaphore_mem>>) src(%dma_wait3A_164 : memref<80xi32, #tpu.memory_space<hbm>>) dst(%arg17 : memref<80xi32, #tpu.memory_space<vmem>>)
          %ge3A = arith.constant 1 : i32
          %ge3A_165 = arith.cmpi sge, %add3A_121, %ge3A : i32
          %convert_element_type3A_166 = arith.extui %ge3A_165 : i1 to i32
          %cond3A_167 = arith.constant 0 : i32
          %cond3A_168 = arith.cmpi ne, %convert_element_type3A_166, %cond3A_167 : i32
          scf.if %cond3A_168 {
            %dma_wait3A_180 = arith.constant 0 : i32
            %dma_wait3A_181 = arith.constant 0 : i32
            %dma_wait3A_182 = tpu.memref_slice %arg21[%dma_wait3A_180, %dma_wait3A_181] : memref<10240x128xf32, #tpu.memory_space<vmem_shared>> -> memref<10240x128xf32, #tpu.memory_space<vmem_shared>>
            tpu.wait_indirect_dma semaphore(%arg33 : memref<!tpu.dma_semaphore, #tpu.memory_space<semaphore_mem>>) src(%arg20 : memref<80x128xf32, #tpu.memory_space<vmem>>) dst(%dma_wait3A_182 : memref<10240x128xf32, #tpu.memory_space<vmem_shared>>)
          } else {
          }
          %dma_start3A_169 = arith.constant 0 : i32
          %dma_start3A_170 = arith.constant 0 : i32
          %dma_start3A_171 = tpu.memref_slice %arg2[%dma_start3A_169, %dma_start3A_170] : memref<10240x128xf32, #tpu.memory_space<hbm>> -> memref<10240x128xf32, #tpu.memory_space<hbm>>
          tpu.enqueue_indirect_dma source(%dma_start3A_171 : memref<10240x128xf32, #tpu.memory_space<hbm>>) target(%arg20 : memref<80x128xf32, #tpu.memory_space<vmem>>) offsets(%arg11 : memref<80xi32, #tpu.memory_space<vmem>>) semaphore(%arg24 : memref<!tpu.dma_semaphore, #tpu.memory_space<semaphore_mem>>)
          %add3A_172 = arith.constant 6 : i32
          %add3A_173 = arith.addi %add3A_121, %add3A_172 : i32
          %sub3A_174 = arith.constant 1 : i32
          %sub3A_175 = arith.subi %add3A_173, %sub3A_174 : i32
          %lt3A_176 = arith.cmpi slt, %sub3A_175, %min3A : i32
          %convert_element_type3A_177 = arith.extui %lt3A_176 : i1 to i32
          %cond3A_178 = arith.constant 0 : i32
          %cond3A_179 = arith.cmpi ne, %convert_element_type3A_177, %cond3A_178 : i32
          scf.if %cond3A_179 {
            %add3A_180 = arith.constant 6 : i32
            %add3A_181 = arith.addi %add3A_121, %add3A_180 : i32
            %sub3A_182 = arith.constant 1 : i32
            %sub3A_183 = arith.subi %add3A_181, %sub3A_182 : i32
            %mul3A_184 = arith.constant 80 : i32
            %mul3A_185 = arith.muli %sub3A_183, %mul3A_184 : i32
            %add3A_186 = arith.addi %mul3A_4, %mul3A_185 : i32
            %dma_start3A_187 = tpu.memref_slice %arg3[%add3A_186] : memref<320000xi32, #tpu.memory_space<hbm>> -> memref<80xi32, #tpu.memory_space<hbm>>
            %dma_start3A_188 = tpu.memref_slice %arg3[%add3A_186] : memref<320000xi32, #tpu.memory_space<hbm>> -> memref<80xi32, #tpu.memory_space<hbm>>
            tpu.enqueue_dma source(%dma_start3A_188 : memref<80xi32, #tpu.memory_space<hbm>>) target(%arg8 : memref<80xi32, #tpu.memory_space<vmem>>) target_semaphore(%arg27 : memref<!tpu.dma_semaphore, #tpu.memory_space<semaphore_mem>>)
            %dma_start3A_189 = tpu.memref_slice %arg4[%add3A_186] : memref<320000xi32, #tpu.memory_space<hbm>> -> memref<80xi32, #tpu.memory_space<hbm>>
            %dma_start3A_190 = tpu.memref_slice %arg4[%add3A_186] : memref<320000xi32, #tpu.memory_space<hbm>> -> memref<80xi32, #tpu.memory_space<hbm>>
            tpu.enqueue_dma source(%dma_start3A_190 : memref<80xi32, #tpu.memory_space<hbm>>) target(%arg14 : memref<80xi32, #tpu.memory_space<vmem>>) target_semaphore(%arg27 : memref<!tpu.dma_semaphore, #tpu.memory_space<semaphore_mem>>)
          } else {
          }
        } else {
        }
      } else {
      }
      %mul3A_126 = arith.constant 6 : i32
      %mul3A_127 = arith.muli %add3A_94, %mul3A_126 : i32
      %add3A_128 = arith.constant 4 : i32
      %add3A_129 = arith.addi %mul3A_127, %add3A_128 : i32
      %lt3A_130 = arith.cmpi slt, %add3A_129, %min3A : i32
      %convert_element_type3A_131 = arith.extui %lt3A_130 : i1 to i32
      %cond3A_132 = arith.constant 0 : i32
      %cond3A_133 = arith.cmpi ne, %convert_element_type3A_131, %cond3A_132 : i32
      scf.if %cond3A_133 {
        %dma_wait3A = arith.constant 0 : i32
        %dma_wait3A_142 = arith.constant 0 : i32
        %dma_wait3A_143 = tpu.memref_slice %arg2[%dma_wait3A, %dma_wait3A_142] : memref<10240x128xf32, #tpu.memory_space<hbm>> -> memref<10240x128xf32, #tpu.memory_space<hbm>>
        tpu.wait_indirect_dma semaphore(%arg23 : memref<!tpu.dma_semaphore, #tpu.memory_space<semaphore_mem>>) src(%dma_wait3A_143 : memref<10240x128xf32, #tpu.memory_space<hbm>>) dst(%arg19 : memref<80x128xf32, #tpu.memory_space<vmem>>)
        %dma_start3A = arith.constant 0 : i32
        %dma_start3A_144 = arith.constant 0 : i32
        %dma_start3A_145 = tpu.memref_slice %arg21[%dma_start3A, %dma_start3A_144] : memref<10240x128xf32, #tpu.memory_space<vmem_shared>> -> memref<10240x128xf32, #tpu.memory_space<vmem_shared>>
        tpu.enqueue_indirect_dma source(%arg19 : memref<80x128xf32, #tpu.memory_space<vmem>>) target(%dma_start3A_145 : memref<10240x128xf32, #tpu.memory_space<vmem_shared>>) offsets(%arg16 : memref<80xi32, #tpu.memory_space<vmem>>) semaphore(%arg32 : memref<!tpu.dma_semaphore, #tpu.memory_space<semaphore_mem>>) {add = true}
        %add3A_146 = arith.constant 3 : i32
        %add3A_147 = arith.addi %add3A_129, %add3A_146 : i32
        %sub3A_148 = arith.constant 1 : i32
        %sub3A_149 = arith.subi %add3A_147, %sub3A_148 : i32
        %lt3A_150 = arith.cmpi slt, %sub3A_149, %min3A : i32
        %convert_element_type3A_151 = arith.extui %lt3A_150 : i1 to i32
        %cond3A_152 = arith.constant 0 : i32
        %cond3A_153 = arith.cmpi ne, %convert_element_type3A_151, %cond3A_152 : i32
        scf.if %cond3A_153 {
          %add3A_154 = arith.constant 3 : i32
          %add3A_155 = arith.addi %add3A_129, %add3A_154 : i32
          %sub3A_156 = arith.constant 1 : i32
          %sub3A_157 = arith.subi %add3A_155, %sub3A_156 : i32
          %mul3A_158 = arith.constant 80 : i32
          %mul3A_159 = arith.muli %sub3A_157, %mul3A_158 : i32
          %add3A_160 = arith.addi %mul3A_4, %mul3A_159 : i32
          %dma_wait3A_161 = tpu.memref_slice %arg3[%add3A_160] : memref<320000xi32, #tpu.memory_space<hbm>> -> memref<80xi32, #tpu.memory_space<hbm>>
          %dma_wait3A_162 = tpu.memref_slice %arg3[%add3A_160] : memref<320000xi32, #tpu.memory_space<hbm>> -> memref<80xi32, #tpu.memory_space<hbm>>
          tpu.wait_dma2 semaphore(%arg25 : memref<!tpu.dma_semaphore, #tpu.memory_space<semaphore_mem>>) src(%dma_wait3A_162 : memref<80xi32, #tpu.memory_space<hbm>>) dst(%arg6 : memref<80xi32, #tpu.memory_space<vmem>>)
          %dma_wait3A_163 = tpu.memref_slice %arg4[%add3A_160] : memref<320000xi32, #tpu.memory_space<hbm>> -> memref<80xi32, #tpu.memory_space<hbm>>
          %dma_wait3A_164 = tpu.memref_slice %arg4[%add3A_160] : memref<320000xi32, #tpu.memory_space<hbm>> -> memref<80xi32, #tpu.memory_space<hbm>>
          tpu.wait_dma2 semaphore(%arg25 : memref<!tpu.dma_semaphore, #tpu.memory_space<semaphore_mem>>) src(%dma_wait3A_164 : memref<80xi32, #tpu.memory_space<hbm>>) dst(%arg12 : memref<80xi32, #tpu.memory_space<vmem>>)
          %ge3A = arith.constant 1 : i32
          %ge3A_165 = arith.cmpi sge, %add3A_129, %ge3A : i32
          %convert_element_type3A_166 = arith.extui %ge3A_165 : i1 to i32
          %cond3A_167 = arith.constant 0 : i32
          %cond3A_168 = arith.cmpi ne, %convert_element_type3A_166, %cond3A_167 : i32
          scf.if %cond3A_168 {
            %dma_wait3A_180 = arith.constant 0 : i32
            %dma_wait3A_181 = arith.constant 0 : i32
            %dma_wait3A_182 = tpu.memref_slice %arg21[%dma_wait3A_180, %dma_wait3A_181] : memref<10240x128xf32, #tpu.memory_space<vmem_shared>> -> memref<10240x128xf32, #tpu.memory_space<vmem_shared>>
            tpu.wait_indirect_dma semaphore(%arg31 : memref<!tpu.dma_semaphore, #tpu.memory_space<semaphore_mem>>) src(%arg18 : memref<80x128xf32, #tpu.memory_space<vmem>>) dst(%dma_wait3A_182 : memref<10240x128xf32, #tpu.memory_space<vmem_shared>>)
          } else {
          }
          %dma_start3A_169 = arith.constant 0 : i32
          %dma_start3A_170 = arith.constant 0 : i32
          %dma_start3A_171 = tpu.memref_slice %arg2[%dma_start3A_169, %dma_start3A_170] : memref<10240x128xf32, #tpu.memory_space<hbm>> -> memref<10240x128xf32, #tpu.memory_space<hbm>>
          tpu.enqueue_indirect_dma source(%dma_start3A_171 : memref<10240x128xf32, #tpu.memory_space<hbm>>) target(%arg18 : memref<80x128xf32, #tpu.memory_space<vmem>>) offsets(%arg6 : memref<80xi32, #tpu.memory_space<vmem>>) semaphore(%arg22 : memref<!tpu.dma_semaphore, #tpu.memory_space<semaphore_mem>>)
          %add3A_172 = arith.constant 6 : i32
          %add3A_173 = arith.addi %add3A_129, %add3A_172 : i32
          %sub3A_174 = arith.constant 1 : i32
          %sub3A_175 = arith.subi %add3A_173, %sub3A_174 : i32
          %lt3A_176 = arith.cmpi slt, %sub3A_175, %min3A : i32
          %convert_element_type3A_177 = arith.extui %lt3A_176 : i1 to i32
          %cond3A_178 = arith.constant 0 : i32
          %cond3A_179 = arith.cmpi ne, %convert_element_type3A_177, %cond3A_178 : i32
          scf.if %cond3A_179 {
            %add3A_180 = arith.constant 6 : i32
            %add3A_181 = arith.addi %add3A_129, %add3A_180 : i32
            %sub3A_182 = arith.constant 1 : i32
            %sub3A_183 = arith.subi %add3A_181, %sub3A_182 : i32
            %mul3A_184 = arith.constant 80 : i32
            %mul3A_185 = arith.muli %sub3A_183, %mul3A_184 : i32
            %add3A_186 = arith.addi %mul3A_4, %mul3A_185 : i32
            %dma_start3A_187 = tpu.memref_slice %arg3[%add3A_186] : memref<320000xi32, #tpu.memory_space<hbm>> -> memref<80xi32, #tpu.memory_space<hbm>>
            %dma_start3A_188 = tpu.memref_slice %arg3[%add3A_186] : memref<320000xi32, #tpu.memory_space<hbm>> -> memref<80xi32, #tpu.memory_space<hbm>>
            tpu.enqueue_dma source(%dma_start3A_188 : memref<80xi32, #tpu.memory_space<hbm>>) target(%arg9 : memref<80xi32, #tpu.memory_space<vmem>>) target_semaphore(%arg28 : memref<!tpu.dma_semaphore, #tpu.memory_space<semaphore_mem>>)
            %dma_start3A_189 = tpu.memref_slice %arg4[%add3A_186] : memref<320000xi32, #tpu.memory_space<hbm>> -> memref<80xi32, #tpu.memory_space<hbm>>
            %dma_start3A_190 = tpu.memref_slice %arg4[%add3A_186] : memref<320000xi32, #tpu.memory_space<hbm>> -> memref<80xi32, #tpu.memory_space<hbm>>
            tpu.enqueue_dma source(%dma_start3A_190 : memref<80xi32, #tpu.memory_space<hbm>>) target(%arg15 : memref<80xi32, #tpu.memory_space<vmem>>) target_semaphore(%arg28 : memref<!tpu.dma_semaphore, #tpu.memory_space<semaphore_mem>>)
          } else {
          }
        } else {
        }
      } else {
      }
      %mul3A_134 = arith.constant 6 : i32
      %mul3A_135 = arith.muli %add3A_94, %mul3A_134 : i32
      %add3A_136 = arith.constant 5 : i32
      %add3A_137 = arith.addi %mul3A_135, %add3A_136 : i32
      %lt3A_138 = arith.cmpi slt, %add3A_137, %min3A : i32
      %convert_element_type3A_139 = arith.extui %lt3A_138 : i1 to i32
      %cond3A_140 = arith.constant 0 : i32
      %cond3A_141 = arith.cmpi ne, %convert_element_type3A_139, %cond3A_140 : i32
      scf.if %cond3A_141 {
        %dma_wait3A = arith.constant 0 : i32
        %dma_wait3A_142 = arith.constant 0 : i32
        %dma_wait3A_143 = tpu.memref_slice %arg2[%dma_wait3A, %dma_wait3A_142] : memref<10240x128xf32, #tpu.memory_space<hbm>> -> memref<10240x128xf32, #tpu.memory_space<hbm>>
        tpu.wait_indirect_dma semaphore(%arg24 : memref<!tpu.dma_semaphore, #tpu.memory_space<semaphore_mem>>) src(%dma_wait3A_143 : memref<10240x128xf32, #tpu.memory_space<hbm>>) dst(%arg20 : memref<80x128xf32, #tpu.memory_space<vmem>>)
        %dma_start3A = arith.constant 0 : i32
        %dma_start3A_144 = arith.constant 0 : i32
        %dma_start3A_145 = tpu.memref_slice %arg21[%dma_start3A, %dma_start3A_144] : memref<10240x128xf32, #tpu.memory_space<vmem_shared>> -> memref<10240x128xf32, #tpu.memory_space<vmem_shared>>
        tpu.enqueue_indirect_dma source(%arg20 : memref<80x128xf32, #tpu.memory_space<vmem>>) target(%dma_start3A_145 : memref<10240x128xf32, #tpu.memory_space<vmem_shared>>) offsets(%arg17 : memref<80xi32, #tpu.memory_space<vmem>>) semaphore(%arg33 : memref<!tpu.dma_semaphore, #tpu.memory_space<semaphore_mem>>) {add = true}
        %add3A_146 = arith.constant 3 : i32
        %add3A_147 = arith.addi %add3A_137, %add3A_146 : i32
        %sub3A_148 = arith.constant 1 : i32
        %sub3A_149 = arith.subi %add3A_147, %sub3A_148 : i32
        %lt3A_150 = arith.cmpi slt, %sub3A_149, %min3A : i32
        %convert_element_type3A_151 = arith.extui %lt3A_150 : i1 to i32
        %cond3A_152 = arith.constant 0 : i32
        %cond3A_153 = arith.cmpi ne, %convert_element_type3A_151, %cond3A_152 : i32
        scf.if %cond3A_153 {
          %add3A_154 = arith.constant 3 : i32
          %add3A_155 = arith.addi %add3A_137, %add3A_154 : i32
          %sub3A_156 = arith.constant 1 : i32
          %sub3A_157 = arith.subi %add3A_155, %sub3A_156 : i32
          %mul3A_158 = arith.constant 80 : i32
          %mul3A_159 = arith.muli %sub3A_157, %mul3A_158 : i32
          %add3A_160 = arith.addi %mul3A_4, %mul3A_159 : i32
          %dma_wait3A_161 = tpu.memref_slice %arg3[%add3A_160] : memref<320000xi32, #tpu.memory_space<hbm>> -> memref<80xi32, #tpu.memory_space<hbm>>
          %dma_wait3A_162 = tpu.memref_slice %arg3[%add3A_160] : memref<320000xi32, #tpu.memory_space<hbm>> -> memref<80xi32, #tpu.memory_space<hbm>>
          tpu.wait_dma2 semaphore(%arg26 : memref<!tpu.dma_semaphore, #tpu.memory_space<semaphore_mem>>) src(%dma_wait3A_162 : memref<80xi32, #tpu.memory_space<hbm>>) dst(%arg7 : memref<80xi32, #tpu.memory_space<vmem>>)
          %dma_wait3A_163 = tpu.memref_slice %arg4[%add3A_160] : memref<320000xi32, #tpu.memory_space<hbm>> -> memref<80xi32, #tpu.memory_space<hbm>>
          %dma_wait3A_164 = tpu.memref_slice %arg4[%add3A_160] : memref<320000xi32, #tpu.memory_space<hbm>> -> memref<80xi32, #tpu.memory_space<hbm>>
          tpu.wait_dma2 semaphore(%arg26 : memref<!tpu.dma_semaphore, #tpu.memory_space<semaphore_mem>>) src(%dma_wait3A_164 : memref<80xi32, #tpu.memory_space<hbm>>) dst(%arg13 : memref<80xi32, #tpu.memory_space<vmem>>)
          %ge3A = arith.constant 1 : i32
          %ge3A_165 = arith.cmpi sge, %add3A_137, %ge3A : i32
          %convert_element_type3A_166 = arith.extui %ge3A_165 : i1 to i32
          %cond3A_167 = arith.constant 0 : i32
          %cond3A_168 = arith.cmpi ne, %convert_element_type3A_166, %cond3A_167 : i32
          scf.if %cond3A_168 {
            %dma_wait3A_180 = arith.constant 0 : i32
            %dma_wait3A_181 = arith.constant 0 : i32
            %dma_wait3A_182 = tpu.memref_slice %arg21[%dma_wait3A_180, %dma_wait3A_181] : memref<10240x128xf32, #tpu.memory_space<vmem_shared>> -> memref<10240x128xf32, #tpu.memory_space<vmem_shared>>
            tpu.wait_indirect_dma semaphore(%arg32 : memref<!tpu.dma_semaphore, #tpu.memory_space<semaphore_mem>>) src(%arg19 : memref<80x128xf32, #tpu.memory_space<vmem>>) dst(%dma_wait3A_182 : memref<10240x128xf32, #tpu.memory_space<vmem_shared>>)
          } else {
          }
          %dma_start3A_169 = arith.constant 0 : i32
          %dma_start3A_170 = arith.constant 0 : i32
          %dma_start3A_171 = tpu.memref_slice %arg2[%dma_start3A_169, %dma_start3A_170] : memref<10240x128xf32, #tpu.memory_space<hbm>> -> memref<10240x128xf32, #tpu.memory_space<hbm>>
          tpu.enqueue_indirect_dma source(%dma_start3A_171 : memref<10240x128xf32, #tpu.memory_space<hbm>>) target(%arg19 : memref<80x128xf32, #tpu.memory_space<vmem>>) offsets(%arg7 : memref<80xi32, #tpu.memory_space<vmem>>) semaphore(%arg23 : memref<!tpu.dma_semaphore, #tpu.memory_space<semaphore_mem>>)
          %add3A_172 = arith.constant 6 : i32
          %add3A_173 = arith.addi %add3A_137, %add3A_172 : i32
          %sub3A_174 = arith.constant 1 : i32
          %sub3A_175 = arith.subi %add3A_173, %sub3A_174 : i32
          %lt3A_176 = arith.cmpi slt, %sub3A_175, %min3A : i32
          %convert_element_type3A_177 = arith.extui %lt3A_176 : i1 to i32
          %cond3A_178 = arith.constant 0 : i32
          %cond3A_179 = arith.cmpi ne, %convert_element_type3A_177, %cond3A_178 : i32
          scf.if %cond3A_179 {
            %add3A_180 = arith.constant 6 : i32
            %add3A_181 = arith.addi %add3A_137, %add3A_180 : i32
            %sub3A_182 = arith.constant 1 : i32
            %sub3A_183 = arith.subi %add3A_181, %sub3A_182 : i32
            %mul3A_184 = arith.constant 80 : i32
            %mul3A_185 = arith.muli %sub3A_183, %mul3A_184 : i32
            %add3A_186 = arith.addi %mul3A_4, %mul3A_185 : i32
            %dma_start3A_187 = tpu.memref_slice %arg3[%add3A_186] : memref<320000xi32, #tpu.memory_space<hbm>> -> memref<80xi32, #tpu.memory_space<hbm>>
            %dma_start3A_188 = tpu.memref_slice %arg3[%add3A_186] : memref<320000xi32, #tpu.memory_space<hbm>> -> memref<80xi32, #tpu.memory_space<hbm>>
            tpu.enqueue_dma source(%dma_start3A_188 : memref<80xi32, #tpu.memory_space<hbm>>) target(%arg10 : memref<80xi32, #tpu.memory_space<vmem>>) target_semaphore(%arg29 : memref<!tpu.dma_semaphore, #tpu.memory_space<semaphore_mem>>)
            %dma_start3A_189 = tpu.memref_slice %arg4[%add3A_186] : memref<320000xi32, #tpu.memory_space<hbm>> -> memref<80xi32, #tpu.memory_space<hbm>>
            %dma_start3A_190 = tpu.memref_slice %arg4[%add3A_186] : memref<320000xi32, #tpu.memory_space<hbm>> -> memref<80xi32, #tpu.memory_space<hbm>>
            tpu.enqueue_dma source(%dma_start3A_190 : memref<80xi32, #tpu.memory_space<hbm>>) target(%arg16 : memref<80xi32, #tpu.memory_space<vmem>>) target_semaphore(%arg29 : memref<!tpu.dma_semaphore, #tpu.memory_space<semaphore_mem>>)
          } else {
          }
        } else {
        }
      } else {
      }
    }
    %scan3A_70 = arith.constant 21 : i32
    %gt3A_71 = arith.constant 0 : i32
    %gt3A_72 = arith.cmpi sgt, %min3A, %gt3A_71 : i32
    %convert_element_type3A_73 = arith.extui %gt3A_72 : i1 to i32
    %cond3A_74 = arith.constant 0 : i32
    %cond3A_75 = arith.cmpi ne, %convert_element_type3A_73, %cond3A_74 : i32
    scf.if %cond3A_75 {
      %dma_wait3A = arith.constant 0 : i32
      %dma_wait3A_90 = arith.constant 0 : i32
      %dma_wait3A_91 = tpu.memref_slice %arg21[%dma_wait3A, %dma_wait3A_90] : memref<10240x128xf32, #tpu.memory_space<vmem_shared>> -> memref<10240x128xf32, #tpu.memory_space<vmem_shared>>
      tpu.wait_indirect_dma semaphore(%arg31 : memref<!tpu.dma_semaphore, #tpu.memory_space<semaphore_mem>>) src(%arg18 : memref<80x128xf32, #tpu.memory_space<vmem>>) dst(%dma_wait3A_91 : memref<10240x128xf32, #tpu.memory_space<vmem_shared>>)
    } else {
    }
    %gt3A_76 = arith.constant 1 : i32
    %gt3A_77 = arith.cmpi sgt, %min3A, %gt3A_76 : i32
    %convert_element_type3A_78 = arith.extui %gt3A_77 : i1 to i32
    %cond3A_79 = arith.constant 0 : i32
    %cond3A_80 = arith.cmpi ne, %convert_element_type3A_78, %cond3A_79 : i32
    scf.if %cond3A_80 {
      %dma_wait3A = arith.constant 0 : i32
      %dma_wait3A_90 = arith.constant 0 : i32
      %dma_wait3A_91 = tpu.memref_slice %arg21[%dma_wait3A, %dma_wait3A_90] : memref<10240x128xf32, #tpu.memory_space<vmem_shared>> -> memref<10240x128xf32, #tpu.memory_space<vmem_shared>>
      tpu.wait_indirect_dma semaphore(%arg32 : memref<!tpu.dma_semaphore, #tpu.memory_space<semaphore_mem>>) src(%arg19 : memref<80x128xf32, #tpu.memory_space<vmem>>) dst(%dma_wait3A_91 : memref<10240x128xf32, #tpu.memory_space<vmem_shared>>)
    } else {
    }
    %gt3A_81 = arith.constant 2 : i32
    %gt3A_82 = arith.cmpi sgt, %min3A, %gt3A_81 : i32
    %convert_element_type3A_83 = arith.extui %gt3A_82 : i1 to i32
    %cond3A_84 = arith.constant 0 : i32
    %cond3A_85 = arith.cmpi ne, %convert_element_type3A_83, %cond3A_84 : i32
    scf.if %cond3A_85 {
      %dma_wait3A = arith.constant 0 : i32
      %dma_wait3A_90 = arith.constant 0 : i32
      %dma_wait3A_91 = tpu.memref_slice %arg21[%dma_wait3A, %dma_wait3A_90] : memref<10240x128xf32, #tpu.memory_space<vmem_shared>> -> memref<10240x128xf32, #tpu.memory_space<vmem_shared>>
      tpu.wait_indirect_dma semaphore(%arg33 : memref<!tpu.dma_semaphore, #tpu.memory_space<semaphore_mem>>) src(%arg20 : memref<80x128xf32, #tpu.memory_space<vmem>>) dst(%dma_wait3A_91 : memref<10240x128xf32, #tpu.memory_space<vmem_shared>>)
    } else {
    }
    %barrier3A_86 = arith.constant 0 : index
    tpu.barrier barrier_id(%barrier3A_86)
    %mul3A_87 = arith.constant 10240 : i32
    %mul3A_88 = arith.muli %arg0, %mul3A_87 : i32
    %add3A_89 = arith.addi %mul3A_88, %mul3A_37 : i32
    "tpu.region"() ({
      %run_scoped3A = tpu.sem_alloc : memref<!tpu.dma_semaphore, #tpu.memory_space<semaphore_mem>>
      %dma_start3A = arith.constant 0 : i32
      %dma_start3A_90 = tpu.memref_slice %arg5[%add3A_89, %dma_start3A] : memref<20480x128xf32, #tpu.memory_space<hbm>> -> memref<640x128xf32, #tpu.memory_space<hbm>>
      %dma_start3A_91 = arith.constant 0 : i32
      %dma_start3A_92 = tpu.memref_slice %arg21[%mul3A_37, %dma_start3A_91] : memref<10240x128xf32, #tpu.memory_space<vmem_shared>> -> memref<640x128xf32, #tpu.memory_space<vmem_shared>>
      tpu.enqueue_dma source(%dma_start3A_92 : memref<640x128xf32, #tpu.memory_space<vmem_shared>>) target(%dma_start3A_90 : memref<640x128xf32, #tpu.memory_space<hbm>>) target_semaphore(%run_scoped3A : memref<!tpu.dma_semaphore, #tpu.memory_space<semaphore_mem>>)
      %dma_wait3A = arith.constant 0 : i32
      %dma_wait3A_93 = tpu.memref_slice %arg5[%add3A_89, %dma_wait3A] : memref<20480x128xf32, #tpu.memory_space<hbm>> -> memref<640x128xf32, #tpu.memory_space<hbm>>
      %dma_wait3A_94 = arith.constant 0 : i32
      %dma_wait3A_95 = tpu.memref_slice %arg21[%mul3A_37, %dma_wait3A_94] : memref<10240x128xf32, #tpu.memory_space<vmem_shared>> -> memref<640x128xf32, #tpu.memory_space<vmem_shared>>
      tpu.wait_dma2 semaphore(%run_scoped3A : memref<!tpu.dma_semaphore, #tpu.memory_space<semaphore_mem>>) src(%dma_wait3A_95 : memref<640x128xf32, #tpu.memory_space<vmem_shared>>) dst(%dma_wait3A_93 : memref<640x128xf32, #tpu.memory_space<hbm>>)
      tpu.yield
    }) : () -> ()
    return
  }
}

module attributes {stable_mosaic.version = 14 : i64} {
  func.func @_tc_layer1_body(%arg0: memref<20480x128xf32, #tpu.memory_space<vmem>>, %arg1: memref<32x10240xf32, #tpu.memory_space<vmem>>, %arg2: memref<128x128xf32, #tpu.memory_space<vmem>>, %arg3: memref<128xf32, #tpu.memory_space<vmem>>, %arg4: memref<10240x128xf32, #tpu.memory_space<vmem>>, %arg5: memref<10240x1xf32, #tpu.memory_space<vmem>>) attributes {dimension_semantics = [], scalar_prefetch = 0 : i64, scratch_operands = 0 : i64, tpu.core_type = #tpu.core_type<tc>} {
    %get3A = arith.constant 0 : index
    %get3A_0 = arith.constant 0 : index
    %get3A_1 = vector.load %arg0[%get3A, %get3A_0] : memref<20480x128xf32, #tpu.memory_space<vmem>>, vector<10240x128xf32>
    %get3A_2 = arith.constant 10240 : index
    %get3A_3 = arith.constant 0 : index
    %get3A_4 = vector.load %arg0[%get3A_2, %get3A_3] : memref<20480x128xf32, #tpu.memory_space<vmem>>, vector<10240x128xf32>
    %add3A = arith.addf %get3A_1, %get3A_4 : vector<10240x128xf32>
    %broadcast_in_dim3A = arith.constant 1.000000e+00 : f32
    %broadcast_in_dim3A_5 = vector.broadcast %broadcast_in_dim3A : f32 to vector<32x1xf32>
    %get3A_6 = arith.constant 0 : index
    %get3A_7 = arith.constant 0 : index
    %get3A_8 = vector.load %arg1[%get3A_6, %get3A_7] : memref<32x10240xf32, #tpu.memory_space<vmem>>, vector<32x10240xf32>
    %dot_general3A = arith.constant dense<0.000000e+00> : vector<10240x1xf32>
    %dot_general3A_9 = tpu.matmul %get3A_8, %broadcast_in_dim3A_5, %dot_general3A {dimension_numbers = #tpu.dot_dimension_numbers<[0], [0], [1], [1], [0, 1, 1, 1], [], []>, transpose_lhs_hint = false} : vector<32x10240xf32>, vector<32x1xf32>, vector<10240x1xf32> -> vector<10240x1xf32>
    %max3A = arith.constant 1.000000e+00 : f32
    %max3A_10 = vector.broadcast %max3A : f32 to vector<10240x1xf32>
    %max3A_11 = arith.maximumf %dot_general3A_9, %max3A_10 : vector<10240x1xf32>
    %div3A = arith.constant 1.000000e+00 : f32
    %div3A_12 = vector.broadcast %div3A : f32 to vector<10240x1xf32>
    %div3A_13 = arith.divf %div3A_12, %max3A_11 : vector<10240x1xf32>
    %swap3A = arith.constant 0 : index
    %swap3A_14 = arith.constant 0 : index
    %swap3A_15 = vector.load %arg5[%swap3A, %swap3A_14] : memref<10240x1xf32, #tpu.memory_space<vmem>>, vector<10240x1xf32>
    tpu.vector_store %arg5[%swap3A, %swap3A_14], %div3A_13 {strides = array<i32>} : memref<10240x1xf32, #tpu.memory_space<vmem>>, vector<10240x1xf32>,
    %mul3A = vector.broadcast %div3A_13 : vector<10240x1xf32> to vector<10240x128xf32>
    %mul3A_16 = arith.mulf %add3A, %mul3A : vector<10240x128xf32>
    %get3A_17 = arith.constant 0 : index
    %get3A_18 = arith.constant 0 : index
    %get3A_19 = vector.load %arg2[%get3A_17, %get3A_18] : memref<128x128xf32, #tpu.memory_space<vmem>>, vector<128x128xf32>
    %dot_general3A_20 = arith.constant dense<0.000000e+00> : vector<10240x128xf32>
    %dot_general3A_21 = tpu.matmul %mul3A_16, %get3A_19, %dot_general3A_20 {dimension_numbers = #tpu.dot_dimension_numbers<[1], [0], [0], [1], [0, 0, 1, 1], [], []>, transpose_lhs_hint = false} : vector<10240x128xf32>, vector<128x128xf32>, vector<10240x128xf32> -> vector<10240x128xf32>
    %get3A_22 = arith.constant 0 : index
    %get3A_23 = vector.load %arg3[%get3A_22] : memref<128xf32, #tpu.memory_space<vmem>>, vector<128xf32>
    %broadcast_in_dim3A_24 = vector.shape_cast %get3A_23 : vector<128xf32> to vector<1x128xf32>
    %add3A_25 = vector.broadcast %broadcast_in_dim3A_24 : vector<1x128xf32> to vector<10240x128xf32>
    %add3A_26 = arith.addf %dot_general3A_21, %add3A_25 : vector<10240x128xf32>
    %max3A_27 = arith.constant 0.000000e+00 : f32
    %max3A_28 = vector.broadcast %max3A_27 : f32 to vector<10240x128xf32>
    %max3A_29 = arith.maximumf %add3A_26, %max3A_28 : vector<10240x128xf32>
    %swap3A_30 = arith.constant 0 : index
    %swap3A_31 = arith.constant 0 : index
    %swap3A_32 = vector.load %arg4[%swap3A_30, %swap3A_31] : memref<10240x128xf32, #tpu.memory_space<vmem>>, vector<10240x128xf32>
    tpu.vector_store %arg4[%swap3A_30, %swap3A_31], %max3A_29 {strides = array<i32>} : memref<10240x128xf32, #tpu.memory_space<vmem>>, vector<10240x128xf32>,
    return
  }
}

module attributes {stable_mosaic.version = 14 : i64} {
  func.func @_tc_split_body(%arg0: memref<2x320000xi32, #tpu.memory_space<vmem>>, %arg1: memref<320000xi32, #tpu.memory_space<vmem>>, %arg2: memref<320000xi32, #tpu.memory_space<vmem>>) attributes {dimension_semantics = [], scalar_prefetch = 0 : i64, scratch_operands = 0 : i64, tpu.core_type = #tpu.core_type<tc>} {
    %get3A = arith.constant 0 : index
    %get3A_0 = arith.constant 0 : index
    %get3A_1 = vector.load %arg0[%get3A, %get3A_0] : memref<2x320000xi32, #tpu.memory_space<vmem>>, vector<1x320000xi32>
    %get3A_2 = vector.shape_cast %get3A_1 : vector<1x320000xi32> to vector<320000xi32>
    %swap3A = arith.constant 0 : index
    %swap3A_3 = vector.load %arg1[%swap3A] : memref<320000xi32, #tpu.memory_space<vmem>>, vector<320000xi32>
    tpu.vector_store %arg1[%swap3A], %get3A_2 {strides = array<i32>} : memref<320000xi32, #tpu.memory_space<vmem>>, vector<320000xi32>,
    %get3A_4 = arith.constant 1 : index
    %get3A_5 = arith.constant 0 : index
    %get3A_6 = vector.load %arg0[%get3A_4, %get3A_5] : memref<2x320000xi32, #tpu.memory_space<vmem>>, vector<1x320000xi32>
    %get3A_7 = vector.shape_cast %get3A_6 : vector<1x320000xi32> to vector<320000xi32>
    %swap3A_8 = arith.constant 0 : index
    %swap3A_9 = vector.load %arg2[%swap3A_8] : memref<320000xi32, #tpu.memory_space<vmem>>, vector<320000xi32>
    tpu.vector_store %arg2[%swap3A_8], %get3A_7 {strides = array<i32>} : memref<320000xi32, #tpu.memory_space<vmem>>, vector<320000xi32>,
    return
  }
}

module attributes {stable_mosaic.version = 14 : i64} {
  func.func @_tc_layer2_body(%arg0: memref<20480x128xf32, #tpu.memory_space<vmem>>, %arg1: memref<10240x1xf32, #tpu.memory_space<vmem>>, %arg2: memref<10240xi32, #tpu.memory_space<vmem>>, %arg3: memref<128x128xf32, #tpu.memory_space<vmem>>, %arg4: memref<128xf32, #tpu.memory_space<vmem>>, %arg5: memref<128x128xf32, #tpu.memory_space<vmem>>, %arg6: memref<128xf32, #tpu.memory_space<vmem>>, %arg7: memref<64x128xf32, #tpu.memory_space<vmem>>) attributes {dimension_semantics = [], scalar_prefetch = 0 : i64, scratch_operands = 0 : i64, tpu.core_type = #tpu.core_type<tc>} {
    %get3A = arith.constant 0 : index
    %get3A_0 = arith.constant 0 : index
    %get3A_1 = vector.load %arg0[%get3A, %get3A_0] : memref<20480x128xf32, #tpu.memory_space<vmem>>, vector<10240x128xf32>
    %get3A_2 = arith.constant 10240 : index
    %get3A_3 = arith.constant 0 : index
    %get3A_4 = vector.load %arg0[%get3A_2, %get3A_3] : memref<20480x128xf32, #tpu.memory_space<vmem>>, vector<10240x128xf32>
    %add3A = arith.addf %get3A_1, %get3A_4 : vector<10240x128xf32>
    %get3A_5 = arith.constant 0 : index
    %get3A_6 = arith.constant 0 : index
    %get3A_7 = vector.load %arg1[%get3A_5, %get3A_6] : memref<10240x1xf32, #tpu.memory_space<vmem>>, vector<10240x1xf32>
    %mul3A = vector.broadcast %get3A_7 : vector<10240x1xf32> to vector<10240x128xf32>
    %mul3A_8 = arith.mulf %add3A, %mul3A : vector<10240x128xf32>
    %get3A_9 = arith.constant 0 : index
    %get3A_10 = arith.constant 0 : index
    %get3A_11 = vector.load %arg3[%get3A_9, %get3A_10] : memref<128x128xf32, #tpu.memory_space<vmem>>, vector<128x128xf32>
    %dot_general3A = arith.constant dense<0.000000e+00> : vector<10240x128xf32>
    %dot_general3A_12 = tpu.matmul %mul3A_8, %get3A_11, %dot_general3A {dimension_numbers = #tpu.dot_dimension_numbers<[1], [0], [0], [1], [0, 0, 1, 1], [], []>, transpose_lhs_hint = false} : vector<10240x128xf32>, vector<128x128xf32>, vector<10240x128xf32> -> vector<10240x128xf32>
    %get3A_13 = arith.constant 0 : index
    %get3A_14 = vector.load %arg4[%get3A_13] : memref<128xf32, #tpu.memory_space<vmem>>, vector<128xf32>
    %broadcast_in_dim3A = vector.shape_cast %get3A_14 : vector<128xf32> to vector<1x128xf32>
    %add3A_15 = vector.broadcast %broadcast_in_dim3A : vector<1x128xf32> to vector<10240x128xf32>
    %add3A_16 = arith.addf %dot_general3A_12, %add3A_15 : vector<10240x128xf32>
    %max3A = arith.constant 0.000000e+00 : f32
    %max3A_17 = vector.broadcast %max3A : f32 to vector<10240x128xf32>
    %max3A_18 = arith.maximumf %add3A_16, %max3A_17 : vector<10240x128xf32>
    %get3A_19 = arith.constant 0 : index
    %get3A_20 = vector.load %arg2[%get3A_19] : memref<10240xi32, #tpu.memory_space<vmem>>, vector<10240xi32>
    %reshape3A = vector.shape_cast %get3A_20 : vector<10240xi32> to vector<1x10240xi32>
    %iota3A = tpu.iota {dimensions = array<i32: 0>} : vector<64x1xi32>
    %eq3A = vector.broadcast %reshape3A : vector<1x10240xi32> to vector<64x10240xi32>
    %eq3A_21 = vector.broadcast %iota3A : vector<64x1xi32> to vector<64x10240xi32>
    %eq3A_22 = arith.cmpi eq, %eq3A, %eq3A_21 : vector<64x10240xi32>
    %convert_element_type3A = arith.extui %eq3A_22 : vector<64x10240xi1> to vector<64x10240xi32>
    %convert_element_type3A_23 = arith.sitofp %convert_element_type3A : vector<64x10240xi32> to vector<64x10240xf32>
    %reduce_sum3A = arith.constant dense<0.000000e+00> : vector<64xf32>
    %reduce_sum3A_24 = vector.multi_reduction <add>, %convert_element_type3A_23, %reduce_sum3A [1] : vector<64x10240xf32> to vector<64xf32>
    %broadcast_in_dim3A_25 = vector.shape_cast %reduce_sum3A_24 : vector<64xf32> to vector<64x1xf32>
    %max3A_26 = arith.constant 1.000000e+00 : f32
    %max3A_27 = vector.broadcast %max3A_26 : f32 to vector<64x1xf32>
    %max3A_28 = arith.maximumf %broadcast_in_dim3A_25, %max3A_27 : vector<64x1xf32>
    %dot_general3A_29 = arith.constant dense<0.000000e+00> : vector<64x128xf32>
    %dot_general3A_30 = tpu.matmul %convert_element_type3A_23, %max3A_18, %dot_general3A_29 {dimension_numbers = #tpu.dot_dimension_numbers<[1], [0], [0], [1], [0, 0, 1, 1], [], []>, transpose_lhs_hint = false} : vector<64x10240xf32>, vector<10240x128xf32>, vector<64x128xf32> -> vector<64x128xf32>
    %div3A = vector.broadcast %max3A_28 : vector<64x1xf32> to vector<64x128xf32>
    %div3A_31 = arith.divf %dot_general3A_30, %div3A : vector<64x128xf32>
    %get3A_32 = arith.constant 0 : index
    %get3A_33 = arith.constant 0 : index
    %get3A_34 = vector.load %arg5[%get3A_32, %get3A_33] : memref<128x128xf32, #tpu.memory_space<vmem>>, vector<128x128xf32>
    %dot_general3A_35 = arith.constant dense<0.000000e+00> : vector<64x128xf32>
    %dot_general3A_36 = tpu.matmul %div3A_31, %get3A_34, %dot_general3A_35 {dimension_numbers = #tpu.dot_dimension_numbers<[1], [0], [0], [1], [0, 0, 1, 1], [], []>, transpose_lhs_hint = false} : vector<64x128xf32>, vector<128x128xf32>, vector<64x128xf32> -> vector<64x128xf32>
    %get3A_37 = arith.constant 0 : index
    %get3A_38 = vector.load %arg6[%get3A_37] : memref<128xf32, #tpu.memory_space<vmem>>, vector<128xf32>
    %broadcast_in_dim3A_39 = vector.shape_cast %get3A_38 : vector<128xf32> to vector<1x128xf32>
    %add3A_40 = vector.broadcast %broadcast_in_dim3A_39 : vector<1x128xf32> to vector<64x128xf32>
    %add3A_41 = arith.addf %dot_general3A_36, %add3A_40 : vector<64x128xf32>
    %swap3A = arith.constant 0 : index
    %swap3A_42 = arith.constant 0 : index
    %swap3A_43 = vector.load %arg7[%swap3A, %swap3A_42] : memref<64x128xf32, #tpu.memory_space<vmem>>, vector<64x128xf32>
    tpu.vector_store %arg7[%swap3A, %swap3A_42], %add3A_41 {strides = array<i32>} : memref<64x128xf32, #tpu.memory_space<vmem>>, vector<64x128xf32>,
    return
  }
}

</mosaic_0001>

<sc_bundles>
// kernel: kernel.10.cloned.1.call-start
scs
__scs_entry_jumppad:
0x0: {  	(pc) =	sbr.rel $0x88, $3  }
0x1: {  	(tag) =	ssettag $0x0;
	lr =	simm.s32 $0x1  }
0x2: {  	[smem:$0x3F98] =	sst lr;
	_ =	strace $0xD0000000  }
0x3: {  	_ = 	snop  }
0x4: {  	_ = 	snop  }
0x5: {  	_ = 	snop  }
0x6: {  	_ = 	snop  }
0x7: {  	_ = 	snop  }
__scs_overlays_trampoline_lowered:
0x8: {  	[smem:$0x3FA7] =	sst s0  }
0x9: {  	[smem:$0x3FA8] =	sst s1  }
0xa: {  	[smem:$0x3FA9] =	sst s2  }
0xb: {  	[smem:$0x3FAA] =	sst s3  }
0xc: {  	[smem:$0x3FAB] =	sst s4  }
0xd: {  	[smem:$0x3FAC] =	sst s5  }
0xe: {  	[smem:$0x3FAD] =	sst s6  }
0xf: {  	[smem:$0x3FAE] =	sst s7  }
0x10: {  	[smem:$0x3FAF] =	sst s8  }
0x11: {  	[smem:$0x3FB0] =	sst s9;
	s0 =	simm.s32 @!p0 $0x0  }
0x12: {  	s1 =	sld [smem:$0x3F96];
	s0 =	simm.s32 @p0 $0x1  }
0x13: {  	[smem:$0x3FB1] =	sst s0;
	s0 =	simm.s32 @!p1 $0x0  }
0x14: {  	s2 =	sld [smem:$0x3F95];
	s0 =	simm.s32 @p1 $0x1  }
0x15: {  	[smem:$0x3FB2] =	sst s0;
	s0 =	simm.s32 @!p2 $0x0  }
0x16: {  	s3 =	sld [smem:$0x3FDB];
	s0 =	simm.s32 @p2 $0x1  }
0x17: {  	s4 =	simm.s32 $0x1BF5;
	[smem:$0x3FB4] =	sst s0  }
0x18: {  	s0 =	sld [smem:$0x3F97];
	_ =	swait.ge [sflag:s4], $0x0  }
0x19: {  	s7 =	sld [smem:$0x3F98]  }
0x1a: {  	s8 =	sadd.s32 $0xFFFFE003, lr  }
0x1b: {  	s9 =	sadd.s32 $0xFFFFFEF7, lr;
	s5 =	simm.s32 $0xFFFFFFFF;
	p2 =	slt.u32 s8, $0xFFFFF086  }
0x1c: {  	p1 =	slt.u32 s9, $0xF7A;
	s5 =	simm.s32 @!p2 $0x0  }
0x1d: {  	s5 =	simm.s32 @p1 $0x1;
	p0 =	seq.s32 s7, s2  }
0x1e: {  	s7 =	smul.u32 @!p0 $0xF7A, s2;
	p2 =	seq.s32 @!p0 s5, $0x0  }
0x1f: {  	s9 =	smul.u32 $0xF7A, s1;
	s8 =	simm.s32 @!p0 $0x1BF5;
	p2 =	por !p2, p0  }
0x20: {  	[sflag:s8] =	ssyncset.s32 @!p0 $0xFFFFF086;
	s6 =	sadd.s32 @!p0 s3, s7;
	s7 =	simm.s32 @!p0 $0x108  }
0x21: {  	s3 =	sadd.s32 s3, s9;
	s6 =	sadd.s32 @!p0 $0x88, s6;
	s7 =	simm.s32 @p2 $0x1082  }
0x22: {  	[simem:s7], [sflag:s8] =	dma.local @!p0 [hbm:s6], $0xF7A  }
0x23: {  	s9 =	sor.u32 $0xD0000000, s2;
	s6 =	simm.s32 $0x108;
	_ =	swait.ge @!p0 [sflag:s8], $0x0  }
0x24: {  	s3 =	sadd.s32 $0x88, s3;
	s6 =	simm.s32 @!p1 $0x1082;
	[sflag:s4] =	ssyncset.s32 $0xFFFFF086  }
0x25: {  	[simem:s6], [sflag:s4] =	dma.local [hbm:s3], $0xF7A  }
0x26: {  	[smem:$0x3F98] =	sst s1;
	(tag) =	ssettag s2;
	_ =	strace s9  }
0x27: {  	s1 =	sld [smem:$0x3FA8]  }
0x28: {  	s2 =	sld [smem:$0x3FA9]  }
0x29: {  	s4 =	sld [smem:$0x3FAB]  }
0x2a: {  	p0 =	seq.s32 s5, $0x0;
	s5 =	sld [smem:$0x3FAC]  }
0x2b: {  	s6 =	sld [smem:$0x3FAD]  }
0x2c: {  	s7 =	sld [smem:$0x3FAE]  }
0x2d: {  	s3 =	simm.s32 $0x108;
	s8 =	sld [smem:$0x3FAF]  }
0x2e: {  	s3 =	simm.s32 @!p0 $0x1082;
	s9 =	sld [smem:$0x3FB0]  }
0x2f: {  	lr =	sadd.s32 s0, s3;
	s0 =	sld [smem:$0x3FA7]  }
0x30: {  	s3 =	sld [smem:$0x3FAA]  }
0x31: {  	[smem:$0x3FB3] =	sst s10  }
0x32: {  	s10 =	sld [smem:$0x3FB1];
	_ =	sdelay $0x3  }
0x33: {  	p0 =	seq.s32 s10, $0x1;
	s10 =	sld [smem:$0x3FB3];
	_ =	sdelay $0x3  }
0x34: {  	[smem:$0x3FB3] =	sst s10  }
0x35: {  	s10 =	sld [smem:$0x3FB2];
	_ =	sdelay $0x3  }
0x36: {  	p1 =	seq.s32 s10, $0x1;
	s10 =	sld [smem:$0x3FB3];
	_ =	sdelay $0x3  }
0x37: {  	[smem:$0x3FB3] =	sst s10  }
0x38: {  	s10 =	sld [smem:$0x3FB4]  }
0x39: {  	_ = 	snop;
	(pc) =	sbr.ind lr, $3  }
0x3a: {  	_ = 	snop  }
0x3b: {  	_ = 	snop  }
0x3c: {  	p2 =	seq.s32 s10, $0x1;
	s10 =	sld [smem:$0x3FB3]  }
0x3d: {  	_ =	shalt  }
0x3e: {  	_ =	shalt  }
0x3f: {  	_ =	shalt  }
0x40: {  	_ =	shalt  }
0x41: {  	_ =	shalt  }
0x42: {  	_ =	shalt  }
0x43: {  	_ =	shalt  }
0x44: {  	_ =	shalt  }
0x45: {  	_ =	shalt  }
0x46: {  	_ =	shalt  }
0x47: {  	_ =	shalt  }
0x48: {  	_ =	shalt  }
0x49: {  	_ =	shalt  }
0x4a: {  	_ =	shalt  }
0x4b: {  	_ =	shalt  }
0x4c: {  	_ =	shalt  }
0x4d: {  	_ =	shalt  }
0x4e: {  	_ =	shalt  }
0x4f: {  	_ =	shalt  }
0x50: {  	_ =	shalt  }
0x51: {  	_ =	shalt  }
0x52: {  	_ =	shalt  }
0x53: {  	_ =	shalt  }
0x54: {  	_ =	shalt  }
0x55: {  	_ =	shalt  }
0x56: {  	_ =	shalt  }
0x57: {  	_ =	shalt  }
0x58: {  	_ =	shalt  }
0x59: {  	_ =	shalt  }
0x5a: {  	_ =	shalt  }
0x5b: {  	_ =	shalt  }
0x5c: {  	_ =	shalt  }
0x5d: {  	_ =	shalt  }
0x5e: {  	_ =	shalt  }
0x5f: {  	_ =	shalt  }
0x60: {  	_ =	shalt  }
0x61: {  	_ =	shalt  }
0x62: {  	_ =	shalt  }
0x63: {  	_ =	shalt  }
0x64: {  	_ =	shalt  }
0x65: {  	_ =	shalt  }
0x66: {  	_ =	shalt  }
0x67: {  	_ =	shalt  }
0x68: {  	_ =	shalt  }
0x69: {  	_ =	shalt  }
0x6a: {  	_ =	shalt  }
0x6b: {  	_ =	shalt  }
0x6c: {  	_ =	shalt  }
0x6d: {  	_ =	shalt  }
0x6e: {  	_ =	shalt  }
0x6f: {  	_ =	shalt  }
0x70: {  	_ =	shalt  }
0x71: {  	_ =	shalt  }
0x72: {  	_ =	shalt  }
0x73: {  	_ =	shalt  }
0x74: {  	_ =	shalt  }
0x75: {  	_ =	shalt  }
0x76: {  	_ =	shalt  }
0x77: {  	_ =	shalt  }
0x78: {  	_ =	shalt  }
0x79: {  	_ =	shalt  }
0x7a: {  	_ =	shalt  }
0x7b: {  	_ =	shalt  }
0x7c: {  	_ =	shalt  }
0x7d: {  	_ =	shalt  }
0x7e: {  	_ =	shalt  }
0x7f: {  	_ =	shalt  }
0x80: {  	_ =	shalt  }
0x81: {  	_ =	shalt  }
0x82: {  	_ =	shalt  }
0x83: {  	_ =	shalt  }
0x84: {  	_ =	shalt  }
0x85: {  	_ =	shalt  }
0x86: {  	_ =	shalt  }
0x87: {  	_ =	shalt  }
.Lfunc_end0:
.L_simem_size_0:
called_computation.1_lowered:
.L_overlay_start_0:
0x88: {  	s2 =	sld [smem:$0x3FD9]  }
0x89: {  	s3 =	sld [smem:$0x3FFE];
	_ =	sdelay $0x1  }
0x8a: {  	s1 =	srdreg.scid  }
0x8b: {  	s0 =	sand.u32 $0x1, s1  }
0x8c: {  	s16 =	sshll.u32 s0, $0xA;
	s2 =	sadd.s32 s3, s2  }
0x8d: {  	s2 =	sadd.s32 s2, s16  }
0x8e: {  	[smem:$0x3FBF] =	sst s2  }
0x8f: {  	_ = 	snop  }
0x90: {  	(tm) =	ssettm $0x1  }
0x91: {  	s17 =	sld [smem:$0x3FFB];
	_ =	sdelay $0x3  }
0x92: {  	_ =	strace s17  }
0x93: {  	s2 =	sld [smem:$0x3FFC];
	_ =	sdelay $0x3  }
0x94: {  	_ =	strace s2  }
0x95: {  	s2 =	sld [smem:$0x3FFD];
	_ =	sdelay $0x3  }
0x96: {  	_ =	strace s2  }
0x97: {  	_ =	strace $0x8FFFFFFF  }
0x98: {  	s18 =	sld [smem:$0x3FDB];
	_ =	sdelay $0x1  }
0x99: {  	s19 =	simm.s32 $_scs_section_size  }
0x9a: {  	s4 =	simm.s32 $_size__tile_overlayer_lowered;
	s5 =	simm.s32 $_tile_overlayer_lowered  }
0x9b: {  	s22 =	simm.s32 $0x1BFF;
	s21 =	sshll.u32 s5, $0x1;
	s2 =	sadd.s32 s19, s18  }
0x9c: {  	s6 =	simm.s32 $0x0;
	s20 =	sshll.u32 s4, $0x1;
	s4 =	sadd.s32 s21, s2  }
0x9d: {  	[timem:s6], [sflag:s22] =	dma.local [hbm:s4], s20  }
0x9e: {  	_ =	swait.ge [sflag:s22], s20  }
0x9f: {  	s3 =	ssub.s32 $0x0, s20;
	[sflag:s22] =	ssyncset.done $0x0  }
0xa0: {  	[sflag:s22] =	ssyncadd.s32 s3;
	_ =	sdelay $0x1  }
0xa1: {  	s23 =	simm.s32 $0x1B8B  }
0xa2: {  	_ =	swait.ge [sflag:s23], $0x1  }
0xa3: {  	[sflag:s23] =	ssyncset.done $0x0  }
0xa4: {  	s25 =	simm.s32 $0x1B8E;
	s24 =	sld [smem:$0x3FFE];
	[sflag:s23] =	ssyncadd.s32 $0xFFFFFFFF  }
0xa5: {  	s26 =	simm.s32 $execute0_lowered;
	[smem:$0x3FD2] =	sst s25  }
0xa6: {  	s4 =	sshll.u32 s26, $0x1;
	_ =	strace $0x80000049;
	[dreg:$0x1] =	wrdreg $0xFFFFFFFF  }
0xa7: {  	s28 =	simm.s32 $_size_execute0_lowered;
	s2 =	sadd.s32 s2, s4;
	[dreg:$0x0] =	wrdreg $0x0  }
0xa8: {  	s4 =	sshll.u32 s28, $0x1;
	[dreg:$0x2] =	wrdreg s2  }
0xa9: {  	[dreg:$0x3] =	wrdreg s4  }
0xaa: {  	[dreg:$0x4] =	wrdreg $0xC0  }
0xab: {  	_ =	task [dreg:s6], $0x5FFFF  }
0xac: {  	[dreg:$0x1] =	wrdreg $0xFFFFFFFF  }
0xad: {  	[dreg:$0x0] =	wrdreg $0x60  }
0xae: {  	[dreg:$0x2] =	wrdreg s24  }
0xaf: {  	[dreg:$0x3] =	wrdreg $0x7E000  }
0xb0: {  	[dreg:$0x4] =	wrdreg $0x9  }
0xb1: {  	_ =	task.clear_ibuf [dreg:s6], $0x5FFFF;
	_ =	strace $0x90000049  }
0xb2: {  	s29 =	simm.s32 $0x9;
	_ =	strace $0x8000004B  }
0xb3: {  	_ =	swait.ge [sflag:s29], $0x1  }
0xb4: {  	[sflag:s29] =	ssyncadd.s32 $0xFFFFFFFF  }
0xb5: {  	_ =	strace $0x9000004B  }
0xb6: {  	_ =	sfence  }
0xb7: {  	s30 =	sld [smem:$0x0];
	_ =	sdelay $0x2  }
0xb8: {  	s31 =	sshll.u32 s1, $0xD;
	s1 =	sshrl.u32 s1, $0x2  }
0xb9: {  	s3 =	sand.u32 $0x4000, s31;
	s1 =	sadd.s32 s1, s30  }
0xba: {  	s0 =	sor.u32 s3, s0;
	s1 =	sshll.u32 s1, $0x11  }
0xbb: {  	s0 =	sor.u32 s1, s0  }
0xbc: {  	s0 =	sadd.s32 $0x8F2B, s0  }
0xbd: {  	[sflag:s0] =	ssyncadd.remote.s32 $0x1  }
0xbe: {  	_ =	sfence.sel $0xFFFF  }
0xbf: {  	[dreg:$0x0] =	wrdreg $0xFFFFFFFF;
	(pc) =	sbr.abs _section_cstart, $3  }
0xc0: {  	[dreg:$0x1] =	wrdreg $0xFFFFFFFF  }
0xc1: {  	_ =	task.clear_ibuf [dreg:s6], $0x2FFFF;
	_ =	strace $0x9FFFFFFF  }
0xc2: {  	(tm) =	ssettm $0x7FFFFFFF  }
0xc3: {  	_ =	shalt  }
tec
execute0_lowered:
.L_overlay_start_1:
0x0: {  	(tag) =	ssettag $0x1  }
0x1: {  	s0 =	rddreg [dreg:$0x0];
	s2 =	simm.s32 $0x0;
	s24 =	srdreg.scid  }
0x2: {  	s3 =	stileid.u32;
	[smem:$0x7FF] =	sst s2  }
0x3: {  	s2 =	sand.u32 $0x1, s24;
	s7 =	smul.u32 $0x2800, s3;
	s5 =	sshll.u32 s3, $0x1  }
0x4: {  	s1 =	rddreg [dreg:$0x1];
	s16 =	smul.u32 $0x4E20, s3;
	s6 =	sor.u32 s2, s5  }
0x5: {  	s4 =	sadd.s32 $0x16800, s0;
	_ =	strace $0x8000004A;
	s10 =	smul.u32 $0x2710, s6  }
0x6: {  	s8 =	smul.u32 $0x28000, s2;
	s5 =	sadd.s32 $0x2C00, s0;
	s9 =	ssub.s32 $0x2, s2  }
0x7: {  	s2 =	smul.u32 $0x2710, s2;
	s6 =	sadd.s32 $0xCA00, s0;
	s26 =	sshrl.u32 s10, $0x3  }
0x8: {  	s25 =	sshrl.u32 s9, $0x1;
	s7 =	sadd.s32 s7, s8;
	s10 =	sadd.s32 s5, s26  }
0x9: {  	s0 =	sadd.s32 s7, s0;
	s11 =	sadd.s32 s6, s26;
	[dreg:$0x3] =	wrdreg s10  }
0xa: {  	s7 =	ssub.s32 s9, s25;
	s0 =	sadd.s32 $0x3E800, s0;
	[dreg:$0x4] =	wrdreg s11  }
0xb: {  	s12 =	sadd.s32 $0xA, s26;
	s7 =	smax.u32 s7, $0x1;
	[dreg:$0xe] =	wrdreg s0  }
0xc: {  	s2 =	sadd.s32 s2, s16;
	s13 =	sadd.s32 s5, s12;
	[dreg:$0xf] =	wrdreg s7  }
0xd: {  	s14 =	sadd.s32 $0x14, s26;
	s9 =	sadd.s32 s6, s12;
	[dreg:$0x5] =	wrdreg s13  }
0xe: {  	s25 =	sadd.s32 $0x190, s2;
	s15 =	sadd.s32 s5, s14;
	[dreg:$0x6] =	wrdreg s9  }
0xf: {  	s18 =	sadd.s32 $0x1E, s26;
	s17 =	sadd.s32 s6, s14;
	[dreg:$0x7] =	wrdreg s15  }
0x10: {  	s8 =	sadd.s32 $0x28, s26;
	s19 =	sadd.s32 s5, s18;
	[dreg:$0x8] =	wrdreg s17  }
0x11: {  	s26 =	sshrl.u32 s25, $0x3;
	s20 =	sadd.s32 s6, s18;
	[dreg:$0x9] =	wrdreg s19  }
0x12: {  	s25 =	smov.u32 s5;
	s21 =	sadd.s32 s5, s8;
	[dreg:$0xa] =	wrdreg s20  }
0x13: {  	s11 =	smul.u32 $0x50000, s3;
	s23 =	sadd.s32 s6, s8;
	[dreg:$0xb] =	wrdreg s21  }
0x14: {  	s10 =	sadd.s32 s26, s6;
	s0 =	sadd.s32 s26, s5;
	[dreg:$0xc] =	wrdreg s23  }
0x15: {  	s14 =	sadd.s32 $0x1E0, s2;
	s26 =	smov.u32 s6;
	[dreg:$0x10] =	wrdreg s10  }
0x16: {  	s8 =	simm.s32 $0x7;
	s9 =	sadd.s32 $0x280, s2;
	[dreg:$0x11] =	wrdreg s0  }
0x17: {  	s13 =	sadd.s32 $0x230, s2;
	[dreg:$0x14] =	wrdreg s14;
	s15 =	sadd.s32 $0x320, s2  }
0x18: {  	s2 =	sadd.s32 $0x2D0, s2;
	s10 =	simm.s32 $0x1;
	s14 =	simm.s32 $0x8  }
0x19: {  	s22 =	sshrl.u32 s11, $0x2;
	s11 =	sshrl.u32 s9, $0x3;
	s0 =	sshrl.u32 s13, $0x3  }
0x1a: {  	s17 =	sshrl.u32 s15, $0x3;
	s2 =	sshrl.u32 s2, $0x3;
	s13 =	simm.s32 $0x50  }
0x1b: {  	s9 =	simm.s32 $0x2E00;
	s15 =	simm.s32 $0xB;
	s12 =	sadd.s32 s11, s6  }
0x1c: {  	s24 =	sadd.s32 s22, s1;
	s7 =	sadd.s32 s11, s5;
	[dreg:$0x12] =	wrdreg s12  }
0x1d: {  	s16 =	sadd.s32 s0, s6;
	s0 =	sadd.s32 s0, s5;
	[dreg:$0x13] =	wrdreg s7  }
0x1e: {  	s28 =	sadd.s32 s17, s6;
	s29 =	sadd.s32 s17, s5;
	[dreg:$0x15] =	wrdreg s16  }
0x1f: {  	s30 =	sadd.s32 s2, s6;
	s31 =	sadd.s32 s2, s5;
	[dreg:$0x16] =	wrdreg s0  }
0x20: {  	s11 =	simm.s32 $0x6;
	s18 =	sadd.s32 $0x2800, s24;
	[dreg:$0xd] =	wrdreg s24  }
0x21: {  	s17 =	simm.s32 $0x5600;
	s19 =	sadd.s32 $0x5000, s24;
	[dreg:$0x17] =	wrdreg s18  }
0x22: {  	s2 =	simm.s32 $0xA;
	s20 =	sadd.s32 $0x7800, s24;
	[dreg:$0x18] =	wrdreg s19  }
.Ltmp0:
0x23: {  	s21 =	sadd.s32 $0xA000, s24;
	[dreg:$0x19] =	wrdreg s20;
	(pc) =	sbr.rel .LBB2_1-.Ltmp0, $4  }
0x24: {  	s6 =	simm.s32 $0x0;
	s22 =	sadd.s32 $0xC800, s24;
	[dreg:$0x1a] =	wrdreg s21  }
0x25: {  	s23 =	sadd.s32 $0xF000, s24;
	s24 =	sadd.s32 $0x11800, s24;
	[dreg:$0x1b] =	wrdreg s22  }
0x26: {  	s0 =	simm.s32 $0x600;
	s7 =	simm.s32 $0x2;
	[dreg:$0x1c] =	wrdreg s23  }
0x27: {  	v0 =	vimm.f32 $0.0e+00;
	s12 =	simm.s32 $0x3;
	s16 =	simm.s32 $0xC;
	[dreg:$0x1d] =	wrdreg s24  }
.LBB2_9:
0x28: {  	_ =	swait.ge [sflag:s2], $0x2800  }
0x29: {  	[sflag:s2] =	ssyncset.done $0x0  }
0x2a: {  	[sflag:s2] =	ssyncadd.s32 $0xFFFFD800  }
0x2b: {  	_ =	swait.ge [sflag:s15], $0x2800  }
0x2c: {  	[sflag:s15] =	ssyncset.done $0x0  }
0x2d: {  	[sflag:s15] =	ssyncadd.s32 $0xFFFFD800  }
0x2e: {  	_ =	swait.ge [sflag:s16], $0x2800  }
0x2f: {  	[sflag:s16] =	ssyncset.done $0x0  }
0x30: {  	[sflag:s16] =	ssyncadd.s32 $0xFFFFD800  }
0x31: {  	s3 =	stileid.u32;
	[bflag:$0x0] =	sbarrier.arrive $0xFFFF  }
0x32: {  	s22 =	simm.s32 $0xD;
	s3 =	sshll.u32 s3, $0x6;
	s5 =	rddreg [dreg:$0xd]  }
0x33: {  	s3 =	sor.u32 $0x1C0D, s3;
	s6 =	rddreg [dreg:$0xe];
	s5 =	sshrl.u32 s5, $0x3  }
0x34: {  	[hbm:s6], [sflag:s3] =	dma.local [spmem:s5], $0x2800  }
0x35: {  	_ =	swait.ge [sflag:s22], $0x2800  }
0x36: {  	s23 =	rddreg [dreg:$0x1e]  }
0x37: {  	s24 =	rddreg [dreg:$0xf];
	s6 =	sadd.s32 $0x1, s23  }
0x38: {  	p0 =	sne.s32 s6, s24  }
.Ltmp1:
0x39: {  	_ = 	snop;
	(pc) =	sbr.rel @!p0 .LBB2_10-.Ltmp1, $3  }
0x3a: {  	_ =	sdelay $0x1  }
0x3b: {  	[sflag:s22] =	ssyncset.done $0x0  }
0x3c: {  	[sflag:s22] =	ssyncadd.s32 $0xFFFFD800  }
.LBB2_1:
0x3d: {  	[dreg:$0x1e] =	wrdreg s6  }
0x3e: {  	s5 =	rddreg [dreg:$0x3]  }
0x3f: {  	s3 =	simm.s32 $0x0;
	s23 =	rddreg [dreg:$0x4]  }
0x40: {  	[tilespmem:s3], [sflag:$0x4] =	stream.linear.gather [hbm4b:s5+s3], $0x50, $0x38;
	[tilespmem:$0x1BE00] =	vst v63  }
0x41: {  	s24 =	simm.s32 $0x300;
	s6 =	rddreg [dreg:$0x5]  }
0x42: {  	[tilespmem:s24], [sflag:$0x4] =	stream.linear.gather [hbm4b:s23+s3], $0x50, $0x38;
	[tilespmem:$0x1BE00] =	vst v63  }
0x43: {  	s18 =	simm.s32 $0x80;
	s19 =	rddreg [dreg:$0x6]  }
0x44: {  	[tilespmem:s18], [sflag:$0x5] =	stream.linear.gather [hbm4b:s6+s3], $0x50, $0x38;
	[tilespmem:$0x1BE00] =	vst v63  }
0x45: {  	s20 =	simm.s32 $0x380;
	s21 =	rddreg [dreg:$0x7]  }
0x46: {  	[tilespmem:s20], [sflag:$0x5] =	stream.linear.gather [hbm4b:s19+s3], $0x50, $0x38;
	[tilespmem:$0x1BE00] =	vst v63  }
0x47: {  	s22 =	simm.s32 $0x100;
	s23 =	rddreg [dreg:$0x8]  }
0x48: {  	[tilespmem:s22], [sflag:$0x6] =	stream.linear.gather [hbm4b:s21+s3], $0x50, $0x38;
	[tilespmem:$0x1BE00] =	vst v63  }
0x49: {  	s24 =	simm.s32 $0x400;
	s6 =	rddreg [dreg:$0x9]  }
0x4a: {  	[tilespmem:s24], [sflag:$0x6] =	stream.linear.gather [hbm4b:s23+s3], $0x50, $0x38;
	[tilespmem:$0x1BE00] =	vst v63  }
0x4b: {  	s18 =	simm.s32 $0x180;
	s19 =	rddreg [dreg:$0xa]  }
0x4c: {  	[tilespmem:s18], [sflag:$0x7] =	stream.linear.gather [hbm4b:s6+s3], $0x50, $0x38;
	[tilespmem:$0x1BE00] =	vst v63  }
0x4d: {  	s20 =	simm.s32 $0x480;
	s21 =	rddreg [dreg:$0xb]  }
0x4e: {  	[tilespmem:s20], [sflag:$0x7] =	stream.linear.gather [hbm4b:s19+s3], $0x50, $0x38;
	[tilespmem:$0x1BE00] =	vst v63  }
0x4f: {  	s22 =	simm.s32 $0x200;
	s23 =	rddreg [dreg:$0xc]  }
0x50: {  	[tilespmem:s22], [sflag:$0x8] =	stream.linear.gather [hbm4b:s21+s3], $0x50, $0x38;
	[tilespmem:$0x1BE00] =	vst v63  }
0x51: {  	s24 =	simm.s32 $0x500;
	s18 =	simm.s32 $0x0;
	s19 =	simm.s32 $0x200  }
0x52: {  	[tilespmem:s24], [sflag:$0x8] =	stream.linear.gather [hbm4b:s23+s3], $0x50, $0x38;
	[tilespmem:$0x1BE00] =	vst v63  }
.LBB2_2:
0x53: {  	p0 =	sne.s32 s19, $0x9E00;
	[tilespmem:s18+$0x670] =	vst v0  }
0x54: {  	[tilespmem:s18+$0x600] =	vst v0  }
0x55: {  	[tilespmem:s18+$0x610] =	vst v0  }
.Ltmp2:
0x56: {  	[tilespmem:s18+$0x620] =	vst v0;
	(pc) =	sbr.rel @p0 .LBB2_2-.Ltmp2, $4  }
0x57: {  	[tilespmem:s18+$0x630] =	vst v0  }
0x58: {  	[tilespmem:s18+$0x640] =	vst v0  }
0x59: {  	[tilespmem:s18+$0x650] =	vst v0  }
0x5a: {  	[tilespmem:s18+$0x660] =	vst v0;
	s18 =	sshra.s32 s19, $0x2;
	s19 =	sadd.s32 $0x200, s19  }
0x5b: {  	[tilespmem:s18+$0x670] =	vst v0  }
0x5c: {  	[tilespmem:s18+$0x600] =	vst v0  }
0x5d: {  	[tilespmem:s18+$0x610] =	vst v0  }
0x5e: {  	[tilespmem:s18+$0x620] =	vst v0  }
0x5f: {  	[tilespmem:s18+$0x630] =	vst v0  }
0x60: {  	[tilespmem:s18+$0x640] =	vst v0  }
0x61: {  	[tilespmem:s18+$0x650] =	vst v0  }
0x62: {  	[tilespmem:s18+$0x660] =	vst v0;
	s3 =	rddreg [dreg:$0xd];
	s5 =	simm.s32 $0xD  }
0x63: {  	[spmem:s3] =	stream.linear.scatter [tilespmem:s0], [sflag:$0xD], $0x2800, $0x38;
	[tilespmem:$0x1BE00] =	vst v63  }
0x64: {  	_ =	swait.ge [sflag:s5], $0x2800  }
0x65: {  	[sflag:s5] =	ssyncset.done $0x0  }
0x66: {  	s23 =	rddreg [dreg:$0x17];
	[sflag:s5] =	ssyncadd.s32 $0xFFFFD800  }
0x67: {  	[spmem:s23] =	stream.linear.scatter [tilespmem:s0], [sflag:$0xD], $0x2800, $0x38;
	[tilespmem:$0x1BE00] =	vst v63  }
0x68: {  	_ =	swait.ge [sflag:s5], $0x2800  }
0x69: {  	[sflag:s5] =	ssyncset.done $0x0  }
0x6a: {  	s24 =	rddreg [dreg:$0x18];
	[sflag:s5] =	ssyncadd.s32 $0xFFFFD800  }
0x6b: {  	[spmem:s24] =	stream.linear.scatter [tilespmem:s0], [sflag:$0xD], $0x2800, $0x38;
	[tilespmem:$0x1BE00] =	vst v63  }
0x6c: {  	_ =	swait.ge [sflag:s5], $0x2800  }
0x6d: {  	[sflag:s5] =	ssyncset.done $0x0  }
0x6e: {  	s6 =	rddreg [dreg:$0x19];
	[sflag:s5] =	ssyncadd.s32 $0xFFFFD800  }
0x6f: {  	[spmem:s6] =	stream.linear.scatter [tilespmem:s0], [sflag:$0xD], $0x2800, $0x38;
	[tilespmem:$0x1BE00] =	vst v63  }
0x70: {  	_ =	swait.ge [sflag:s5], $0x2800  }
0x71: {  	[sflag:s5] =	ssyncset.done $0x0  }
0x72: {  	s18 =	rddreg [dreg:$0x1a];
	[sflag:s5] =	ssyncadd.s32 $0xFFFFD800  }
0x73: {  	[spmem:s18] =	stream.linear.scatter [tilespmem:s0], [sflag:$0xD], $0x2800, $0x38;
	[tilespmem:$0x1BE00] =	vst v63  }
0x74: {  	_ =	swait.ge [sflag:s5], $0x2800  }
0x75: {  	[sflag:s5] =	ssyncset.done $0x0  }
0x76: {  	s19 =	rddreg [dreg:$0x1b];
	[sflag:s5] =	ssyncadd.s32 $0xFFFFD800  }
0x77: {  	[spmem:s19] =	stream.linear.scatter [tilespmem:s0], [sflag:$0xD], $0x2800, $0x38;
	[tilespmem:$0x1BE00] =	vst v63  }
0x78: {  	_ =	swait.ge [sflag:s5], $0x2800  }
0x79: {  	[sflag:s5] =	ssyncset.done $0x0  }
0x7a: {  	s20 =	rddreg [dreg:$0x1c];
	[sflag:s5] =	ssyncadd.s32 $0xFFFFD800  }
0x7b: {  	[spmem:s20] =	stream.linear.scatter [tilespmem:s0], [sflag:$0xD], $0x2800, $0x38;
	[tilespmem:$0x1BE00] =	vst v63  }
0x7c: {  	_ =	swait.ge [sflag:s5], $0x2800  }
0x7d: {  	[sflag:s5] =	ssyncset.done $0x0  }
0x7e: {  	s21 =	rddreg [dreg:$0x1d];
	[sflag:s5] =	ssyncadd.s32 $0xFFFFD800  }
0x7f: {  	[spmem:s21] =	stream.linear.scatter [tilespmem:s0], [sflag:$0xD], $0x2800, $0x38;
	[tilespmem:$0x1BE00] =	vst v63  }
0x80: {  	_ =	swait.ge [sflag:s5], $0x2800  }
0x81: {  	[sflag:s5] =	ssyncset.done $0x0  }
0x82: {  	[sflag:s5] =	ssyncadd.s32 $0xFFFFD800  }
0x83: {  	s22 =	simm.s32 $0x4;
	[bflag:$0x0] =	sbarrier.arrive $0xFFFF  }
0x84: {  	_ =	swait.ge [sflag:s22], $0x50  }
0x85: {  	[sflag:s22] =	ssyncset.done $0x0  }
0x86: {  	[sflag:s22] =	ssyncadd.s32 $0xFFFFFFB0  }
0x87: {  	_ =	swait.ge [sflag:s22], $0x50  }
0x88: {  	[sflag:s22] =	ssyncset.done $0x0  }
0x89: {  	s23 =	simm.s32 $0x5;
	s18 =	simm.s32 $0x0;
	[sflag:s22] =	ssyncadd.s32 $0xFFFFFFB0  }
0x8a: {  	[tilespmem:s0], [sflag:$0x1] =	stream.indirect.gather [hbm4b:s4+s13], $0x80, s18, s13, $0xb8;
	[tilespmem:$0x1BE00] =	vst v63  }
0x8b: {  	_ =	swait.ge [sflag:s23], $0x50  }
0x8c: {  	[sflag:s23] =	ssyncset.done $0x0  }
.Ltmp3:
0x8d: {  	[sflag:s23] =	ssyncadd.s32 $0xFFFFFFB0;
	(pc) =	sbr.rel .LBB2_4-.Ltmp3, $4  }
0x8e: {  	_ =	swait.ge [sflag:s23], $0x50  }
0x8f: {  	[sflag:s23] =	ssyncset.done $0x0  }
0x90: {  	s24 =	simm.s32 $0x80;
	s19 =	rddreg [dreg:$0x14];
	[sflag:s23] =	ssyncadd.s32 $0xFFFFFFB0  }
0x91: {  	[tilespmem:s9], [sflag:$0x2] =	stream.indirect.gather [hbm4b:s4+s13], $0x80, s24, s13, $0xb8;
	[tilespmem:$0x1BE00] =	vst v63  }
.LBB2_5:
0x92: {  	s3 =	simm.s32 $0x100  }
0x93: {  	[tilespmem:s17], [sflag:$0x3] =	stream.indirect.gather [hbm4b:s4+s13], $0x80, s3, s13, $0xb8;
	[tilespmem:$0x1BE00] =	vst v63  }
.LBB2_7:
0x94: {  	s3 =	rddreg [dreg:$0x11];
	s21 =	simm.s32 $0x0  }
0x95: {  	s5 =	simm.s32 $0x280;
	s22 =	rddreg [dreg:$0x10];
	s20 =	sadd.s32 s18, s3  }
0x96: {  	[tilespmem:s5], [sflag:$0x9] =	stream.linear.gather [hbm4b:s20+s21], $0x50, $0x38;
	[tilespmem:$0x1BE00] =	vst v63  }
0x97: {  	s24 =	simm.s32 $0x580;
	p0 =	por $0x0, $0x0;
	s23 =	sadd.s32 s18, s22  }
0x98: {  	[tilespmem:s24], [sflag:$0x9] =	stream.linear.gather [hbm4b:s23+s21], $0x50, $0x38;
	[tilespmem:$0x1BE00] =	vst v63  }
.LBB2_8:
0x99: {  	_ =	swait.ge [sflag:s7], $0x2800  }
0x9a: {  	[sflag:s7] =	ssyncset.done $0x0  }
0x9b: {  	s3 =	simm.s32 $0x380;
	[sflag:s7] =	ssyncadd.s32 $0xFFFFD800  }
0x9c: {  	[spmem:s1] =	stream.indirect.scatter.add.f32 [tilespmem:s9], [sflag:$0xB], $0x80, s3, s13, $0xb8;
	[tilespmem:$0x1BE00] =	vst v63  }
0x9d: {  	_ =	swait.ge [sflag:s8], $0x50  }
0x9e: {  	[sflag:s8] =	ssyncset.done $0x0  }
0x9f: {  	[sflag:s8] =	ssyncadd.s32 $0xFFFFFFB0  }
0xa0: {  	_ =	swait.ge [sflag:s8], $0x50  }
0xa1: {  	[sflag:s8] =	ssyncset.done $0x0  }
0xa2: {  	[sflag:s8] =	ssyncadd.s32 $0xFFFFFFB0  }
0xa3: {  	_ =	swait.ge [sflag:s2], $0x2800  }
0xa4: {  	[sflag:s2] =	ssyncset.done $0x0  }
0xa5: {  	s20 =	simm.s32 $0x180;
	[sflag:s2] =	ssyncadd.s32 $0xFFFFD800  }
0xa6: {  	[tilespmem:s0], [sflag:$0x1] =	stream.indirect.gather [hbm4b:s4+s13], $0x80, s20, s13, $0xb8;
	[tilespmem:$0x1BE00] =	vst v63  }
0xa7: {  	s20 =	sshrl.u32 @!p0 s19, $0x3  }
0xa8: {  	s24 =	simm.s32 @!p0 $0x0;
	s21 =	sadd.s32 @!p0 s25, s20  }
0xa9: {  	[tilespmem:s24], [sflag:$0x4] =	stream.linear.gather @!p0 [hbm4b:s21+s24], $0x50, $0x38;
	[tilespmem:$0x1BE00] =	vst v63  }
0xaa: {  	s20 =	sadd.s32 @!p0 s26, s20;
	s21 =	simm.s32 @!p0 $0x300  }
0xab: {  	[tilespmem:s21], [sflag:$0x4] =	stream.linear.gather @!p0 [hbm4b:s20+s24], $0x50, $0x38;
	[tilespmem:$0x1BE00] =	vst v63  }
0xac: {  	_ =	swait.ge [sflag:s12], $0x2800  }
0xad: {  	[sflag:s12] =	ssyncset.done $0x0  }
0xae: {  	s21 =	simm.s32 $0x400;
	[sflag:s12] =	ssyncadd.s32 $0xFFFFD800  }
0xaf: {  	[spmem:s1] =	stream.indirect.scatter.add.f32 [tilespmem:s17], [sflag:$0xC], $0x80, s21, s13, $0xb8;
	[tilespmem:$0x1BE00] =	vst v63  }
0xb0: {  	_ =	swait.ge [sflag:s14], $0x50  }
0xb1: {  	[sflag:s14] =	ssyncset.done $0x0  }
0xb2: {  	[sflag:s14] =	ssyncadd.s32 $0xFFFFFFB0  }
0xb3: {  	_ =	swait.ge [sflag:s14], $0x50  }
0xb4: {  	[sflag:s14] =	ssyncset.done $0x0  }
0xb5: {  	[sflag:s14] =	ssyncadd.s32 $0xFFFFFFB0  }
0xb6: {  	_ =	swait.ge [sflag:s15], $0x2800  }
0xb7: {  	[sflag:s15] =	ssyncset.done $0x0  }
0xb8: {  	s22 =	simm.s32 $0x200;
	s20 =	simm.s32 @p0 $0x1;
	[sflag:s15] =	ssyncadd.s32 $0xFFFFD800  }
0xb9: {  	[tilespmem:s9], [sflag:$0x2] =	stream.indirect.gather [hbm4b:s4+s13], $0x80, s22, s13, $0xb8;
	[tilespmem:$0x1BE00] =	vst v63  }
0xba: {  	_ =	swait.ge @p0 [sflag:s20], $0x2800  }
0xbb: {  	s3 =	simm.s32 @p0 $0x600;
	[sflag:s20] =	ssyncset.done @p0 $0x0  }
0xbc: {  	s21 =	simm.s32 @p0 $0x480;
	[sflag:s20] =	ssyncadd.s32 @p0 $0xFFFFD800;
	s20 =	simm.s32 @p0 $0x50  }
0xbd: {  	[spmem:s1] =	stream.indirect.scatter.add.f32 @p0 [tilespmem:s3], [sflag:$0xA], $0x80, s21, s20, $0xb8;
	[tilespmem:$0x1BE00] =	vst v63  }
0xbe: {  	s3 =	rddreg [dreg:$0x16]  }
0xbf: {  	s20 =	simm.s32 @!p0 $0x80;
	s3 =	sadd.s32 @!p0 s18, s3  }
0xc0: {  	[tilespmem:s20], [sflag:$0x5] =	stream.linear.gather @!p0 [hbm4b:s3+s24], $0x50, $0x38;
	[tilespmem:$0x1BE00] =	vst v63  }
0xc1: {  	s3 =	rddreg [dreg:$0x15]  }
0xc2: {  	s21 =	simm.s32 @!p0 $0x380;
	s3 =	sadd.s32 @!p0 s18, s3  }
0xc3: {  	[tilespmem:s21], [sflag:$0x5] =	stream.linear.gather @!p0 [hbm4b:s3+s24], $0x50, $0x38;
	[tilespmem:$0x1BE00] =	vst v63  }
0xc4: {  	s3 =	simm.s32 @!p0 $0x1  }
0xc5: {  	_ =	swait.ge @!p0 [sflag:s3], $0x2800  }
0xc6: {  	s5 =	simm.s32 @!p0 $0x600;
	s6 =	simm.s32 @!p0 $0x9;
	[sflag:s3] =	ssyncset.done @!p0 $0x0  }
0xc7: {  	s21 =	simm.s32 @!p0 $0x50;
	[sflag:s3] =	ssyncadd.s32 @!p0 $0xFFFFD800;
	s3 =	simm.s32 @!p0 $0x480  }
0xc8: {  	[spmem:s1] =	stream.indirect.scatter.add.f32 @!p0 [tilespmem:s5], [sflag:$0xA], $0x80, s3, s21, $0xb8;
	[tilespmem:$0x1BE00] =	vst v63  }
0xc9: {  	_ =	swait.ge @!p0 [sflag:s6], $0x50  }
0xca: {  	[sflag:s6] =	ssyncset.done @!p0 $0x0  }
0xcb: {  	[sflag:s6] =	ssyncadd.s32 @!p0 $0xFFFFFFB0  }
0xcc: {  	_ =	swait.ge @!p0 [sflag:s6], $0x50  }
0xcd: {  	[sflag:s6] =	ssyncset.done @!p0 $0x0  }
0xce: {  	[sflag:s6] =	ssyncadd.s32 @!p0 $0xFFFFFFB0;
	s6 =	simm.s32 @!p0 $0xC  }
0xcf: {  	_ =	swait.ge @!p0 [sflag:s6], $0x2800  }
0xd0: {  	[sflag:s6] =	ssyncset.done @!p0 $0x0  }
0xd1: {  	s22 =	simm.s32 @!p0 $0x5600;
	[sflag:s6] =	ssyncadd.s32 @!p0 $0xFFFFD800;
	s6 =	simm.s32 @!p0 $0x280  }
0xd2: {  	[tilespmem:s22], [sflag:$0x3] =	stream.indirect.gather @!p0 [hbm4b:s4+s21], $0x80, s6, s21, $0xb8;
	[tilespmem:$0x1BE00] =	vst v63  }
0xd3: {  	s6 =	rddreg [dreg:$0x13]  }
0xd4: {  	s23 =	simm.s32 @!p0 $0x100;
	s6 =	sadd.s32 @!p0 s18, s6  }
0xd5: {  	[tilespmem:s23], [sflag:$0x6] =	stream.linear.gather @!p0 [hbm4b:s6+s24], $0x50, $0x38;
	[tilespmem:$0x1BE00] =	vst v63  }
0xd6: {  	s6 =	rddreg [dreg:$0x12]  }
0xd7: {  	s23 =	simm.s32 @!p0 $0x400;
	s6 =	sadd.s32 @!p0 s18, s6  }
0xd8: {  	[tilespmem:s23], [sflag:$0x6] =	stream.linear.gather @!p0 [hbm4b:s6+s24], $0x50, $0x38;
	[tilespmem:$0x1BE00] =	vst v63  }
0xd9: {  	_ =	swait.ge [sflag:s7], $0x2800  }
0xda: {  	[sflag:s7] =	ssyncset.done $0x0  }
0xdb: {  	s23 =	simm.s32 $0x500;
	s6 =	simm.s32 @!p0 $0x4;
	[sflag:s7] =	ssyncadd.s32 $0xFFFFD800  }
0xdc: {  	[spmem:s1] =	stream.indirect.scatter.add.f32 [tilespmem:s9], [sflag:$0xB], $0x80, s23, s13, $0xb8;
	[tilespmem:$0x1BE00] =	vst v63  }
0xdd: {  	_ =	swait.ge @!p0 [sflag:s6], $0x50  }
0xde: {  	[sflag:s6] =	ssyncset.done @!p0 $0x0  }
0xdf: {  	[sflag:s6] =	ssyncadd.s32 @!p0 $0xFFFFFFB0  }
0xe0: {  	_ =	swait.ge @!p0 [sflag:s6], $0x50  }
0xe1: {  	[sflag:s6] =	ssyncset.done @!p0 $0x0  }
0xe2: {  	[sflag:s6] =	ssyncadd.s32 @!p0 $0xFFFFFFB0;
	s6 =	simm.s32 @!p0 $0xA  }
0xe3: {  	_ =	swait.ge @!p0 [sflag:s6], $0x2800  }
0xe4: {  	[sflag:s6] =	ssyncset.done @!p0 $0x0  }
0xe5: {  	[sflag:s6] =	ssyncadd.s32 @!p0 $0xFFFFD800  }
0xe6: {  	[tilespmem:s5], [sflag:$0x1] =	stream.indirect.gather @!p0 [hbm4b:s4+s21], $0x80, s24, s21, $0xb8;
	[tilespmem:$0x1BE00] =	vst v63  }
0xe7: {  	s6 =	simm.s32 @!p0 $0x180;
	s5 =	sadd.s32 @!p0 s18, s31  }
0xe8: {  	[tilespmem:s6], [sflag:$0x7] =	stream.linear.gather @!p0 [hbm4b:s5+s24], $0x50, $0x38;
	[tilespmem:$0x1BE00] =	vst v63  }
0xe9: {  	s5 =	sadd.s32 @!p0 s18, s30  }
0xea: {  	[tilespmem:s3], [sflag:$0x7] =	stream.linear.gather @!p0 [hbm4b:s5+s24], $0x50, $0x38;
	[tilespmem:$0x1BE00] =	vst v63  }
0xeb: {  	s3 =	simm.s32 @!p0 $0x3  }
0xec: {  	_ =	swait.ge @!p0 [sflag:s3], $0x2800  }
0xed: {  	[sflag:s3] =	ssyncset.done @!p0 $0x0  }
0xee: {  	[sflag:s3] =	ssyncadd.s32 @!p0 $0xFFFFD800;
	s3 =	simm.s32 @!p0 $0x580  }
0xef: {  	[spmem:s1] =	stream.indirect.scatter.add.f32 @!p0 [tilespmem:s22], [sflag:$0xC], $0x80, s3, s21, $0xb8;
	[tilespmem:$0x1BE00] =	vst v63  }
0xf0: {  	s3 =	simm.s32 @!p0 $0x5  }
0xf1: {  	_ =	swait.ge @!p0 [sflag:s3], $0x50  }
0xf2: {  	[sflag:s3] =	ssyncset.done @!p0 $0x0  }
0xf3: {  	[sflag:s3] =	ssyncadd.s32 @!p0 $0xFFFFFFB0  }
0xf4: {  	_ =	swait.ge @!p0 [sflag:s3], $0x50  }
0xf5: {  	[sflag:s3] =	ssyncset.done @!p0 $0x0  }
0xf6: {  	[sflag:s3] =	ssyncadd.s32 @!p0 $0xFFFFFFB0;
	s3 =	simm.s32 @!p0 $0xB  }
0xf7: {  	_ =	swait.ge @!p0 [sflag:s3], $0x2800  }
0xf8: {  	[sflag:s3] =	ssyncset.done @!p0 $0x0  }
0xf9: {  	[sflag:s3] =	ssyncadd.s32 @!p0 $0xFFFFD800;
	s3 =	simm.s32 @!p0 $0x2E00  }
0xfa: {  	[tilespmem:s3], [sflag:$0x2] =	stream.indirect.gather @!p0 [hbm4b:s4+s21], $0x80, s20, s21, $0xb8;
	[tilespmem:$0x1BE00] =	vst v63  }
0xfb: {  	s5 =	simm.s32 @!p0 $0x200;
	s3 =	sadd.s32 @!p0 s18, s29  }
0xfc: {  	[tilespmem:s5], [sflag:$0x8] =	stream.linear.gather @!p0 [hbm4b:s3+s24], $0x50, $0x38;
	[tilespmem:$0x1BE00] =	vst v63  }
0xfd: {  	s3 =	sadd.s32 @!p0 s18, s28;
	s5 =	simm.s32 @!p0 $0x500;
	s18 =	sadd.s32 $0x3C, s18  }
0xfe: {  	[tilespmem:s5], [sflag:$0x8] =	stream.linear.gather @!p0 [hbm4b:s3+s24], $0x50, $0x38;
	[tilespmem:$0x1BE00] =	vst v63  }
0xff: {  	p0 =	sne.s32 s18, $0x4EC  }
.Ltmp4:
0x100: {  	_ = 	snop;
	(pc) =	sbr.rel @!p0 .LBB2_9-.Ltmp4, $2  }
0x101: {  	_ =	sdelay $0x2  }
0x102: {  	s19 =	sadd.s32 $0x1E0, s19  }
.LBB2_4:
0x103: {  	_ =	swait.ge [sflag:s10], $0x2800  }
0x104: {  	[sflag:s10] =	ssyncset.done $0x0  }
0x105: {  	s3 =	simm.s32 $0x300;
	[sflag:s10] =	ssyncadd.s32 $0xFFFFD800  }
0x106: {  	[spmem:s1] =	stream.indirect.scatter.add.f32 [tilespmem:s0], [sflag:$0xA], $0x80, s3, s13, $0xb8;
	[tilespmem:$0x1BE00] =	vst v63  }
0x107: {  	p0 =	sne.s32 s18, $0x0;
	_ =	swait.ge [sflag:s11], $0x50  }
.Ltmp5:
0x108: {  	[sflag:s11] =	ssyncset.done $0x0;
	(pc) =	sbr.rel @!p0 .LBB2_5-.Ltmp5, $4  }
0x109: {  	[sflag:s11] =	ssyncadd.s32 $0xFFFFFFB0  }
0x10a: {  	_ =	swait.ge [sflag:s11], $0x50  }
0x10b: {  	[sflag:s11] =	ssyncset.done $0x0  }
0x10c: {  	[sflag:s11] =	ssyncadd.s32 $0xFFFFFFB0  }
0x10d: {  	p1 =	seq.s32 s18, $0x4B0  }
.Ltmp6:
0x10e: {  	_ = 	snop;
	(pc) =	sbr.rel @p1 .LBB2_8-.Ltmp6, $4  }
.Ltmp7:
0x10f: {  	_ =	swait.ge [sflag:s16], $0x2800;
	(pc) =	sbr.rel @!p1 .LBB2_7-.Ltmp7, $4  }
0x110: {  	[sflag:s16] =	ssyncset.done $0x0  }
0x111: {  	s3 =	simm.s32 $0x100;
	p0 =	por $0x1, $0x1;
	[sflag:s16] =	ssyncadd.s32 $0xFFFFD800  }
0x112: {  	[tilespmem:s17], [sflag:$0x3] =	stream.indirect.gather [hbm4b:s4+s13], $0x80, s3, s13, $0xb8;
	[tilespmem:$0x1BE00] =	vst v63  }
0x113: {  	_ = 	snop  }
.LBB2_10:
0x114: {  	_ =	sfence.sel $0x180000  }
0x115: {  	[bflag:$0x0] =	sbarrier.arrive $0xFFFF  }
0x116: {  	_ =	strace $0x9000004A  }
0x117: {  	s0 =	stileid.u32;
	[bflag:$0x2] =	sbarrier.arrive $0xFFFF  }
0x118: {  	p0 =	sne.s32 s0, $0x0;
	s0 =	rddreg [dreg:$0x2]  }
0x119: {  	s0 =	sadd.s32 @!p0 $0x100000, s0  }
0x11a: {  	[sflag:s0] =	ssyncadd.tile.s32 @!p0 $0x1;
	_ =	shalt  }
.Lfunc_end2:
_tile_overlayer_lowered:
.L_overlay_start_2:
0x11b: {  	(tag) =	ssettag $0x2  }
0x11c: {  	s0 =	rddreg [dreg:$0x0];
	s2 =	stileid.u32  }
0x11d: {  	s1 =	rddreg [dreg:$0x1];
	p0 =	sne.s32 s2, $0x0  }
0x11e: {  	s3 =	rddreg [dreg:$0x2];
	[bflag:$0x3] =	sbarrier.arrive $0xFFFF;
	s2 =	simm.s32 @!p0 $0x1C0D  }
0x11f: {  	[timem:s3], [sflag:s2] =	dma.local @!p0 [hbm:s0], s1  }
0x120: {  	s0 =	simm.s32 @!p0 $0xD  }
0x121: {  	_ =	swait.ge @!p0 [sflag:s0], s1  }
0x122: {  	s1 =	ssub.s32 @!p0 $0x0, s1;
	[sflag:s0] =	ssyncset.done @!p0 $0x0  }
0x123: {  	[sflag:s0] =	ssyncadd.s32 @!p0 s1  }
0x124: {  	[bflag:$0x3] =	sbarrier.arrive $0xFFFF  }
0x125: {  	_ =	shalt  }

// kernel: kernel.7.cloned.1.call-start
scs
__scs_entry_jumppad:
0x0: {  	(pc) =	sbr.rel $0x88, $3  }
0x1: {  	(tag) =	ssettag $0x0;
	lr =	simm.s32 $0x1  }
0x2: {  	[smem:$0x3F98] =	sst lr;
	_ =	strace $0xD0000000  }
0x3: {  	_ = 	snop  }
0x4: {  	_ = 	snop  }
0x5: {  	_ = 	snop  }
0x6: {  	_ = 	snop  }
0x7: {  	_ = 	snop  }
__scs_overlays_trampoline_lowered:
0x8: {  	[smem:$0x3FA7] =	sst s0  }
0x9: {  	[smem:$0x3FA8] =	sst s1  }
0xa: {  	[smem:$0x3FA9] =	sst s2  }
0xb: {  	[smem:$0x3FAA] =	sst s3  }
0xc: {  	[smem:$0x3FAB] =	sst s4  }
0xd: {  	[smem:$0x3FAC] =	sst s5  }
0xe: {  	[smem:$0x3FAD] =	sst s6  }
0xf: {  	[smem:$0x3FAE] =	sst s7  }
0x10: {  	[smem:$0x3FAF] =	sst s8  }
0x11: {  	[smem:$0x3FB0] =	sst s9;
	s0 =	simm.s32 @!p0 $0x0  }
0x12: {  	s1 =	sld [smem:$0x3F96];
	s0 =	simm.s32 @p0 $0x1  }
0x13: {  	[smem:$0x3FB1] =	sst s0;
	s0 =	simm.s32 @!p1 $0x0  }
0x14: {  	s2 =	sld [smem:$0x3F95];
	s0 =	simm.s32 @p1 $0x1  }
0x15: {  	[smem:$0x3FB2] =	sst s0;
	s0 =	simm.s32 @!p2 $0x0  }
0x16: {  	s3 =	sld [smem:$0x3FDB];
	s0 =	simm.s32 @p2 $0x1  }
0x17: {  	s4 =	simm.s32 $0x1BF5;
	[smem:$0x3FB4] =	sst s0  }
0x18: {  	s0 =	sld [smem:$0x3F97];
	_ =	swait.ge [sflag:s4], $0x0  }
0x19: {  	s7 =	sld [smem:$0x3F98]  }
0x1a: {  	s8 =	sadd.s32 $0xFFFFE003, lr  }
0x1b: {  	s9 =	sadd.s32 $0xFFFFFEF7, lr;
	s5 =	simm.s32 $0xFFFFFFFF;
	p2 =	slt.u32 s8, $0xFFFFF086  }
0x1c: {  	p1 =	slt.u32 s9, $0xF7A;
	s5 =	simm.s32 @!p2 $0x0  }
0x1d: {  	s5 =	simm.s32 @p1 $0x1;
	p0 =	seq.s32 s7, s2  }
0x1e: {  	s7 =	smul.u32 @!p0 $0xF7A, s2;
	p2 =	seq.s32 @!p0 s5, $0x0  }
0x1f: {  	s9 =	smul.u32 $0xF7A, s1;
	s8 =	simm.s32 @!p0 $0x1BF5;
	p2 =	por !p2, p0  }
0x20: {  	[sflag:s8] =	ssyncset.s32 @!p0 $0xFFFFF086;
	s6 =	sadd.s32 @!p0 s3, s7;
	s7 =	simm.s32 @!p0 $0x108  }
0x21: {  	s3 =	sadd.s32 s3, s9;
	s6 =	sadd.s32 @!p0 $0x88, s6;
	s7 =	simm.s32 @p2 $0x1082  }
0x22: {  	[simem:s7], [sflag:s8] =	dma.local @!p0 [hbm:s6], $0xF7A  }
0x23: {  	s9 =	sor.u32 $0xD0000000, s2;
	s6 =	simm.s32 $0x108;
	_ =	swait.ge @!p0 [sflag:s8], $0x0  }
0x24: {  	s3 =	sadd.s32 $0x88, s3;
	s6 =	simm.s32 @!p1 $0x1082;
	[sflag:s4] =	ssyncset.s32 $0xFFFFF086  }
0x25: {  	[simem:s6], [sflag:s4] =	dma.local [hbm:s3], $0xF7A  }
0x26: {  	[smem:$0x3F98] =	sst s1;
	(tag) =	ssettag s2;
	_ =	strace s9  }
0x27: {  	s1 =	sld [smem:$0x3FA8]  }
0x28: {  	s2 =	sld [smem:$0x3FA9]  }
0x29: {  	s4 =	sld [smem:$0x3FAB]  }
0x2a: {  	p0 =	seq.s32 s5, $0x0;
	s5 =	sld [smem:$0x3FAC]  }
0x2b: {  	s6 =	sld [smem:$0x3FAD]  }
0x2c: {  	s7 =	sld [smem:$0x3FAE]  }
0x2d: {  	s3 =	simm.s32 $0x108;
	s8 =	sld [smem:$0x3FAF]  }
0x2e: {  	s3 =	simm.s32 @!p0 $0x1082;
	s9 =	sld [smem:$0x3FB0]  }
0x2f: {  	lr =	sadd.s32 s0, s3;
	s0 =	sld [smem:$0x3FA7]  }
0x30: {  	s3 =	sld [smem:$0x3FAA]  }
0x31: {  	[smem:$0x3FB3] =	sst s10  }
0x32: {  	s10 =	sld [smem:$0x3FB1];
	_ =	sdelay $0x3  }
0x33: {  	p0 =	seq.s32 s10, $0x1;
	s10 =	sld [smem:$0x3FB3];
	_ =	sdelay $0x3  }
0x34: {  	[smem:$0x3FB3] =	sst s10  }
0x35: {  	s10 =	sld [smem:$0x3FB2];
	_ =	sdelay $0x3  }
0x36: {  	p1 =	seq.s32 s10, $0x1;
	s10 =	sld [smem:$0x3FB3];
	_ =	sdelay $0x3  }
0x37: {  	[smem:$0x3FB3] =	sst s10  }
0x38: {  	s10 =	sld [smem:$0x3FB4]  }
0x39: {  	_ = 	snop;
	(pc) =	sbr.ind lr, $3  }
0x3a: {  	_ = 	snop  }
0x3b: {  	_ = 	snop  }
0x3c: {  	p2 =	seq.s32 s10, $0x1;
	s10 =	sld [smem:$0x3FB3]  }
0x3d: {  	_ =	shalt  }
0x3e: {  	_ =	shalt  }
0x3f: {  	_ =	shalt  }
0x40: {  	_ =	shalt  }
0x41: {  	_ =	shalt  }
0x42: {  	_ =	shalt  }
0x43: {  	_ =	shalt  }
0x44: {  	_ =	shalt  }
0x45: {  	_ =	shalt  }
0x46: {  	_ =	shalt  }
0x47: {  	_ =	shalt  }
0x48: {  	_ =	shalt  }
0x49: {  	_ =	shalt  }
0x4a: {  	_ =	shalt  }
0x4b: {  	_ =	shalt  }
0x4c: {  	_ =	shalt  }
0x4d: {  	_ =	shalt  }
0x4e: {  	_ =	shalt  }
0x4f: {  	_ =	shalt  }
0x50: {  	_ =	shalt  }
0x51: {  	_ =	shalt  }
0x52: {  	_ =	shalt  }
0x53: {  	_ =	shalt  }
0x54: {  	_ =	shalt  }
0x55: {  	_ =	shalt  }
0x56: {  	_ =	shalt  }
0x57: {  	_ =	shalt  }
0x58: {  	_ =	shalt  }
0x59: {  	_ =	shalt  }
0x5a: {  	_ =	shalt  }
0x5b: {  	_ =	shalt  }
0x5c: {  	_ =	shalt  }
0x5d: {  	_ =	shalt  }
0x5e: {  	_ =	shalt  }
0x5f: {  	_ =	shalt  }
0x60: {  	_ =	shalt  }
0x61: {  	_ =	shalt  }
0x62: {  	_ =	shalt  }
0x63: {  	_ =	shalt  }
0x64: {  	_ =	shalt  }
0x65: {  	_ =	shalt  }
0x66: {  	_ =	shalt  }
0x67: {  	_ =	shalt  }
0x68: {  	_ =	shalt  }
0x69: {  	_ =	shalt  }
0x6a: {  	_ =	shalt  }
0x6b: {  	_ =	shalt  }
0x6c: {  	_ =	shalt  }
0x6d: {  	_ =	shalt  }
0x6e: {  	_ =	shalt  }
0x6f: {  	_ =	shalt  }
0x70: {  	_ =	shalt  }
0x71: {  	_ =	shalt  }
0x72: {  	_ =	shalt  }
0x73: {  	_ =	shalt  }
0x74: {  	_ =	shalt  }
0x75: {  	_ =	shalt  }
0x76: {  	_ =	shalt  }
0x77: {  	_ =	shalt  }
0x78: {  	_ =	shalt  }
0x79: {  	_ =	shalt  }
0x7a: {  	_ =	shalt  }
0x7b: {  	_ =	shalt  }
0x7c: {  	_ =	shalt  }
0x7d: {  	_ =	shalt  }
0x7e: {  	_ =	shalt  }
0x7f: {  	_ =	shalt  }
0x80: {  	_ =	shalt  }
0x81: {  	_ =	shalt  }
0x82: {  	_ =	shalt  }
0x83: {  	_ =	shalt  }
0x84: {  	_ =	shalt  }
0x85: {  	_ =	shalt  }
0x86: {  	_ =	shalt  }
0x87: {  	_ =	shalt  }
.Lfunc_end0:
.L_simem_size_0:
called_computation_lowered:
.L_overlay_start_0:
0x88: {  	s2 =	sld [smem:$0x3FD9]  }
0x89: {  	s3 =	sld [smem:$0x3FFE];
	_ =	sdelay $0x1  }
0x8a: {  	s1 =	srdreg.scid  }
0x8b: {  	s0 =	sand.u32 $0x1, s1  }
0x8c: {  	s17 =	sshll.u32 s0, $0xA;
	s2 =	sadd.s32 s3, s2  }
0x8d: {  	s2 =	sadd.s32 s2, s17  }
0x8e: {  	[smem:$0x3FBF] =	sst s2  }
0x8f: {  	_ = 	snop  }
0x90: {  	s2 =	sld [smem:$0x3FC9];
	(tm) =	ssettm $0x1  }
0x91: {  	s18 =	sld [smem:$0x3FFB];
	_ =	sdelay $0x3  }
0x92: {  	_ =	strace s18  }
0x93: {  	s3 =	sld [smem:$0x3FFC];
	_ =	sdelay $0x3  }
0x94: {  	_ =	strace s3  }
0x95: {  	s3 =	sld [smem:$0x3FFD];
	_ =	sdelay $0x3  }
0x96: {  	_ =	strace s3  }
0x97: {  	_ =	strace $0x8FFFFFFF  }
0x98: {  	s19 =	sld [smem:$0x3FDB];
	_ =	sdelay $0x1  }
0x99: {  	s4 =	simm.s32 $_scs_section_size  }
0x9a: {  	s5 =	simm.s32 $_size__tile_overlayer_lowered;
	s6 =	simm.s32 $_tile_overlayer_lowered  }
0x9b: {  	s22 =	simm.s32 $0x1BFF;
	s21 =	sshll.u32 s6, $0x1;
	s3 =	sadd.s32 s4, s19  }
0x9c: {  	s7 =	simm.s32 $0x0;
	s20 =	sshll.u32 s5, $0x1;
	s5 =	sadd.s32 s21, s3  }
0x9d: {  	[timem:s7], [sflag:s22] =	dma.local [hbm:s5], s20  }
0x9e: {  	_ =	swait.ge [sflag:s22], s20  }
0x9f: {  	s4 =	ssub.s32 $0x0, s20;
	[sflag:s22] =	ssyncset.done $0x0  }
0xa0: {  	[sflag:s22] =	ssyncadd.s32 s4;
	_ =	sdelay $0x1  }
0xa1: {  	s23 =	simm.s32 $0x1B8B  }
0xa2: {  	_ =	swait.ge [sflag:s23], $0x1  }
0xa3: {  	[sflag:s23] =	ssyncset.done $0x0  }
0xa4: {  	s25 =	simm.s32 $0x1B8E;
	s24 =	sld [smem:$0x3FFE];
	[sflag:s23] =	ssyncadd.s32 $0xFFFFFFFF  }
0xa5: {  	s26 =	simm.s32 $execute0_lowered;
	[smem:$0x3FD2] =	sst s25  }
0xa6: {  	s5 =	sshll.u32 s26, $0x1;
	_ =	strace $0x80000046;
	[dreg:$0x1] =	wrdreg $0xFFFFFFFF  }
0xa7: {  	s28 =	simm.s32 $_size_execute0_lowered;
	s3 =	sadd.s32 s3, s5;
	[dreg:$0x0] =	wrdreg $0x0  }
0xa8: {  	s5 =	sshll.u32 s28, $0x1;
	[dreg:$0x2] =	wrdreg s3  }
0xa9: {  	[dreg:$0x3] =	wrdreg s5  }
0xaa: {  	[dreg:$0x4] =	wrdreg $0xC0  }
0xab: {  	_ =	task [dreg:s7], $0x5FFFF  }
0xac: {  	[dreg:$0x1] =	wrdreg $0xFFFFFFFF  }
0xad: {  	[dreg:$0x0] =	wrdreg $0x60  }
0xae: {  	[dreg:$0x2] =	wrdreg s2  }
0xaf: {  	[dreg:$0x3] =	wrdreg s24  }
0xb0: {  	[dreg:$0x4] =	wrdreg $0x7E000  }
0xb1: {  	[dreg:$0x5] =	wrdreg $0x9  }
0xb2: {  	_ =	task.clear_ibuf [dreg:s7], $0x6FFFF;
	_ =	strace $0x90000046  }
0xb3: {  	s29 =	simm.s32 $0x9;
	_ =	strace $0x80000048  }
0xb4: {  	_ =	swait.ge [sflag:s29], $0x1  }
0xb5: {  	[sflag:s29] =	ssyncadd.s32 $0xFFFFFFFF  }
0xb6: {  	_ =	strace $0x90000048  }
0xb7: {  	_ =	sfence  }
0xb8: {  	s30 =	sld [smem:$0x0];
	_ =	sdelay $0x2  }
0xb9: {  	s31 =	sshll.u32 s1, $0xD;
	s1 =	sshrl.u32 s1, $0x2  }
0xba: {  	s3 =	sand.u32 $0x4000, s31;
	s1 =	sadd.s32 s1, s30  }
0xbb: {  	s0 =	sor.u32 s3, s0;
	s1 =	sshll.u32 s1, $0x11  }
0xbc: {  	s0 =	sor.u32 s1, s0  }
0xbd: {  	s0 =	sadd.s32 $0x8F2B, s0  }
0xbe: {  	[sflag:s0] =	ssyncadd.remote.s32 $0x1  }
0xbf: {  	_ =	sfence.sel $0xFFFF  }
0xc0: {  	[dreg:$0x0] =	wrdreg $0xFFFFFFFF;
	(pc) =	sbr.abs _section_cstart, $3  }
0xc1: {  	[dreg:$0x1] =	wrdreg $0xFFFFFFFF  }
0xc2: {  	_ =	task.clear_ibuf [dreg:s7], $0x2FFFF;
	_ =	strace $0x9FFFFFFF  }
0xc3: {  	(tm) =	ssettm $0x7FFFFFFF  }
tec
execute0_lowered:
.L_overlay_start_1:
0x0: {  	(tag) =	ssettag $0x1  }
0x1: {  	s1 =	rddreg [dreg:$0x0]  }
0x2: {  	s0 =	rddreg [dreg:$0x1]  }
0x3: {  	s2 =	rddreg [dreg:$0x2];
	s6 =	stileid.u32  }
0x4: {  	s3 =	simm.s32 $0x0;
	s23 =	srdreg.scid;
	s4 =	smul.u32 $0x2800, s6  }
0x5: {  	[smem:$0x7FF] =	sst s3;
	s3 =	sand.u32 $0x1, s23;
	s18 =	smul.u32 $0x50000, s6  }
0x6: {  	s5 =	sshll.u32 s6, $0x1;
	s24 =	sshrl.u32 s6, $0x2;
	s7 =	smul.u32 $0x28000, s3  }
0x7: {  	s12 =	sadd.s32 $0xCA00, s0;
	s8 =	sor.u32 s3, s5;
	s9 =	smul.u32 $0x14000, s24  }
0x8: {  	_ =	strace $0x80000047;
	s10 =	sshll.u32 s8, $0x7;
	s8 =	smul.u32 $0x2710, s8  }
0x9: {  	s5 =	sadd.s32 $0x2C00, s0;
	s26 =	ssub.s32 $0x2, s3;
	s10 =	sand.u32 $0x380, s10  }
0xa: {  	s4 =	sadd.s32 s4, s7;
	s25 =	sor.u32 s9, s10;
	s8 =	sshrl.u32 s8, $0x3  }
0xb: {  	s4 =	sadd.s32 s4, s0;
	s10 =	sshrl.u32 s26, $0x1;
	s11 =	sadd.s32 s5, s8  }
0xc: {  	s7 =	sshrl.u32 s25, $0x3;
	s14 =	sadd.s32 s12, s8;
	[dreg:$0x4] =	wrdreg s11  }
0xd: {  	s13 =	sadd.s32 $0xA, s8;
	s4 =	sadd.s32 $0x16800, s4;
	[dreg:$0x5] =	wrdreg s14  }
0xe: {  	s16 =	sadd.s32 $0x14, s8;
	s15 =	sadd.s32 s5, s13;
	[dreg:$0xf] =	wrdreg s4  }
0xf: {  	s19 =	sadd.s32 $0x1E, s8;
	s9 =	sadd.s32 s12, s13;
	[dreg:$0x6] =	wrdreg s15  }
0x10: {  	s0 =	sadd.s32 s7, s0;
	s17 =	sadd.s32 s5, s16;
	[dreg:$0x7] =	wrdreg s9  }
0x11: {  	s7 =	ssub.s32 s26, s10;
	s10 =	sadd.s32 s12, s16;
	[dreg:$0x8] =	wrdreg s17  }
0x12: {  	s3 =	smul.u32 $0x2710, s3;
	s20 =	sadd.s32 s5, s19;
	[dreg:$0x9] =	wrdreg s10  }
0x13: {  	s8 =	sadd.s32 $0x28, s8;
	s21 =	sadd.s32 s12, s19;
	[dreg:$0xa] =	wrdreg s20  }
0x14: {  	s11 =	smul.u32 $0x4E20, s6;
	s22 =	sadd.s32 s5, s8;
	[dreg:$0xb] =	wrdreg s21  }
0x15: {  	s23 =	sadd.s32 s12, s8;
	[dreg:$0xc] =	wrdreg s22;
	s9 =	sshrl.u32 s18, $0x2  }
0x16: {  	[dreg:$0xd] =	wrdreg s23;
	s0 =	sadd.s32 $0x66800, s0;
	s25 =	smax.u32 s7, $0x1  }
0x17: {  	s7 =	simm.s32 $0x600;
	s3 =	sadd.s32 s3, s11;
	[dreg:$0x10] =	wrdreg s0  }
0x18: {  	s6 =	sadd.s32 s9, s2;
	[dreg:$0x11] =	wrdreg s25;
	s24 =	sadd.s32 $0x190, s3  }
0x19: {  	s26 =	sadd.s32 $0x230, s3;
	s10 =	sadd.s32 $0x280, s3;
	s11 =	sadd.s32 $0x320, s3  }
0x1a: {  	s15 =	sadd.s32 $0x1E0, s3;
	s3 =	sadd.s32 $0x2D0, s3;
	[dreg:$0xe] =	wrdreg s6  }
0x1b: {  	s18 =	sadd.s32 $0x2800, s6;
	s19 =	sadd.s32 $0x5000, s6;
	[dreg:$0x16] =	wrdreg s15  }
0x1c: {  	s20 =	sadd.s32 $0x7800, s6;
	s21 =	sadd.s32 $0xA000, s6;
	[dreg:$0x18] =	wrdreg s18  }
0x1d: {  	s22 =	sadd.s32 $0xC800, s6;
	s23 =	sadd.s32 $0xF000, s6;
	[dreg:$0x19] =	wrdreg s19  }
0x1e: {  	s25 =	sadd.s32 $0x11800, s6;
	s0 =	sshrl.u32 s24, $0x3;
	[dreg:$0x1a] =	wrdreg s20  }
0x1f: {  	s9 =	sshrl.u32 s26, $0x3;
	s13 =	sshrl.u32 s10, $0x3;
	[dreg:$0x1b] =	wrdreg s21  }
0x20: {  	s14 =	sshrl.u32 s11, $0x3;
	s17 =	sshrl.u32 s3, $0x3;
	[dreg:$0x1c] =	wrdreg s22  }
0x21: {  	s26 =	smov.u32 s12;
	s24 =	smov.u32 s5;
	[dreg:$0x1d] =	wrdreg s23  }
0x22: {  	[dreg:$0x1e] =	wrdreg s25;
	s18 =	simm.s32 $0x80;
	s21 =	simm.s32 $0x400  }
0x23: {  	s10 =	simm.s32 $0x50;
	s11 =	simm.s32 $0x5600;
	s15 =	simm.s32 $0xA  }
0x24: {  	s19 =	simm.s32 $0x8;
	s20 =	simm.s32 $0xB;
	s25 =	simm.s32 $0xC  }
0x25: {  	s8 =	sadd.s32 s0, s12;
	s0 =	sadd.s32 s0, s5;
	s4 =	sadd.s32 s9, s12  }
0x26: {  	s16 =	sadd.s32 s13, s12;
	s28 =	sadd.s32 s13, s5;
	s29 =	sadd.s32 s14, s12  }
0x27: {  	s30 =	sadd.s32 s14, s5;
	s31 =	sadd.s32 s17, s12;
	[dreg:$0x12] =	wrdreg s8  }
.Ltmp0:
0x28: {  	s12 =	simm.s32 $0x2E00;
	[dreg:$0x13] =	wrdreg s0;
	(pc) =	sbr.rel .LBB2_1-.Ltmp0, $4  }
0x29: {  	s14 =	simm.s32 $0x1;
	s13 =	simm.s32 $0x7;
	[dreg:$0x14] =	wrdreg s4  }
0x2a: {  	s0 =	sadd.s32 s9, s5;
	[dreg:$0x17] =	wrdreg s16;
	s9 =	simm.s32 $0x6  }
0x2b: {  	s8 =	simm.s32 $0x2;
	s16 =	simm.s32 $0x3;
	[dreg:$0x15] =	wrdreg s0  }
0x2c: {  	v0 =	vimm.f32 $0.0e+00;
	v1 =	vimm.f32 $1.000000000e+00;
	s0 =	sadd.s32 s17, s5;
	s17 =	simm.s32 $0x1BE00;
	s5 =	simm.s32 $0x0  }
.LBB2_11:
0x2d: {  	_ =	swait.ge [sflag:s15], $0x2800  }
0x2e: {  	[sflag:s15] =	ssyncset.done $0x0  }
0x2f: {  	[sflag:s15] =	ssyncadd.s32 $0xFFFFD800  }
0x30: {  	_ =	swait.ge [sflag:s20], $0x2800  }
0x31: {  	[sflag:s20] =	ssyncset.done $0x0  }
0x32: {  	[sflag:s20] =	ssyncadd.s32 $0xFFFFD800  }
0x33: {  	_ =	swait.ge [sflag:s25], $0x2800  }
0x34: {  	[sflag:s25] =	ssyncset.done $0x0  }
0x35: {  	[sflag:s25] =	ssyncadd.s32 $0xFFFFD800  }
0x36: {  	s3 =	stileid.u32;
	[bflag:$0x0] =	sbarrier.arrive $0xFFFF  }
0x37: {  	s3 =	sshll.u32 s3, $0x6;
	s6 =	rddreg [dreg:$0xe]  }
0x38: {  	s3 =	sor.u32 $0x1C0D, s3;
	s5 =	rddreg [dreg:$0xf];
	s4 =	sshrl.u32 s6, $0x3  }
0x39: {  	[hbm:s5], [sflag:s3] =	dma.local [spmem:s4], $0x2800  }
0x3a: {  	s4 =	simm.s32 $0xD  }
0x3b: {  	_ =	swait.ge [sflag:s4], $0x2800  }
0x3c: {  	s18 =	simm.s32 $0x80;
	[sflag:s4] =	ssyncset.done $0x0  }
0x3d: {  	s21 =	simm.s32 $0x400;
	s5 =	rddreg [dreg:$0x10];
	[sflag:s4] =	ssyncadd.s32 $0xFFFFD800  }
0x3e: {  	[hbm4b:s5+s18] =	stream.strided.scatter [tilespmem:s17], [sflag:$0xD], $0x2800, s21, s18, $0x38;
	[tilespmem:$0x1E600] =	vst v63  }
0x3f: {  	_ =	swait.ge [sflag:s4], $0x2800  }
0x40: {  	s22 =	rddreg [dreg:$0x1f]  }
0x41: {  	s23 =	rddreg [dreg:$0x11];
	s5 =	sadd.s32 $0x1, s22  }
0x42: {  	p0 =	sne.s32 s5, s23  }
.Ltmp1:
0x43: {  	_ = 	snop;
	(pc) =	sbr.rel @!p0 .LBB2_12-.Ltmp1, $3  }
0x44: {  	_ =	sdelay $0x1  }
0x45: {  	[sflag:s4] =	ssyncset.done $0x0  }
0x46: {  	[sflag:s4] =	ssyncadd.s32 $0xFFFFD800  }
.LBB2_1:
0x47: {  	[dreg:$0x1f] =	wrdreg s5  }
0x48: {  	s3 =	simm.s32 $0x0;
	s4 =	rddreg [dreg:$0x4]  }
0x49: {  	[tilespmem:s3], [sflag:$0x4] =	stream.linear.gather [hbm4b:s4+s3], $0x50, $0x38;
	[tilespmem:$0x1E600] =	vst v63  }
0x4a: {  	s22 =	rddreg [dreg:$0x5];
	s23 =	simm.s32 $0x300  }
0x4b: {  	[tilespmem:s23], [sflag:$0x4] =	stream.linear.gather [hbm4b:s22+s3], $0x50, $0x38;
	[tilespmem:$0x1E600] =	vst v63  }
0x4c: {  	s5 =	rddreg [dreg:$0x6]  }
0x4d: {  	[tilespmem:s18], [sflag:$0x5] =	stream.linear.gather [hbm4b:s5+s3], $0x50, $0x38;
	[tilespmem:$0x1E600] =	vst v63  }
0x4e: {  	s22 =	rddreg [dreg:$0x7];
	s23 =	simm.s32 $0x380  }
0x4f: {  	[tilespmem:s23], [sflag:$0x5] =	stream.linear.gather [hbm4b:s22+s3], $0x50, $0x38;
	[tilespmem:$0x1E600] =	vst v63  }
0x50: {  	s5 =	rddreg [dreg:$0x8];
	s22 =	simm.s32 $0x100  }
0x51: {  	[tilespmem:s22], [sflag:$0x6] =	stream.linear.gather [hbm4b:s5+s3], $0x50, $0x38;
	[tilespmem:$0x1E600] =	vst v63  }
0x52: {  	s23 =	rddreg [dreg:$0x9]  }
0x53: {  	[tilespmem:s21], [sflag:$0x6] =	stream.linear.gather [hbm4b:s23+s3], $0x50, $0x38;
	[tilespmem:$0x1E600] =	vst v63  }
0x54: {  	s5 =	rddreg [dreg:$0xa];
	s21 =	simm.s32 $0x180  }
0x55: {  	[tilespmem:s21], [sflag:$0x7] =	stream.linear.gather [hbm4b:s5+s3], $0x50, $0x38;
	[tilespmem:$0x1E600] =	vst v63  }
0x56: {  	s22 =	rddreg [dreg:$0xb];
	s23 =	simm.s32 $0x480  }
0x57: {  	[tilespmem:s23], [sflag:$0x7] =	stream.linear.gather [hbm4b:s22+s3], $0x50, $0x38;
	[tilespmem:$0x1E600] =	vst v63  }
0x58: {  	s5 =	rddreg [dreg:$0xc];
	s21 =	simm.s32 $0x200  }
0x59: {  	[tilespmem:s21], [sflag:$0x8] =	stream.linear.gather [hbm4b:s5+s3], $0x50, $0x38;
	[tilespmem:$0x1E600] =	vst v63  }
0x5a: {  	s22 =	rddreg [dreg:$0xd];
	s23 =	simm.s32 $0x500  }
0x5b: {  	[tilespmem:s23], [sflag:$0x8] =	stream.linear.gather [hbm4b:s22+s3], $0x50, $0x38;
	[tilespmem:$0x1E600] =	vst v63  }
0x5c: {  	s4 =	simm.s32 $0x200;
	s3 =	simm.s32 $0x0  }
.LBB2_2:
0x5d: {  	p0 =	sne.s32 s4, $0x9E00;
	[tilespmem:s3+$0x670] =	vst v0  }
0x5e: {  	[tilespmem:s3+$0x600] =	vst v0  }
0x5f: {  	[tilespmem:s3+$0x610] =	vst v0  }
.Ltmp2:
0x60: {  	[tilespmem:s3+$0x620] =	vst v0;
	(pc) =	sbr.rel @p0 .LBB2_2-.Ltmp2, $4  }
0x61: {  	[tilespmem:s3+$0x630] =	vst v0  }
0x62: {  	[tilespmem:s3+$0x640] =	vst v0  }
0x63: {  	[tilespmem:s3+$0x650] =	vst v0  }
0x64: {  	[tilespmem:s3+$0x660] =	vst v0;
	s3 =	sshra.s32 s4, $0x2;
	s4 =	sadd.s32 $0x200, s4  }
0x65: {  	[tilespmem:s3+$0x670] =	vst v0  }
0x66: {  	[tilespmem:s3+$0x600] =	vst v0  }
0x67: {  	[tilespmem:s3+$0x610] =	vst v0  }
0x68: {  	[tilespmem:s3+$0x620] =	vst v0  }
0x69: {  	[tilespmem:s3+$0x630] =	vst v0  }
0x6a: {  	[tilespmem:s3+$0x640] =	vst v0  }
0x6b: {  	[tilespmem:s3+$0x650] =	vst v0  }
0x6c: {  	[tilespmem:s3+$0x660] =	vst v0;
	s4 =	simm.s32 $0xD  }
0x6d: {  	[spmem:s6] =	stream.linear.scatter [tilespmem:s7], [sflag:$0xD], $0x2800, $0x38;
	[tilespmem:$0x1E600] =	vst v63  }
0x6e: {  	_ =	swait.ge [sflag:s4], $0x2800  }
0x6f: {  	[sflag:s4] =	ssyncset.done $0x0  }
0x70: {  	s22 =	rddreg [dreg:$0x18];
	[sflag:s4] =	ssyncadd.s32 $0xFFFFD800  }
0x71: {  	[spmem:s22] =	stream.linear.scatter [tilespmem:s7], [sflag:$0xD], $0x2800, $0x38;
	[tilespmem:$0x1E600] =	vst v63  }
0x72: {  	_ =	swait.ge [sflag:s4], $0x2800  }
0x73: {  	[sflag:s4] =	ssyncset.done $0x0  }
0x74: {  	s23 =	rddreg [dreg:$0x19];
	[sflag:s4] =	ssyncadd.s32 $0xFFFFD800  }
0x75: {  	[spmem:s23] =	stream.linear.scatter [tilespmem:s7], [sflag:$0xD], $0x2800, $0x38;
	[tilespmem:$0x1E600] =	vst v63  }
0x76: {  	_ =	swait.ge [sflag:s4], $0x2800  }
0x77: {  	[sflag:s4] =	ssyncset.done $0x0  }
0x78: {  	s5 =	rddreg [dreg:$0x1a];
	[sflag:s4] =	ssyncadd.s32 $0xFFFFD800  }
0x79: {  	[spmem:s5] =	stream.linear.scatter [tilespmem:s7], [sflag:$0xD], $0x2800, $0x38;
	[tilespmem:$0x1E600] =	vst v63  }
0x7a: {  	_ =	swait.ge [sflag:s4], $0x2800  }
0x7b: {  	[sflag:s4] =	ssyncset.done $0x0  }
0x7c: {  	s6 =	rddreg [dreg:$0x1b];
	[sflag:s4] =	ssyncadd.s32 $0xFFFFD800  }
0x7d: {  	[spmem:s6] =	stream.linear.scatter [tilespmem:s7], [sflag:$0xD], $0x2800, $0x38;
	[tilespmem:$0x1E600] =	vst v63  }
0x7e: {  	_ =	swait.ge [sflag:s4], $0x2800  }
0x7f: {  	[sflag:s4] =	ssyncset.done $0x0  }
0x80: {  	s21 =	rddreg [dreg:$0x1c];
	[sflag:s4] =	ssyncadd.s32 $0xFFFFD800  }
0x81: {  	[spmem:s21] =	stream.linear.scatter [tilespmem:s7], [sflag:$0xD], $0x2800, $0x38;
	[tilespmem:$0x1E600] =	vst v63  }
0x82: {  	_ =	swait.ge [sflag:s4], $0x2800  }
0x83: {  	[sflag:s4] =	ssyncset.done $0x0  }
0x84: {  	s22 =	rddreg [dreg:$0x1d];
	[sflag:s4] =	ssyncadd.s32 $0xFFFFD800  }
0x85: {  	[spmem:s22] =	stream.linear.scatter [tilespmem:s7], [sflag:$0xD], $0x2800, $0x38;
	[tilespmem:$0x1E600] =	vst v63  }
0x86: {  	_ =	swait.ge [sflag:s4], $0x2800  }
0x87: {  	[sflag:s4] =	ssyncset.done $0x0  }
0x88: {  	s23 =	rddreg [dreg:$0x1e];
	[sflag:s4] =	ssyncadd.s32 $0xFFFFD800  }
0x89: {  	[spmem:s23] =	stream.linear.scatter [tilespmem:s7], [sflag:$0xD], $0x2800, $0x38;
	[tilespmem:$0x1E600] =	vst v63  }
0x8a: {  	_ =	swait.ge [sflag:s4], $0x2800  }
0x8b: {  	[sflag:s4] =	ssyncset.done $0x0  }
0x8c: {  	s3 =	simm.s32 $0x40;
	[sflag:s4] =	ssyncadd.s32 $0xFFFFD800;
	s4 =	simm.s32 $0x0  }
.LBB2_4:
0x8d: {  	p0 =	sne.s32 s3, $0x9FC0;
	[tilespmem:s4+$0x1BE00] =	vst v0;
	s4 =	smov.u32 s3;
	s3 =	sadd.s32 $0x40, s3  }
.Ltmp3:
0x8e: {  	(pc) =	sbr.rel @p0 .LBB2_4-.Ltmp3, $2  }
0x8f: {  	_ =	sdelay $0x2  }
0x90: {  	s4 =	sshra.s32 s4, $0x2  }
0x91: {  	[tilespmem:s4+$0x1BE00] =	vst v0  }
0x92: {  	s3 =	simm.s32 $0x4;
	[bflag:$0x0] =	sbarrier.arrive $0xFFFF  }
0x93: {  	_ =	swait.ge [sflag:s3], $0x50  }
0x94: {  	[sflag:s3] =	ssyncset.done $0x0  }
0x95: {  	[sflag:s3] =	ssyncadd.s32 $0xFFFFFFB0  }
0x96: {  	_ =	swait.ge [sflag:s3], $0x50  }
0x97: {  	[sflag:s3] =	ssyncset.done $0x0  }
0x98: {  	s23 =	simm.s32 $0x5;
	[sflag:s3] =	ssyncadd.s32 $0xFFFFFFB0;
	s3 =	simm.s32 $0x0  }
0x99: {  	[tilespmem:s7], [sflag:$0x1] =	stream.indirect.gather [hbm4b:s1+s10], $0x80, s3, s10, $0xb8;
	[tilespmem:$0x1E600] =	vst v63  }
0x9a: {  	_ =	swait.ge [sflag:s23], $0x50  }
0x9b: {  	[sflag:s23] =	ssyncset.done $0x0  }
0x9c: {  	[sflag:s23] =	ssyncadd.s32 $0xFFFFFFB0  }
.Ltmp4:
0x9d: {  	_ =	swait.ge [sflag:s23], $0x50;
	(pc) =	sbr.rel .LBB2_6-.Ltmp4, $4  }
0x9e: {  	[sflag:s23] =	ssyncset.done $0x0  }
0x9f: {  	[sflag:s23] =	ssyncadd.s32 $0xFFFFFFB0  }
0xa0: {  	[tilespmem:s12], [sflag:$0x2] =	stream.indirect.gather [hbm4b:s1+s10], $0x80, s18, s10, $0xb8;
	[tilespmem:$0x1E600] =	vst v63  }
0xa1: {  	s18 =	rddreg [dreg:$0x16]  }
.LBB2_7:
0xa2: {  	s4 =	simm.s32 $0x100  }
0xa3: {  	[tilespmem:s11], [sflag:$0x3] =	stream.indirect.gather [hbm4b:s1+s10], $0x80, s4, s10, $0xb8;
	[tilespmem:$0x1E600] =	vst v63  }
.LBB2_9:
0xa4: {  	s4 =	rddreg [dreg:$0x13];
	s5 =	simm.s32 $0x0  }
0xa5: {  	s6 =	simm.s32 $0x280;
	s22 =	rddreg [dreg:$0x12];
	s4 =	sadd.s32 s3, s4  }
0xa6: {  	[tilespmem:s6], [sflag:$0x9] =	stream.linear.gather [hbm4b:s4+s5], $0x50, $0x38;
	[tilespmem:$0x1E600] =	vst v63  }
0xa7: {  	s23 =	simm.s32 $0x580;
	p0 =	por $0x0, $0x0;
	s4 =	sadd.s32 s3, s22  }
0xa8: {  	[tilespmem:s23], [sflag:$0x9] =	stream.linear.gather [hbm4b:s4+s5], $0x50, $0x38;
	[tilespmem:$0x1E600] =	vst v63  }
.LBB2_10:
0xa9: {  	_ =	swait.ge [sflag:s8], $0x2800  }
0xaa: {  	[sflag:s8] =	ssyncset.done $0x0  }
0xab: {  	s4 =	simm.s32 $0x380;
	[sflag:s8] =	ssyncadd.s32 $0xFFFFD800  }
0xac: {  	[spmem:s2] =	stream.indirect.scatter.add.f32 [tilespmem:s12], [sflag:$0xB], $0x80, s4, s10, $0xb8;
	[tilespmem:$0x1E600] =	vst v63  }
0xad: {  	v2 =	vld [tilespmem:$0x380];
	_ =	sdelay $0x7  }
0xae: {  	[tilespmem:v2+s17+$0x0] =	vst.idx.add.f32.msk $0xffff, v1  }
0xaf: {  	v2 =	vld [tilespmem:$0x390];
	_ =	sdelay $0x7  }
0xb0: {  	[tilespmem:v2+s17+$0x0] =	vst.idx.add.f32.msk $0xffff, v1  }
0xb1: {  	v2 =	vld [tilespmem:$0x3A0];
	_ =	sdelay $0x7  }
0xb2: {  	[tilespmem:v2+s17+$0x0] =	vst.idx.add.f32.msk $0xffff, v1  }
0xb3: {  	v2 =	vld [tilespmem:$0x3B0];
	_ =	sdelay $0x7  }
0xb4: {  	[tilespmem:v2+s17+$0x0] =	vst.idx.add.f32.msk $0xffff, v1  }
0xb5: {  	v2 =	vld [tilespmem:$0x3C0];
	_ =	sdelay $0x7  }
0xb6: {  	[tilespmem:v2+s17+$0x0] =	vst.idx.add.f32.msk $0xffff, v1  }
0xb7: {  	_ =	swait.ge [sflag:s13], $0x50  }
0xb8: {  	[sflag:s13] =	ssyncset.done $0x0  }
0xb9: {  	[sflag:s13] =	ssyncadd.s32 $0xFFFFFFB0  }
0xba: {  	_ =	swait.ge [sflag:s13], $0x50  }
0xbb: {  	[sflag:s13] =	ssyncset.done $0x0  }
0xbc: {  	[sflag:s13] =	ssyncadd.s32 $0xFFFFFFB0  }
0xbd: {  	_ =	swait.ge [sflag:s15], $0x2800  }
0xbe: {  	[sflag:s15] =	ssyncset.done $0x0  }
0xbf: {  	s22 =	simm.s32 $0x180;
	s4 =	sshrl.u32 @!p0 s18, $0x3;
	[sflag:s15] =	ssyncadd.s32 $0xFFFFD800  }
0xc0: {  	[tilespmem:s7], [sflag:$0x1] =	stream.indirect.gather [hbm4b:s1+s10], $0x80, s22, s10, $0xb8;
	[tilespmem:$0x1E600] =	vst v63  }
0xc1: {  	s21 =	simm.s32 @!p0 $0x0;
	s22 =	sadd.s32 @!p0 s24, s4  }
0xc2: {  	[tilespmem:s21], [sflag:$0x4] =	stream.linear.gather @!p0 [hbm4b:s22+s21], $0x50, $0x38;
	[tilespmem:$0x1E600] =	vst v63  }
0xc3: {  	s4 =	sadd.s32 @!p0 s26, s4;
	s22 =	simm.s32 @!p0 $0x300  }
0xc4: {  	[tilespmem:s22], [sflag:$0x4] =	stream.linear.gather @!p0 [hbm4b:s4+s21], $0x50, $0x38;
	[tilespmem:$0x1E600] =	vst v63  }
0xc5: {  	_ =	swait.ge [sflag:s16], $0x2800  }
0xc6: {  	[sflag:s16] =	ssyncset.done $0x0  }
0xc7: {  	s23 =	simm.s32 $0x400;
	[sflag:s16] =	ssyncadd.s32 $0xFFFFD800  }
0xc8: {  	[spmem:s2] =	stream.indirect.scatter.add.f32 [tilespmem:s11], [sflag:$0xC], $0x80, s23, s10, $0xb8;
	[tilespmem:$0x1E600] =	vst v63  }
0xc9: {  	v2 =	vld [tilespmem:$0x400];
	_ =	sdelay $0x7  }
0xca: {  	[tilespmem:v2+s17+$0x0] =	vst.idx.add.f32.msk $0xffff, v1  }
0xcb: {  	v2 =	vld [tilespmem:$0x410];
	_ =	sdelay $0x7  }
0xcc: {  	[tilespmem:v2+s17+$0x0] =	vst.idx.add.f32.msk $0xffff, v1  }
0xcd: {  	v2 =	vld [tilespmem:$0x420];
	_ =	sdelay $0x7  }
0xce: {  	[tilespmem:v2+s17+$0x0] =	vst.idx.add.f32.msk $0xffff, v1  }
0xcf: {  	v2 =	vld [tilespmem:$0x430];
	_ =	sdelay $0x7  }
0xd0: {  	[tilespmem:v2+s17+$0x0] =	vst.idx.add.f32.msk $0xffff, v1  }
0xd1: {  	v2 =	vld [tilespmem:$0x440];
	_ =	sdelay $0x7  }
0xd2: {  	[tilespmem:v2+s17+$0x0] =	vst.idx.add.f32.msk $0xffff, v1  }
0xd3: {  	_ =	swait.ge [sflag:s19], $0x50  }
0xd4: {  	[sflag:s19] =	ssyncset.done $0x0  }
0xd5: {  	[sflag:s19] =	ssyncadd.s32 $0xFFFFFFB0  }
0xd6: {  	_ =	swait.ge [sflag:s19], $0x50  }
0xd7: {  	[sflag:s19] =	ssyncset.done $0x0  }
0xd8: {  	[sflag:s19] =	ssyncadd.s32 $0xFFFFFFB0  }
0xd9: {  	_ =	swait.ge [sflag:s20], $0x2800  }
0xda: {  	[sflag:s20] =	ssyncset.done $0x0  }
0xdb: {  	s5 =	simm.s32 $0x200;
	s4 =	rddreg [dreg:$0x15];
	[sflag:s20] =	ssyncadd.s32 $0xFFFFD800  }
0xdc: {  	[tilespmem:s12], [sflag:$0x2] =	stream.indirect.gather [hbm4b:s1+s10], $0x80, s5, s10, $0xb8;
	[tilespmem:$0x1E600] =	vst v63  }
0xdd: {  	s22 =	simm.s32 @!p0 $0x80;
	s4 =	sadd.s32 @!p0 s3, s4  }
0xde: {  	[tilespmem:s22], [sflag:$0x5] =	stream.linear.gather @!p0 [hbm4b:s4+s21], $0x50, $0x38;
	[tilespmem:$0x1E600] =	vst v63  }
0xdf: {  	s4 =	rddreg [dreg:$0x14]  }
0xe0: {  	s5 =	simm.s32 @!p0 $0x380;
	s4 =	sadd.s32 @!p0 s3, s4  }
0xe1: {  	[tilespmem:s5], [sflag:$0x5] =	stream.linear.gather @!p0 [hbm4b:s4+s21], $0x50, $0x38;
	[tilespmem:$0x1E600] =	vst v63  }
0xe2: {  	_ =	swait.ge [sflag:s14], $0x2800  }
0xe3: {  	[sflag:s14] =	ssyncset.done $0x0  }
0xe4: {  	s6 =	simm.s32 $0x480;
	[sflag:s14] =	ssyncadd.s32 $0xFFFFD800  }
0xe5: {  	[spmem:s2] =	stream.indirect.scatter.add.f32 [tilespmem:s7], [sflag:$0xA], $0x80, s6, s10, $0xb8;
	[tilespmem:$0x1E600] =	vst v63  }
0xe6: {  	v2 =	vld [tilespmem:$0x480];
	_ =	sdelay $0x7  }
0xe7: {  	[tilespmem:v2+s17+$0x0] =	vst.idx.add.f32.msk $0xffff, v1  }
0xe8: {  	v2 =	vld [tilespmem:$0x490];
	_ =	sdelay $0x7  }
0xe9: {  	[tilespmem:v2+s17+$0x0] =	vst.idx.add.f32.msk $0xffff, v1  }
0xea: {  	v2 =	vld [tilespmem:$0x4A0];
	_ =	sdelay $0x7  }
0xeb: {  	[tilespmem:v2+s17+$0x0] =	vst.idx.add.f32.msk $0xffff, v1  }
0xec: {  	v2 =	vld [tilespmem:$0x4B0];
	_ =	sdelay $0x7  }
0xed: {  	[tilespmem:v2+s17+$0x0] =	vst.idx.add.f32.msk $0xffff, v1  }
0xee: {  	v2 =	vld [tilespmem:$0x4C0];
	_ =	sdelay $0x7  }
0xef: {  	s4 =	simm.s32 @!p0 $0x9;
	[tilespmem:v2+s17+$0x0] =	vst.idx.add.f32.msk $0xffff, v1  }
0xf0: {  	_ =	swait.ge @!p0 [sflag:s4], $0x50  }
0xf1: {  	[sflag:s4] =	ssyncset.done @!p0 $0x0  }
0xf2: {  	[sflag:s4] =	ssyncadd.s32 @!p0 $0xFFFFFFB0  }
0xf3: {  	_ =	swait.ge @!p0 [sflag:s4], $0x50  }
0xf4: {  	[sflag:s4] =	ssyncset.done @!p0 $0x0  }
0xf5: {  	[sflag:s4] =	ssyncadd.s32 @!p0 $0xFFFFFFB0;
	s4 =	simm.s32 @!p0 $0xC  }
0xf6: {  	_ =	swait.ge @!p0 [sflag:s4], $0x2800  }
0xf7: {  	s5 =	simm.s32 @!p0 $0x280;
	[sflag:s4] =	ssyncset.done @!p0 $0x0  }
0xf8: {  	s6 =	simm.s32 @!p0 $0x5600;
	[sflag:s4] =	ssyncadd.s32 @!p0 $0xFFFFD800;
	s4 =	simm.s32 @!p0 $0x50  }
0xf9: {  	[tilespmem:s6], [sflag:$0x3] =	stream.indirect.gather @!p0 [hbm4b:s1+s4], $0x80, s5, s4, $0xb8;
	[tilespmem:$0x1E600] =	vst v63  }
0xfa: {  	s23 =	simm.s32 @!p0 $0x100;
	s5 =	sadd.s32 @!p0 s3, s28  }
0xfb: {  	[tilespmem:s23], [sflag:$0x6] =	stream.linear.gather @!p0 [hbm4b:s5+s21], $0x50, $0x38;
	[tilespmem:$0x1E600] =	vst v63  }
0xfc: {  	s5 =	rddreg [dreg:$0x17]  }
0xfd: {  	s23 =	simm.s32 @!p0 $0x400;
	s5 =	sadd.s32 @!p0 s3, s5  }
0xfe: {  	[tilespmem:s23], [sflag:$0x6] =	stream.linear.gather @!p0 [hbm4b:s5+s21], $0x50, $0x38;
	[tilespmem:$0x1E600] =	vst v63  }
0xff: {  	_ =	swait.ge [sflag:s8], $0x2800  }
0x100: {  	[sflag:s8] =	ssyncset.done $0x0  }
0x101: {  	s23 =	simm.s32 $0x500;
	[sflag:s8] =	ssyncadd.s32 $0xFFFFD800  }
0x102: {  	[spmem:s2] =	stream.indirect.scatter.add.f32 [tilespmem:s12], [sflag:$0xB], $0x80, s23, s10, $0xb8;
	[tilespmem:$0x1E600] =	vst v63  }
0x103: {  	v2 =	vld [tilespmem:$0x500];
	_ =	sdelay $0x7  }
0x104: {  	[tilespmem:v2+s17+$0x0] =	vst.idx.add.f32.msk $0xffff, v1  }
0x105: {  	v2 =	vld [tilespmem:$0x510];
	_ =	sdelay $0x7  }
0x106: {  	[tilespmem:v2+s17+$0x0] =	vst.idx.add.f32.msk $0xffff, v1  }
0x107: {  	v2 =	vld [tilespmem:$0x520];
	_ =	sdelay $0x7  }
0x108: {  	[tilespmem:v2+s17+$0x0] =	vst.idx.add.f32.msk $0xffff, v1  }
0x109: {  	v2 =	vld [tilespmem:$0x530];
	_ =	sdelay $0x7  }
0x10a: {  	[tilespmem:v2+s17+$0x0] =	vst.idx.add.f32.msk $0xffff, v1  }
0x10b: {  	v2 =	vld [tilespmem:$0x540];
	_ =	sdelay $0x7  }
0x10c: {  	s5 =	simm.s32 @!p0 $0x4;
	[tilespmem:v2+s17+$0x0] =	vst.idx.add.f32.msk $0xffff, v1  }
0x10d: {  	_ =	swait.ge @!p0 [sflag:s5], $0x50  }
0x10e: {  	[sflag:s5] =	ssyncset.done @!p0 $0x0  }
0x10f: {  	[sflag:s5] =	ssyncadd.s32 @!p0 $0xFFFFFFB0  }
0x110: {  	_ =	swait.ge @!p0 [sflag:s5], $0x50  }
0x111: {  	[sflag:s5] =	ssyncset.done @!p0 $0x0  }
0x112: {  	[sflag:s5] =	ssyncadd.s32 @!p0 $0xFFFFFFB0;
	s5 =	simm.s32 @!p0 $0xA  }
0x113: {  	_ =	swait.ge @!p0 [sflag:s5], $0x2800  }
0x114: {  	[sflag:s5] =	ssyncset.done @!p0 $0x0  }
0x115: {  	[sflag:s5] =	ssyncadd.s32 @!p0 $0xFFFFD800;
	s5 =	simm.s32 @!p0 $0x600  }
0x116: {  	[tilespmem:s5], [sflag:$0x1] =	stream.indirect.gather @!p0 [hbm4b:s1+s4], $0x80, s21, s4, $0xb8;
	[tilespmem:$0x1E600] =	vst v63  }
0x117: {  	s23 =	simm.s32 @!p0 $0x180;
	s5 =	sadd.s32 @!p0 s3, s0  }
0x118: {  	[tilespmem:s23], [sflag:$0x7] =	stream.linear.gather @!p0 [hbm4b:s5+s21], $0x50, $0x38;
	[tilespmem:$0x1E600] =	vst v63  }
0x119: {  	s5 =	sadd.s32 @!p0 s3, s31;
	s23 =	simm.s32 @!p0 $0x480  }
0x11a: {  	[tilespmem:s23], [sflag:$0x7] =	stream.linear.gather @!p0 [hbm4b:s5+s21], $0x50, $0x38;
	[tilespmem:$0x1E600] =	vst v63  }
0x11b: {  	s5 =	simm.s32 @!p0 $0x3  }
0x11c: {  	_ =	swait.ge @!p0 [sflag:s5], $0x2800  }
0x11d: {  	[sflag:s5] =	ssyncset.done @!p0 $0x0  }
0x11e: {  	[sflag:s5] =	ssyncadd.s32 @!p0 $0xFFFFD800;
	s5 =	simm.s32 @!p0 $0x580  }
0x11f: {  	[spmem:s2] =	stream.indirect.scatter.add.f32 @!p0 [tilespmem:s6], [sflag:$0xC], $0x80, s5, s4, $0xb8;
	[tilespmem:$0x1E600] =	vst v63  }
0x120: {  	v2 =	vld @!p0 [tilespmem:$0x580];
	_ =	sdelay $0x6  }
0x121: {  	v3 =	vimm.f32 @!p0 $1.000000000e+00;
	s5 =	simm.s32 @!p0 $0x1BE00  }
0x122: {  	[tilespmem:v2+s5+$0x0] =	vst.idx.add.f32.msk @!p0 $0xffff, v3  }
0x123: {  	v2 =	vld @!p0 [tilespmem:$0x590];
	_ =	sdelay $0x7  }
0x124: {  	[tilespmem:v2+s5+$0x0] =	vst.idx.add.f32.msk @!p0 $0xffff, v3  }
0x125: {  	v2 =	vld @!p0 [tilespmem:$0x5A0];
	_ =	sdelay $0x7  }
0x126: {  	[tilespmem:v2+s5+$0x0] =	vst.idx.add.f32.msk @!p0 $0xffff, v3  }
0x127: {  	v2 =	vld @!p0 [tilespmem:$0x5B0];
	_ =	sdelay $0x7  }
0x128: {  	[tilespmem:v2+s5+$0x0] =	vst.idx.add.f32.msk @!p0 $0xffff, v3  }
0x129: {  	v2 =	vld @!p0 [tilespmem:$0x5C0];
	_ =	sdelay $0x7  }
0x12a: {  	[tilespmem:v2+s5+$0x0] =	vst.idx.add.f32.msk @!p0 $0xffff, v3;
	s5 =	simm.s32 @!p0 $0x5  }
0x12b: {  	_ =	swait.ge @!p0 [sflag:s5], $0x50  }
0x12c: {  	[sflag:s5] =	ssyncset.done @!p0 $0x0  }
0x12d: {  	[sflag:s5] =	ssyncadd.s32 @!p0 $0xFFFFFFB0  }
0x12e: {  	_ =	swait.ge @!p0 [sflag:s5], $0x50  }
0x12f: {  	[sflag:s5] =	ssyncset.done @!p0 $0x0  }
0x130: {  	[sflag:s5] =	ssyncadd.s32 @!p0 $0xFFFFFFB0;
	s5 =	simm.s32 @!p0 $0xB  }
0x131: {  	_ =	swait.ge @!p0 [sflag:s5], $0x2800  }
0x132: {  	[sflag:s5] =	ssyncset.done @!p0 $0x0  }
0x133: {  	[sflag:s5] =	ssyncadd.s32 @!p0 $0xFFFFD800;
	s5 =	simm.s32 @!p0 $0x2E00  }
0x134: {  	[tilespmem:s5], [sflag:$0x2] =	stream.indirect.gather @!p0 [hbm4b:s1+s4], $0x80, s22, s4, $0xb8;
	[tilespmem:$0x1E600] =	vst v63  }
0x135: {  	s4 =	sadd.s32 @!p0 s3, s30;
	s5 =	simm.s32 @!p0 $0x200  }
0x136: {  	[tilespmem:s5], [sflag:$0x8] =	stream.linear.gather @!p0 [hbm4b:s4+s21], $0x50, $0x38;
	[tilespmem:$0x1E600] =	vst v63  }
0x137: {  	s4 =	sadd.s32 @!p0 s3, s29;
	s5 =	simm.s32 @!p0 $0x500;
	s3 =	sadd.s32 $0x3C, s3  }
0x138: {  	[tilespmem:s5], [sflag:$0x8] =	stream.linear.gather @!p0 [hbm4b:s4+s21], $0x50, $0x38;
	[tilespmem:$0x1E600] =	vst v63  }
0x139: {  	p0 =	sne.s32 s3, $0x4EC  }
.Ltmp5:
0x13a: {  	_ = 	snop;
	(pc) =	sbr.rel @!p0 .LBB2_11-.Ltmp5, $2  }
0x13b: {  	_ =	sdelay $0x2  }
0x13c: {  	s18 =	sadd.s32 $0x1E0, s18  }
.LBB2_6:
0x13d: {  	_ =	swait.ge [sflag:s14], $0x2800  }
0x13e: {  	[sflag:s14] =	ssyncset.done $0x0  }
0x13f: {  	s4 =	simm.s32 $0x300;
	[sflag:s14] =	ssyncadd.s32 $0xFFFFD800  }
0x140: {  	[spmem:s2] =	stream.indirect.scatter.add.f32 [tilespmem:s7], [sflag:$0xA], $0x80, s4, s10, $0xb8;
	[tilespmem:$0x1E600] =	vst v63  }
0x141: {  	v2 =	vld [tilespmem:$0x300];
	_ =	sdelay $0x7  }
0x142: {  	[tilespmem:v2+s17+$0x0] =	vst.idx.add.f32.msk $0xffff, v1  }
0x143: {  	v2 =	vld [tilespmem:$0x310];
	_ =	sdelay $0x7  }
0x144: {  	[tilespmem:v2+s17+$0x0] =	vst.idx.add.f32.msk $0xffff, v1  }
0x145: {  	v2 =	vld [tilespmem:$0x320];
	_ =	sdelay $0x7  }
0x146: {  	[tilespmem:v2+s17+$0x0] =	vst.idx.add.f32.msk $0xffff, v1  }
0x147: {  	v2 =	vld [tilespmem:$0x330];
	_ =	sdelay $0x7  }
0x148: {  	[tilespmem:v2+s17+$0x0] =	vst.idx.add.f32.msk $0xffff, v1  }
0x149: {  	v2 =	vld [tilespmem:$0x340];
	_ =	sdelay $0x7  }
0x14a: {  	[tilespmem:v2+s17+$0x0] =	vst.idx.add.f32.msk $0xffff, v1  }
0x14b: {  	p0 =	sne.s32 s3, $0x0;
	_ =	swait.ge [sflag:s9], $0x50  }
.Ltmp6:
0x14c: {  	[sflag:s9] =	ssyncset.done $0x0;
	(pc) =	sbr.rel @!p0 .LBB2_7-.Ltmp6, $4  }
0x14d: {  	[sflag:s9] =	ssyncadd.s32 $0xFFFFFFB0  }
0x14e: {  	_ =	swait.ge [sflag:s9], $0x50  }
0x14f: {  	[sflag:s9] =	ssyncset.done $0x0  }
0x150: {  	[sflag:s9] =	ssyncadd.s32 $0xFFFFFFB0  }
0x151: {  	p1 =	seq.s32 s3, $0x4B0  }
.Ltmp7:
0x152: {  	_ = 	snop;
	(pc) =	sbr.rel @p1 .LBB2_10-.Ltmp7, $4  }
.Ltmp8:
0x153: {  	_ =	swait.ge [sflag:s25], $0x2800;
	(pc) =	sbr.rel @!p1 .LBB2_9-.Ltmp8, $4  }
0x154: {  	[sflag:s25] =	ssyncset.done $0x0  }
0x155: {  	s4 =	simm.s32 $0x100;
	p0 =	por $0x1, $0x1;
	[sflag:s25] =	ssyncadd.s32 $0xFFFFD800  }
0x156: {  	[tilespmem:s11], [sflag:$0x3] =	stream.indirect.gather [hbm4b:s1+s10], $0x80, s4, s10, $0xb8;
	[tilespmem:$0x1E600] =	vst v63  }
0x157: {  	_ = 	snop  }
.LBB2_12:
0x158: {  	_ =	sfence.sel $0x180000  }
0x159: {  	[bflag:$0x0] =	sbarrier.arrive $0xFFFF  }
0x15a: {  	_ =	strace $0x90000047  }
0x15b: {  	s0 =	stileid.u32;
	[bflag:$0x2] =	sbarrier.arrive $0xFFFF  }
0x15c: {  	p0 =	sne.s32 s0, $0x0;
	s0 =	rddreg [dreg:$0x3]  }
0x15d: {  	s0 =	sadd.s32 @!p0 $0x100000, s0  }
0x15e: {  	[sflag:s0] =	ssyncadd.tile.s32 @!p0 $0x1;
	_ =	shalt  }
.Lfunc_end2:
_tile_overlayer_lowered:
.L_overlay_start_2:
0x15f: {  	(tag) =	ssettag $0x2  }
0x160: {  	s0 =	rddreg [dreg:$0x0];
	s2 =	stileid.u32  }
0x161: {  	s1 =	rddreg [dreg:$0x1];
	p0 =	sne.s32 s2, $0x0  }
0x162: {  	s3 =	rddreg [dreg:$0x2];
	[bflag:$0x3] =	sbarrier.arrive $0xFFFF;
	s2 =	simm.s32 @!p0 $0x1C0D  }
0x163: {  	[timem:s3], [sflag:s2] =	dma.local @!p0 [hbm:s0], s1  }
0x164: {  	s0 =	simm.s32 @!p0 $0xD  }
0x165: {  	_ =	swait.ge @!p0 [sflag:s0], s1  }
0x166: {  	s1 =	ssub.s32 @!p0 $0x0, s1;
	[sflag:s0] =	ssyncset.done @!p0 $0x0  }
0x167: {  	[sflag:s0] =	ssyncadd.s32 @!p0 s1  }
0x168: {  	[bflag:$0x3] =	sbarrier.arrive $0xFFFF  }
0x169: {  	_ =	shalt  }

</sc_bundles>
